<compile_context>
chip_gen: v7x
topology: tpu7x:2x2x1
jax: 0.10.2.dev20260603
libtpu: 0.0.44.dev20260713+nightly
codegen_flags: <defaults>
</compile_context>

<pallas_src>
import functools

import jax
import jax.numpy as jnp
from jax import lax
from jax.experimental import pallas as pl
from jax.experimental.pallas import tpu as pltpu
from jax.experimental.pallas import tpu_sc as plsc

_NEG_SLOPE = 0.2
_EPS = 1e-5

_NC = 2
_NS = 16
_NW = _NC * _NS


def _lrelu(v):
    return jnp.where(v >= 0, v, _NEG_SLOPE * v)


def _proj_body(x_ref, w_ref, pt_ref, qt_ref):
    xb = x_ref[0]
    y = lax.dot_general(
        xb, w_ref[...], (((0,), (0,)), ((), ())),
        preferred_element_type=jnp.float32,
    )
    pt_ref[...] = y[:, :64]
    qt_ref[...] = y[:, 64:]


def _project(x, wcat):
    B, F, N = x.shape
    bn = B * N
    nb = 2048
    nblk = N // nb
    return pl.pallas_call(
        _proj_body,
        grid=(B, nblk),
        in_specs=[
            pl.BlockSpec((1, F, nb), lambda b, i: (b, 0, i)),
            pl.BlockSpec((F, 128), lambda b, i: (0, 0)),
        ],
        out_specs=[
            pl.BlockSpec((nb, 64), lambda b, i: (b * nblk + i, 0)),
            pl.BlockSpec((nb, 64), lambda b, i: (b * nblk + i, 0)),
        ],
        out_shape=[
            jax.ShapeDtypeStruct((bn, 64), jnp.float32),
            jax.ShapeDtypeStruct((bn, 64), jnp.float32),
        ],
    )(x, wcat)


def _sc_gather_stats(pt, idx_w, qt):
    nw, kk, rpw = idx_w.shape
    bn = pt.shape[0]
    ch = 128
    nch = rpw // ch
    kpn = kk // 2
    nsteps = nch * kpn
    mesh = plsc.VectorSubcoreMesh(core_axis_name="c", subcore_axis_name="s")

    @functools.partial(
        pl.kernel,
        mesh=mesh,
        out_type=(
            jax.ShapeDtypeStruct((kpn, bn // 2, 128), jnp.int32),
            jax.ShapeDtypeStruct((nw, 8, 16), jnp.float32),
        ),
        scratch_types=[
            pltpu.VMEM((kk, rpw), jnp.int32),
            pltpu.VMEM((ch, 64), jnp.float32),
            pltpu.VMEM((ch, 64), jnp.float32),
            pltpu.VMEM((ch, 64), jnp.float32),
            pltpu.VMEM((ch, 64), jnp.float32),
            pltpu.VMEM((ch, 64), jnp.float32),
            pltpu.VMEM((ch // 2, 128), jnp.int32),
            pltpu.VMEM((ch // 2, 128), jnp.int32),
            pltpu.VMEM((8, 16), jnp.float32),
            pltpu.SemaphoreType.DMA,
            pltpu.SemaphoreType.DMA,
            pltpu.SemaphoreType.DMA,
            pltpu.SemaphoreType.DMA,
        ],
        compiler_params=pltpu.CompilerParams(
            use_tc_tiling_on_sc=False, needs_layout_passes=False
        ),
    )
    def k(pt_hbm, idxw_hbm, q_hbm, g_hbm, st_hbm, idx_v, q_v, ga0, gb0,
          ga1, gb1, pb0, pb1, st_v, gs0, gs1, ws0, ws1):
        wid = lax.axis_index("c") * _NS + lax.axis_index("s")
        base = wid * rpw
        base2 = (wid * rpw) // 2
        pltpu.sync_copy(idxw_hbm.at[wid], idx_v)

        def start_pair(s, ga, gb, sem):
            c = s // kpn
            k0 = 2 * lax.rem(s, kpn)
            roff = c * ch
            pltpu.async_copy(pt_hbm.at[idx_v.at[k0, pl.ds(roff, ch)]], ga, sem)
            pltpu.async_copy(
                pt_hbm.at[idx_v.at[k0 + 1, pl.ds(roff, ch)]], gb, sem
            )

        def drain_pair(ga, gb, sem):
            pltpu.make_async_copy(pt_hbm.at[pl.ds(0, ch)], ga, sem).wait()
            pltpu.make_async_copy(pt_hbm.at[pl.ds(0, ch)], gb, sem).wait()

        def start_write(s, pb, sem):
            c = s // kpn
            kpi = lax.rem(s, kpn)
            pltpu.async_copy(
                pb, g_hbm.at[kpi, pl.ds(base2 + c * (ch // 2), ch // 2)], sem
            )

        def drain_write(pb, sem):
            pltpu.make_async_copy(pb, g_hbm.at[0, pl.ds(0, ch // 2)], sem).wait()

        def maybe_load_q(s):
            @pl.when(lax.rem(s, kpn) == 0)
            def _():
                n0 = base // 2 + (s // kpn) * (ch // 2)
                pltpu.sync_copy(
                    q_hbm.at[0, pl.ds(n0, ch // 2)], q_v.at[pl.ds(0, ch // 2)]
                )
                pltpu.sync_copy(
                    q_hbm.at[1, pl.ds(n0, ch // 2)],
                    q_v.at[pl.ds(ch // 2, ch // 2)],
                )

        half = jnp.full((16,), 0x8000, jnp.int32)
        himask = jnp.full((16,), -65536, jnp.int32)

        def process(ga, gb, pb, carry):
            def row2(r2, cy):
                acc = list(cy)
                for parity in range(2):
                    r = 2 * r2 + parity
                    for j in range(4):
                        qv = q_v[parity * (ch // 2) + r2, pl.ds(16 * j, 16)]
                        y0 = ga[r, pl.ds(16 * j, 16)] + qv
                        y1 = gb[r, pl.ds(16 * j, 16)] + qv
                        acc[j] = acc[j] + (y0 + y1)
                        acc[4 + j] = acc[4 + j] + (y0 * y0 + y1 * y1)
                        u0 = plsc.bitcast(y0, jnp.int32)
                        u1 = plsc.bitcast(y1, jnp.int32)
                        w = lax.shift_right_logical(u0 + half, 16) | (
                            (u1 + half) & himask
                        )
                        pb[r2, pl.ds(parity * 64 + 16 * j, 16)] = w
                return tuple(acc)

            return lax.fori_loop(0, ch // 2, row2, carry)

        start_pair(0, ga0, gb0, gs0)

        def pair(t, carry):
            s0 = 2 * t

            @pl.when(t > 0)
            def _():
                drain_write(pb1, ws1)

            start_pair(s0 + 1, ga1, gb1, gs1)
            drain_pair(ga0, gb0, gs0)
            maybe_load_q(s0)
            carry = process(ga0, gb0, pb0, carry)
            start_write(s0, pb0, ws0)
            drain_write(pb0, ws0)

            @pl.when(t + 1 < nsteps // 2)
            def _():
                start_pair(s0 + 2, ga0, gb0, gs0)

            drain_pair(ga1, gb1, gs1)
            maybe_load_q(s0 + 1)
            carry = process(ga1, gb1, pb1, carry)
            start_write(s0 + 1, pb1, ws1)
            return carry

        zero = jnp.zeros((16,), jnp.float32)
        carry = lax.fori_loop(0, nsteps // 2, pair, (zero,) * 8)
        for j in range(8):
            st_v[j] = carry[j]
        pltpu.sync_copy(st_v, st_hbm.at[wid])
        drain_write(pb1, ws1)

    return k(pt, idx_w, qt)


def _main_body(g_ref, w2bd_ref, prm_ref, m_ref, s2_ref, q2_ref, *, kpn):
    sc1 = prm_ref[0:1, :]
    tc1 = prm_ref[1:2, :]
    w2bd = w2bd_ref[...]
    rb = m_ref.shape[0]
    m = jnp.full((rb, 128), -jnp.inf, jnp.float32)
    ssum = jnp.zeros((rb, 128), jnp.float32)
    ssq = jnp.zeros((rb, 128), jnp.float32)
    himask = jnp.int32(-65536)
    for kp in range(kpn):
        w = g_ref[kp]
        ylo = lax.bitcast_convert_type(lax.shift_left(w, 16), jnp.float32)
        yhi = lax.bitcast_convert_type(w & himask, jnp.float32)
        for y in (ylo, yhi):
            a = _lrelu(y * sc1 + tc1)
            y2 = jnp.dot(a, w2bd, preferred_element_type=jnp.float32)
            m = jnp.maximum(m, y2)
            ssum = ssum + y2
            ssq = ssq + y2 * y2
    m_ref[...] = m
    s2_ref[...] = jnp.broadcast_to(
        jnp.sum(ssum, axis=0)[None, None, :], (1, 8, 128)
    )
    q2_ref[...] = jnp.broadcast_to(
        jnp.sum(ssq, axis=0)[None, None, :], (1, 8, 128)
    )


def _main(g32, w2bd, prm):
    kpn, bn2, _ = g32.shape
    rb = 256
    nb = bn2 // rb
    return pl.pallas_call(
        functools.partial(_main_body, kpn=kpn),
        grid=(nb,),
        in_specs=[
            pl.BlockSpec((kpn, rb, 128), lambda i: (0, i, 0)),
            pl.BlockSpec((128, 128), lambda i: (0, 0)),
            pl.BlockSpec((8, 128), lambda i: (0, 0)),
        ],
        out_specs=[
            pl.BlockSpec((rb, 128), lambda i: (i, 0)),
            pl.BlockSpec((1, 8, 128), lambda i: (i, 0, 0)),
            pl.BlockSpec((1, 8, 128), lambda i: (i, 0, 0)),
        ],
        out_shape=[
            jax.ShapeDtypeStruct((bn2, 128), jnp.float32),
            jax.ShapeDtypeStruct((nb, 8, 128), jnp.float32),
            jax.ShapeDtypeStruct((nb, 8, 128), jnp.float32),
        ],
    )(g32, w2bd, prm)


def _epi_body(m_ref, prm_ref, eye_ref, o_ref):
    o = _lrelu(m_ref[...] * prm_ref[0:1, :] + prm_ref[1:2, :])
    eye = eye_ref[...]
    cd = (((1,), (1,)), ((), ()))
    o_ref[0] = lax.dot_general(eye, o[:, :64], cd, preferred_element_type=jnp.float32)
    o_ref[1] = lax.dot_general(eye, o[:, 64:], cd, preferred_element_type=jnp.float32)


def _epilogue(m, prm2):
    n = m.shape[0]
    rb = 1024
    eye = jnp.eye(64, dtype=jnp.float32)
    return pl.pallas_call(
        _epi_body,
        grid=(n // rb,),
        in_specs=[
            pl.BlockSpec((rb, 128), lambda i: (i, 0)),
            pl.BlockSpec((8, 128), lambda i: (0, 0)),
            pl.BlockSpec((64, 64), lambda i: (0, 0)),
        ],
        out_specs=pl.BlockSpec((2, 64, rb), lambda i: (0, 0, i)),
        out_shape=jax.ShapeDtypeStruct((2, 64, n), jnp.float32),
    )(m, prm2, eye)


def _pack_prm(sc, tc):
    row0 = jnp.concatenate([sc, sc])[None, :]
    row1 = jnp.concatenate([tc, tc])[None, :]
    return jnp.concatenate([row0, row1, jnp.zeros((6, 128), jnp.float32)], axis=0)


@jax.jit
def _impl(x, idx, W1, g1, b1, W2, g2, b2):
    B, F, N = x.shape
    K = idx.shape[-1]
    bn = B * N
    cnt = jnp.float32(B * N * K)

    w1a = W1[:, :F]
    w1b = W1[:, F:]
    wcat = jnp.concatenate([w1a.T, (w1b - w1a).T], axis=1)

    idx32 = idx.astype(jnp.int32) + (jnp.arange(B, dtype=jnp.int32) * N)[:, None, None]
    idx_t = jnp.transpose(idx32, (2, 1, 0)).reshape(K, bn)
    rpw = bn // _NW
    idx_w = jnp.transpose(idx_t.reshape(K, _NW, rpw), (1, 0, 2))

    pt, qt = _project(x, wcat)
    g32, st = _sc_gather_stats(pt, idx_w, qt.reshape(B, N, 64))

    s1 = jnp.sum(st[:, 0:4, :].reshape(_NW, 64), axis=0)
    s2 = jnp.sum(st[:, 4:8, :].reshape(_NW, 64), axis=0)
    m1 = s1 / cnt
    v1 = s2 / cnt - m1 * m1
    sc1 = g1 / jnp.sqrt(v1 + _EPS)
    tc1 = b1 - m1 * sc1

    w2t = W2.T
    zero64 = jnp.zeros((64, 64), jnp.float32)
    w2bd = jnp.block([[w2t, zero64], [zero64, w2t]])
    m, s2_p, q2_p = _main(g32, w2bd, _pack_prm(sc1, tc1))
    s2sum = jnp.sum(s2_p[:, 0, :], axis=0)
    s2sq = jnp.sum(q2_p[:, 0, :], axis=0)
    m2 = (s2sum[:64] + s2sum[64:]) / cnt
    ey2sq = (s2sq[:64] + s2sq[64:]) / cnt
    v2 = ey2sq - m2 * m2
    sc2 = g2 / jnp.sqrt(v2 + _EPS)
    tc2 = b2 - m2 * sc2

    return _epilogue(m, _pack_prm(sc2, tc2))


def kernel(x, fixed_knn_graph, W1, g1, b1, W2, g2, b2):
    return _impl(x, fixed_knn_graph, W1, g1, b1, W2, g2, b2)

# --- scband reference (transcript-rebuilt; emitter-appended) ---
"""Pipeline reference for scband-edge-conv-16655883174087 (READ-ONLY COPY).

The authoritative reference and input builder live on the scoring server;
editing this copy changes nothing except your own understanding.
"""

import jax, jax.numpy as jnp
import numpy as np


def _conv_bn_lrelu(h, W, gamma, beta, negative_slope=0.2, eps=1e-5):
    # 1x1 Conv2d (bias=False): W has shape (out_ch, in_ch)
    h = jnp.einsum('oc,bcnk->bonk', W, h)
    # BatchNorm2d (training-mode batch statistics, as torch default train forward)
    mean = h.mean(axis=(0, 2, 3), keepdims=True)
    var = h.var(axis=(0, 2, 3), keepdims=True)
    h = (h - mean) / jnp.sqrt(var + eps)
    h = h * gamma[None, :, None, None] + beta[None, :, None, None]
    # LeakyReLU(0.2)
    return jnp.where(h >= 0, h, negative_slope * h)


def setup_inputs(seed: int = 0) -> dict:
    key = jax.random.key(seed)
    k1, k2, k3, k4 = jax.random.split(key, 4)
    B, F, N, K = 2, 64, 16384, 20
    x = jax.random.normal(k1, (B, F, N), dtype=jnp.float32)
    fixed_knn_graph = jax.random.randint(k2, (B, N, K), 0, N, dtype=jnp.int64)
    # EdgeConv params: features = [2*F, 64, 64]
    W1 = jax.random.normal(k3, (64, 2 * F), dtype=jnp.float32) * 0.05
    g1 = jnp.ones((64,), dtype=jnp.float32)
    b1 = jnp.zeros((64,), dtype=jnp.float32)
    W2 = jax.random.normal(k4, (64, 64), dtype=jnp.float32) * 0.05
    g2 = jnp.ones((64,), dtype=jnp.float32)
    b2 = jnp.zeros((64,), dtype=jnp.float32)
    return {"x": x, "fixed_knn_graph": fixed_knn_graph, "W1": W1, "g1": g1, "b1": b1, "W2": W2, "g2": g2, "b2": b2}


def reference(x, fixed_knn_graph, W1, g1, b1, W2, g2, b2):
    B, F, N = x.shape
    K = fixed_knn_graph.shape[-1]
    # create_neighbor_features with fixed graph
    idx = fixed_knn_graph.reshape(B, -1)  # (B, N*K)
    neighbor = jnp.take_along_axis(x, idx[:, None, :], axis=-1).reshape(B, F, N, K)
    x_rep = jnp.repeat(x[..., None], K, axis=-1)  # (B, F, N, K)
    h = jnp.concatenate([neighbor - x_rep, x_rep], axis=1)  # (B, 2F, N, K)
    h = _conv_bn_lrelu(h, W1, g1, b1)
    h = _conv_bn_lrelu(h, W2, g2, b2)
    return jnp.max(h, axis=-1)  # (B, 64, N)

if __name__ == "__main__":
    import jax
    _d = setup_inputs()
    print(jax.jit(kernel)(*tuple(_d.values())))

</pallas_src>

<mosaic_0001>
#map = affine_map<(d0, d1) -> (0, 0)>
#map1 = affine_map<(d0, d1) -> (0, 0, 0)>
module attributes {stable_mosaic.version = 14 : i64} {
  func.func @k(%arg0: i32, %arg1: i32, %arg2: memref<32768x64xf32, #tpu.memory_space<hbm>>, %arg3: memref<32x20x1024xi32, #tpu.memory_space<hbm>>, %arg4: memref<2x16384x64xf32, #tpu.memory_space<hbm>>, %arg5: memref<10x16384x128xi32, #tpu.memory_space<hbm>>, %arg6: memref<32x8x16xf32, #tpu.memory_space<hbm>>, %arg7: memref<20x1024xi32, #tpu.memory_space<vmem>>, %arg8: memref<128x64xf32, #tpu.memory_space<vmem>>, %arg9: memref<128x64xf32, #tpu.memory_space<vmem>>, %arg10: memref<128x64xf32, #tpu.memory_space<vmem>>, %arg11: memref<128x64xf32, #tpu.memory_space<vmem>>, %arg12: memref<128x64xf32, #tpu.memory_space<vmem>>, %arg13: memref<64x128xi32, #tpu.memory_space<vmem>>, %arg14: memref<64x128xi32, #tpu.memory_space<vmem>>, %arg15: memref<8x16xf32, #tpu.memory_space<vmem>>, %arg16: memref<!tpu.dma_semaphore, #tpu.memory_space<semaphore_mem>>, %arg17: memref<!tpu.dma_semaphore, #tpu.memory_space<semaphore_mem>>, %arg18: memref<!tpu.dma_semaphore, #tpu.memory_space<semaphore_mem>>, %arg19: memref<!tpu.dma_semaphore, #tpu.memory_space<semaphore_mem>>) attributes {dimension_semantics = [#tpu.dimension_semantics<core_parallel>, #tpu.dimension_semantics<subcore_parallel>], iteration_bounds = array<i64: 2, 16>, scalar_prefetch = 0 : i64, scratch_operands = 13 : i64, tpu.core_type = #tpu.core_type<sc_vector_subcore>, window_params = [{transform_indices = #map}, {transform_indices = #map1}, {transform_indices = #map1}, {transform_indices = #map1}, {transform_indices = #map1}]} {
    %mul3A = arith.constant 16 : i32
    %mul3A_0 = arith.muli %arg0, %mul3A : i32
    %add3A = arith.addi %mul3A_0, %arg1 : i32
    %mul3A_1 = arith.constant 1024 : i32
    %mul3A_2 = arith.muli %add3A, %mul3A_1 : i32
    %mul3A_3 = arith.constant 1024 : i32
    %mul3A_4 = arith.muli %add3A, %mul3A_3 : i32
    %jit3A = arith.constant 2 : i32
    %div3A = arith.divsi %mul3A_4, %jit3A : i32
    %sign3A = arith.constant 0 : i32
    %sign3A_5 = arith.cmpi sgt, %mul3A_4, %sign3A : i32
    %sign3A_6 = arith.extui %sign3A_5 : i1 to i32
    %sign3A_7 = arith.constant 0 : i32
    %sign3A_8 = arith.cmpi slt, %mul3A_4, %sign3A_7 : i32
    %sign3A_9 = arith.extui %sign3A_8 : i1 to i32
    %sign3A_10 = arith.subi %sign3A_6, %sign3A_9 : i32
    %sign3A_11 = arith.constant 0 : i32
    %sign3A_12 = arith.cmpi sgt, %jit3A, %sign3A_11 : i32
    %sign3A_13 = arith.extui %sign3A_12 : i1 to i32
    %sign3A_14 = arith.constant 0 : i32
    %sign3A_15 = arith.cmpi slt, %jit3A, %sign3A_14 : i32
    %sign3A_16 = arith.extui %sign3A_15 : i1 to i32
    %sign3A_17 = arith.subi %sign3A_13, %sign3A_16 : i32
    %ne3A = arith.cmpi ne, %sign3A_10, %sign3A_17 : i32
    %rem3A = arith.remsi %mul3A_4, %jit3A : i32
    %ne3A_18 = arith.constant 0 : i32
    %ne3A_19 = arith.cmpi ne, %rem3A, %ne3A_18 : i32
    %and3A = arith.andi %ne3A, %ne3A_19 : i1
    %sub3A = arith.constant 1 : i32
    %sub3A_20 = arith.subi %div3A, %sub3A : i32
    %select_n3A = arith.select %and3A, %sub3A_20, %div3A : i32
    "tpu.region"() ({
      %run_scoped3A = tpu.sem_alloc : memref<!tpu.dma_semaphore, #tpu.memory_space<semaphore_mem>>
      %dma_start3A_88 = arith.constant 0 : i32
      %dma_start3A_89 = arith.constant 0 : i32
      %dma_start3A_90 = tpu.memref_slice %arg3[%add3A, %dma_start3A_88, %dma_start3A_89] : memref<32x20x1024xi32, #tpu.memory_space<hbm>> -> memref<1x20x1024xi32, #tpu.memory_space<hbm>>
      %dma_start3A_91 = tpu.memref_squeeze %dma_start3A_90 : memref<1x20x1024xi32, #tpu.memory_space<hbm>> -> memref<20x1024xi32, #tpu.memory_space<hbm>>
      %dma_start3A_92 = arith.constant 0 : i32
      %dma_start3A_93 = arith.constant 0 : i32
      %dma_start3A_94 = tpu.memref_slice %arg3[%add3A, %dma_start3A_92, %dma_start3A_93] : memref<32x20x1024xi32, #tpu.memory_space<hbm>> -> memref<1x20x1024xi32, #tpu.memory_space<hbm>>
      %dma_start3A_95 = tpu.memref_squeeze %dma_start3A_94 : memref<1x20x1024xi32, #tpu.memory_space<hbm>> -> memref<20x1024xi32, #tpu.memory_space<hbm>>
      tpu.enqueue_dma source(%dma_start3A_95 : memref<20x1024xi32, #tpu.memory_space<hbm>>) target(%arg7 : memref<20x1024xi32, #tpu.memory_space<vmem>>) target_semaphore(%run_scoped3A : memref<!tpu.dma_semaphore, #tpu.memory_space<semaphore_mem>>)
      %dma_wait3A_96 = arith.constant 0 : i32
      %dma_wait3A_97 = arith.constant 0 : i32
      %dma_wait3A_98 = tpu.memref_slice %arg3[%add3A, %dma_wait3A_96, %dma_wait3A_97] : memref<32x20x1024xi32, #tpu.memory_space<hbm>> -> memref<1x20x1024xi32, #tpu.memory_space<hbm>>
      %dma_wait3A_99 = tpu.memref_squeeze %dma_wait3A_98 : memref<1x20x1024xi32, #tpu.memory_space<hbm>> -> memref<20x1024xi32, #tpu.memory_space<hbm>>
      %dma_wait3A_100 = arith.constant 0 : i32
      %dma_wait3A_101 = arith.constant 0 : i32
      %dma_wait3A_102 = tpu.memref_slice %arg3[%add3A, %dma_wait3A_100, %dma_wait3A_101] : memref<32x20x1024xi32, #tpu.memory_space<hbm>> -> memref<1x20x1024xi32, #tpu.memory_space<hbm>>
      %dma_wait3A_103 = tpu.memref_squeeze %dma_wait3A_102 : memref<1x20x1024xi32, #tpu.memory_space<hbm>> -> memref<20x1024xi32, #tpu.memory_space<hbm>>
      tpu.wait_dma2 semaphore(%run_scoped3A : memref<!tpu.dma_semaphore, #tpu.memory_space<semaphore_mem>>) src(%dma_wait3A_103 : memref<20x1024xi32, #tpu.memory_space<hbm>>) dst(%arg7 : memref<20x1024xi32, #tpu.memory_space<vmem>>)
      tpu.yield
    }) : () -> ()
    %broadcast_in_dim3A = arith.constant 32768 : i32
    %broadcast_in_dim3A_21 = vector.broadcast %broadcast_in_dim3A : i32 to vector<16xi32>
    %broadcast_in_dim3A_22 = arith.constant -65536 : i32
    %broadcast_in_dim3A_23 = vector.broadcast %broadcast_in_dim3A_22 : i32 to vector<16xi32>
    %rem3A_24 = arith.constant 0 : i32
    %rem3A_25 = arith.constant 10 : i32
    %rem3A_26 = arith.remsi %rem3A_24, %rem3A_25 : i32
    %mul3A_27 = arith.constant 2 : i32
    %mul3A_28 = arith.muli %mul3A_27, %rem3A_26 : i32
    %dma_start3A = arith.constant 0 : i32
    %dma_start3A_29 = tpu.memref_slice %arg7[%mul3A_28, %dma_start3A] : memref<20x1024xi32, #tpu.memory_space<vmem>> -> memref<1x128xi32, #tpu.memory_space<vmem>>
    %dma_start3A_30 = tpu.memref_squeeze %dma_start3A_29 : memref<1x128xi32, #tpu.memory_space<vmem>> -> memref<128xi32, #tpu.memory_space<vmem>>
    %dma_start3A_31 = arith.constant 0 : i32
    %dma_start3A_32 = arith.constant 0 : i32
    %dma_start3A_33 = tpu.memref_slice %arg2[%dma_start3A_31, %dma_start3A_32] : memref<32768x64xf32, #tpu.memory_space<hbm>> -> memref<32768x64xf32, #tpu.memory_space<hbm>>
    tpu.enqueue_indirect_dma source(%dma_start3A_33 : memref<32768x64xf32, #tpu.memory_space<hbm>>) target(%arg9 : memref<128x64xf32, #tpu.memory_space<vmem>>) offsets(%dma_start3A_30 : memref<128xi32, #tpu.memory_space<vmem>>) semaphore(%arg16 : memref<!tpu.dma_semaphore, #tpu.memory_space<semaphore_mem>>)
    %add3A_34 = arith.constant 1 : i32
    %add3A_35 = arith.addi %mul3A_28, %add3A_34 : i32
    %dma_start3A_36 = arith.constant 0 : i32
    %dma_start3A_37 = tpu.memref_slice %arg7[%add3A_35, %dma_start3A_36] : memref<20x1024xi32, #tpu.memory_space<vmem>> -> memref<1x128xi32, #tpu.memory_space<vmem>>
    %dma_start3A_38 = tpu.memref_squeeze %dma_start3A_37 : memref<1x128xi32, #tpu.memory_space<vmem>> -> memref<128xi32, #tpu.memory_space<vmem>>
    %dma_start3A_39 = arith.constant 0 : i32
    %dma_start3A_40 = arith.constant 0 : i32
    %dma_start3A_41 = tpu.memref_slice %arg2[%dma_start3A_39, %dma_start3A_40] : memref<32768x64xf32, #tpu.memory_space<hbm>> -> memref<32768x64xf32, #tpu.memory_space<hbm>>
    tpu.enqueue_indirect_dma source(%dma_start3A_41 : memref<32768x64xf32, #tpu.memory_space<hbm>>) target(%arg10 : memref<128x64xf32, #tpu.memory_space<vmem>>) offsets(%dma_start3A_38 : memref<128xi32, #tpu.memory_space<vmem>>) semaphore(%arg16 : memref<!tpu.dma_semaphore, #tpu.memory_space<semaphore_mem>>)
    %broadcast_in_dim3A_42 = arith.constant 0.000000e+00 : f32
    %broadcast_in_dim3A_43 = vector.broadcast %broadcast_in_dim3A_42 : f32 to vector<16xf32>
    %scan3A = arith.constant 0 : i32
    %scan3A_44 = arith.constant 40 : i32
    %scan3A_45 = arith.addi %scan3A, %scan3A_44 : i32
    %scan3A_46 = arith.constant 1 : i32
    %scan3A_47:8 = scf.for %scan3A_88 = %scan3A to %scan3A_45 step %scan3A_46 iter_args(%scan3A_89 = %broadcast_in_dim3A_43, %scan3A_90 = %broadcast_in_dim3A_43, %scan3A_91 = %broadcast_in_dim3A_43, %scan3A_92 = %broadcast_in_dim3A_43, %scan3A_93 = %broadcast_in_dim3A_43, %scan3A_94 = %broadcast_in_dim3A_43, %scan3A_95 = %broadcast_in_dim3A_43, %scan3A_96 = %broadcast_in_dim3A_43) -> (vector<16xf32>, vector<16xf32>, vector<16xf32>, vector<16xf32>, vector<16xf32>, vector<16xf32>, vector<16xf32>, vector<16xf32>)  : i32 {
      %mul3A_97 = arith.constant 2 : i32
      %mul3A_98 = arith.muli %mul3A_97, %scan3A_88 : i32
      %gt3A = arith.constant 0 : i32
      %gt3A_99 = arith.cmpi sgt, %scan3A_88, %gt3A : i32
      %convert_element_type3A = arith.extui %gt3A_99 : i1 to i32
      %cond3A = arith.constant 0 : i32
      %cond3A_100 = arith.cmpi ne, %convert_element_type3A, %cond3A : i32
      scf.if %cond3A_100 {
        %dma_wait3A_283 = arith.constant 0 : i32
        %dma_wait3A_284 = arith.constant 0 : i32
        %dma_wait3A_285 = arith.constant 0 : i32
        %dma_wait3A_286 = tpu.memref_slice %arg5[%dma_wait3A_283, %dma_wait3A_284, %dma_wait3A_285] : memref<10x16384x128xi32, #tpu.memory_space<hbm>> -> memref<1x64x128xi32, #tpu.memory_space<hbm>>
        %dma_wait3A_287 = tpu.memref_squeeze %dma_wait3A_286 : memref<1x64x128xi32, #tpu.memory_space<hbm>> -> memref<64x128xi32, #tpu.memory_space<hbm>>
        %dma_wait3A_288 = arith.constant 0 : i32
        %dma_wait3A_289 = arith.constant 0 : i32
        %dma_wait3A_290 = tpu.memref_slice %arg5[%dma_wait3A_283, %dma_wait3A_288, %dma_wait3A_289] : memref<10x16384x128xi32, #tpu.memory_space<hbm>> -> memref<1x64x128xi32, #tpu.memory_space<hbm>>
        %dma_wait3A_291 = tpu.memref_squeeze %dma_wait3A_290 : memref<1x64x128xi32, #tpu.memory_space<hbm>> -> memref<64x128xi32, #tpu.memory_space<hbm>>
        tpu.wait_dma2 semaphore(%arg19 : memref<!tpu.dma_semaphore, #tpu.memory_space<semaphore_mem>>) src(%arg14 : memref<64x128xi32, #tpu.memory_space<vmem>>) dst(%dma_wait3A_291 : memref<64x128xi32, #tpu.memory_space<hbm>>)
      } else {
      }
      %add3A_101 = arith.constant 1 : i32
      %add3A_102 = arith.addi %mul3A_98, %add3A_101 : i32
      %jit3A_103 = arith.constant 10 : i32
      %div3A_104 = arith.divsi %add3A_102, %jit3A_103 : i32
      %sign3A_105 = arith.constant 0 : i32
      %sign3A_106 = arith.cmpi sgt, %add3A_102, %sign3A_105 : i32
      %sign3A_107 = arith.extui %sign3A_106 : i1 to i32
      %sign3A_108 = arith.constant 0 : i32
      %sign3A_109 = arith.cmpi slt, %add3A_102, %sign3A_108 : i32
      %sign3A_110 = arith.extui %sign3A_109 : i1 to i32
      %sign3A_111 = arith.subi %sign3A_107, %sign3A_110 : i32
      %sign3A_112 = arith.constant 0 : i32
      %sign3A_113 = arith.cmpi sgt, %jit3A_103, %sign3A_112 : i32
      %sign3A_114 = arith.extui %sign3A_113 : i1 to i32
      %sign3A_115 = arith.constant 0 : i32
      %sign3A_116 = arith.cmpi slt, %jit3A_103, %sign3A_115 : i32
      %sign3A_117 = arith.extui %sign3A_116 : i1 to i32
      %sign3A_118 = arith.subi %sign3A_114, %sign3A_117 : i32
      %ne3A_119 = arith.cmpi ne, %sign3A_111, %sign3A_118 : i32
      %rem3A_120 = arith.remsi %add3A_102, %jit3A_103 : i32
      %ne3A_121 = arith.constant 0 : i32
      %ne3A_122 = arith.cmpi ne, %rem3A_120, %ne3A_121 : i32
      %and3A_123 = arith.andi %ne3A_119, %ne3A_122 : i1
      %sub3A_124 = arith.constant 1 : i32
      %sub3A_125 = arith.subi %div3A_104, %sub3A_124 : i32
      %select_n3A_126 = arith.select %and3A_123, %sub3A_125, %div3A_104 : i32
      %rem3A_127 = arith.constant 10 : i32
      %rem3A_128 = arith.remsi %add3A_102, %rem3A_127 : i32
      %mul3A_129 = arith.constant 2 : i32
      %mul3A_130 = arith.muli %mul3A_129, %rem3A_128 : i32
      %mul3A_131 = arith.constant 128 : i32
      %mul3A_132 = arith.muli %select_n3A_126, %mul3A_131 : i32
      %dma_start3A_133 = tpu.memref_slice %arg7[%mul3A_130, %mul3A_132] : memref<20x1024xi32, #tpu.memory_space<vmem>> -> memref<1x128xi32, #tpu.memory_space<vmem>>
      %dma_start3A_134 = tpu.memref_squeeze %dma_start3A_133 : memref<1x128xi32, #tpu.memory_space<vmem>> -> memref<128xi32, #tpu.memory_space<vmem>>
      %dma_start3A_135 = arith.constant 0 : i32
      %dma_start3A_136 = arith.constant 0 : i32
      %dma_start3A_137 = tpu.memref_slice %arg2[%dma_start3A_135, %dma_start3A_136] : memref<32768x64xf32, #tpu.memory_space<hbm>> -> memref<32768x64xf32, #tpu.memory_space<hbm>>
      tpu.enqueue_indirect_dma source(%dma_start3A_137 : memref<32768x64xf32, #tpu.memory_space<hbm>>) target(%arg11 : memref<128x64xf32, #tpu.memory_space<vmem>>) offsets(%dma_start3A_134 : memref<128xi32, #tpu.memory_space<vmem>>) semaphore(%arg17 : memref<!tpu.dma_semaphore, #tpu.memory_space<semaphore_mem>>)
      %add3A_138 = arith.constant 1 : i32
      %add3A_139 = arith.addi %mul3A_130, %add3A_138 : i32
      %dma_start3A_140 = tpu.memref_slice %arg7[%add3A_139, %mul3A_132] : memref<20x1024xi32, #tpu.memory_space<vmem>> -> memref<1x128xi32, #tpu.memory_space<vmem>>
      %dma_start3A_141 = tpu.memref_squeeze %dma_start3A_140 : memref<1x128xi32, #tpu.memory_space<vmem>> -> memref<128xi32, #tpu.memory_space<vmem>>
      %dma_start3A_142 = arith.constant 0 : i32
      %dma_start3A_143 = arith.constant 0 : i32
      %dma_start3A_144 = tpu.memref_slice %arg2[%dma_start3A_142, %dma_start3A_143] : memref<32768x64xf32, #tpu.memory_space<hbm>> -> memref<32768x64xf32, #tpu.memory_space<hbm>>
      tpu.enqueue_indirect_dma source(%dma_start3A_144 : memref<32768x64xf32, #tpu.memory_space<hbm>>) target(%arg12 : memref<128x64xf32, #tpu.memory_space<vmem>>) offsets(%dma_start3A_141 : memref<128xi32, #tpu.memory_space<vmem>>) semaphore(%arg17 : memref<!tpu.dma_semaphore, #tpu.memory_space<semaphore_mem>>)
      %dma_wait3A_145 = arith.constant 0 : i32
      %dma_wait3A_146 = arith.constant 0 : i32
      %dma_wait3A_147 = tpu.memref_slice %arg2[%dma_wait3A_145, %dma_wait3A_146] : memref<32768x64xf32, #tpu.memory_space<hbm>> -> memref<128x64xf32, #tpu.memory_space<hbm>>
      %dma_wait3A_148 = arith.constant 0 : i32
      %dma_wait3A_149 = arith.constant 0 : i32
      %dma_wait3A_150 = tpu.memref_slice %arg2[%dma_wait3A_148, %dma_wait3A_149] : memref<32768x64xf32, #tpu.memory_space<hbm>> -> memref<128x64xf32, #tpu.memory_space<hbm>>
      tpu.wait_dma2 semaphore(%arg16 : memref<!tpu.dma_semaphore, #tpu.memory_space<semaphore_mem>>) src(%dma_wait3A_150 : memref<128x64xf32, #tpu.memory_space<hbm>>) dst(%arg9 : memref<128x64xf32, #tpu.memory_space<vmem>>)
      %dma_wait3A_151 = arith.constant 0 : i32
      %dma_wait3A_152 = arith.constant 0 : i32
      %dma_wait3A_153 = tpu.memref_slice %arg2[%dma_wait3A_151, %dma_wait3A_152] : memref<32768x64xf32, #tpu.memory_space<hbm>> -> memref<128x64xf32, #tpu.memory_space<hbm>>
      %dma_wait3A_154 = arith.constant 0 : i32
      %dma_wait3A_155 = arith.constant 0 : i32
      %dma_wait3A_156 = tpu.memref_slice %arg2[%dma_wait3A_154, %dma_wait3A_155] : memref<32768x64xf32, #tpu.memory_space<hbm>> -> memref<128x64xf32, #tpu.memory_space<hbm>>
      tpu.wait_dma2 semaphore(%arg16 : memref<!tpu.dma_semaphore, #tpu.memory_space<semaphore_mem>>) src(%dma_wait3A_156 : memref<128x64xf32, #tpu.memory_space<hbm>>) dst(%arg10 : memref<128x64xf32, #tpu.memory_space<vmem>>)
      %rem3A_157 = arith.constant 10 : i32
      %rem3A_158 = arith.remsi %mul3A_98, %rem3A_157 : i32
      %eq3A = arith.constant 0 : i32
      %eq3A_159 = arith.cmpi eq, %rem3A_158, %eq3A : i32
      %convert_element_type3A_160 = arith.extui %eq3A_159 : i1 to i32
      %cond3A_161 = arith.constant 0 : i32
      %cond3A_162 = arith.cmpi ne, %convert_element_type3A_160, %cond3A_161 : i32
      scf.if %cond3A_162 {
        %jit3A_283 = arith.constant 2 : i32
        %div3A_284 = arith.divsi %mul3A_2, %jit3A_283 : i32
        %sign3A_285 = arith.constant 0 : i32
        %sign3A_286 = arith.cmpi sgt, %mul3A_2, %sign3A_285 : i32
        %sign3A_287 = arith.extui %sign3A_286 : i1 to i32
        %sign3A_288 = arith.constant 0 : i32
        %sign3A_289 = arith.cmpi slt, %mul3A_2, %sign3A_288 : i32
        %sign3A_290 = arith.extui %sign3A_289 : i1 to i32
        %sign3A_291 = arith.subi %sign3A_287, %sign3A_290 : i32
        %sign3A_292 = arith.constant 0 : i32
        %sign3A_293 = arith.cmpi sgt, %jit3A_283, %sign3A_292 : i32
        %sign3A_294 = arith.extui %sign3A_293 : i1 to i32
        %sign3A_295 = arith.constant 0 : i32
        %sign3A_296 = arith.cmpi slt, %jit3A_283, %sign3A_295 : i32
        %sign3A_297 = arith.extui %sign3A_296 : i1 to i32
        %sign3A_298 = arith.subi %sign3A_294, %sign3A_297 : i32
        %ne3A_299 = arith.cmpi ne, %sign3A_291, %sign3A_298 : i32
        %rem3A_300 = arith.remsi %mul3A_2, %jit3A_283 : i32
        %ne3A_301 = arith.constant 0 : i32
        %ne3A_302 = arith.cmpi ne, %rem3A_300, %ne3A_301 : i32
        %and3A_303 = arith.andi %ne3A_299, %ne3A_302 : i1
        %sub3A_304 = arith.constant 1 : i32
        %sub3A_305 = arith.subi %div3A_284, %sub3A_304 : i32
        %select_n3A_306 = arith.select %and3A_303, %sub3A_305, %div3A_284 : i32
        %jit3A_307 = arith.constant 10 : i32
        %div3A_308 = arith.divsi %mul3A_98, %jit3A_307 : i32
        %sign3A_309 = arith.constant 0 : i32
        %sign3A_310 = arith.cmpi sgt, %mul3A_98, %sign3A_309 : i32
        %sign3A_311 = arith.extui %sign3A_310 : i1 to i32
        %sign3A_312 = arith.constant 0 : i32
        %sign3A_313 = arith.cmpi slt, %mul3A_98, %sign3A_312 : i32
        %sign3A_314 = arith.extui %sign3A_313 : i1 to i32
        %sign3A_315 = arith.subi %sign3A_311, %sign3A_314 : i32
        %sign3A_316 = arith.constant 0 : i32
        %sign3A_317 = arith.cmpi sgt, %jit3A_307, %sign3A_316 : i32
        %sign3A_318 = arith.extui %sign3A_317 : i1 to i32
        %sign3A_319 = arith.constant 0 : i32
        %sign3A_320 = arith.cmpi slt, %jit3A_307, %sign3A_319 : i32
        %sign3A_321 = arith.extui %sign3A_320 : i1 to i32
        %sign3A_322 = arith.subi %sign3A_318, %sign3A_321 : i32
        %ne3A_323 = arith.cmpi ne, %sign3A_315, %sign3A_322 : i32
        %rem3A_324 = arith.remsi %mul3A_98, %jit3A_307 : i32
        %ne3A_325 = arith.constant 0 : i32
        %ne3A_326 = arith.cmpi ne, %rem3A_324, %ne3A_325 : i32
        %and3A_327 = arith.andi %ne3A_323, %ne3A_326 : i1
        %sub3A_328 = arith.constant 1 : i32
        %sub3A_329 = arith.subi %div3A_308, %sub3A_328 : i32
        %select_n3A_330 = arith.select %and3A_327, %sub3A_329, %div3A_308 : i32
        %mul3A_331 = arith.constant 64 : i32
        %mul3A_332 = arith.muli %select_n3A_330, %mul3A_331 : i32
        %add3A_333 = arith.addi %select_n3A_306, %mul3A_332 : i32
        %run_scoped3A = arith.constant 0 : i32
        "tpu.region"() ({
          %run_scoped3A_335 = tpu.sem_alloc : memref<!tpu.dma_semaphore, #tpu.memory_space<semaphore_mem>>
          %dma_start3A_336 = arith.constant 0 : i32
          %dma_start3A_337 = arith.constant 0 : i32
          %dma_start3A_338 = tpu.memref_slice %arg8[%dma_start3A_336, %dma_start3A_337] : memref<128x64xf32, #tpu.memory_space<vmem>> -> memref<64x64xf32, #tpu.memory_space<vmem>>
          %dma_start3A_339 = arith.constant 0 : i32
          %dma_start3A_340 = tpu.memref_slice %arg4[%run_scoped3A, %add3A_333, %dma_start3A_339] : memref<2x16384x64xf32, #tpu.memory_space<hbm>> -> memref<1x64x64xf32, #tpu.memory_space<hbm>>
          %dma_start3A_341 = tpu.memref_squeeze %dma_start3A_340 : memref<1x64x64xf32, #tpu.memory_space<hbm>> -> memref<64x64xf32, #tpu.memory_space<hbm>>
          %dma_start3A_342 = arith.constant 0 : i32
          %dma_start3A_343 = arith.constant 0 : i32
          %dma_start3A_344 = tpu.memref_slice %arg8[%dma_start3A_342, %dma_start3A_343] : memref<128x64xf32, #tpu.memory_space<vmem>> -> memref<64x64xf32, #tpu.memory_space<vmem>>
          %dma_start3A_345 = arith.constant 0 : i32
          %dma_start3A_346 = tpu.memref_slice %arg4[%run_scoped3A, %add3A_333, %dma_start3A_345] : memref<2x16384x64xf32, #tpu.memory_space<hbm>> -> memref<1x64x64xf32, #tpu.memory_space<hbm>>
          %dma_start3A_347 = tpu.memref_squeeze %dma_start3A_346 : memref<1x64x64xf32, #tpu.memory_space<hbm>> -> memref<64x64xf32, #tpu.memory_space<hbm>>
          tpu.enqueue_dma source(%dma_start3A_347 : memref<64x64xf32, #tpu.memory_space<hbm>>) target(%dma_start3A_344 : memref<64x64xf32, #tpu.memory_space<vmem>>) target_semaphore(%run_scoped3A_335 : memref<!tpu.dma_semaphore, #tpu.memory_space<semaphore_mem>>)
          %dma_wait3A_348 = arith.constant 0 : i32
          %dma_wait3A_349 = arith.constant 0 : i32
          %dma_wait3A_350 = tpu.memref_slice %arg8[%dma_wait3A_348, %dma_wait3A_349] : memref<128x64xf32, #tpu.memory_space<vmem>> -> memref<64x64xf32, #tpu.memory_space<vmem>>
          %dma_wait3A_351 = arith.constant 0 : i32
          %dma_wait3A_352 = tpu.memref_slice %arg4[%run_scoped3A, %add3A_333, %dma_wait3A_351] : memref<2x16384x64xf32, #tpu.memory_space<hbm>> -> memref<1x64x64xf32, #tpu.memory_space<hbm>>
          %dma_wait3A_353 = tpu.memref_squeeze %dma_wait3A_352 : memref<1x64x64xf32, #tpu.memory_space<hbm>> -> memref<64x64xf32, #tpu.memory_space<hbm>>
          %dma_wait3A_354 = arith.constant 0 : i32
          %dma_wait3A_355 = arith.constant 0 : i32
          %dma_wait3A_356 = tpu.memref_slice %arg8[%dma_wait3A_354, %dma_wait3A_355] : memref<128x64xf32, #tpu.memory_space<vmem>> -> memref<64x64xf32, #tpu.memory_space<vmem>>
          %dma_wait3A_357 = arith.constant 0 : i32
          %dma_wait3A_358 = tpu.memref_slice %arg4[%run_scoped3A, %add3A_333, %dma_wait3A_357] : memref<2x16384x64xf32, #tpu.memory_space<hbm>> -> memref<1x64x64xf32, #tpu.memory_space<hbm>>
          %dma_wait3A_359 = tpu.memref_squeeze %dma_wait3A_358 : memref<1x64x64xf32, #tpu.memory_space<hbm>> -> memref<64x64xf32, #tpu.memory_space<hbm>>
          tpu.wait_dma2 semaphore(%run_scoped3A_335 : memref<!tpu.dma_semaphore, #tpu.memory_space<semaphore_mem>>) src(%dma_wait3A_359 : memref<64x64xf32, #tpu.memory_space<hbm>>) dst(%dma_wait3A_356 : memref<64x64xf32, #tpu.memory_space<vmem>>)
          tpu.yield
        }) : () -> ()
        %run_scoped3A_334 = arith.constant 1 : i32
        "tpu.region"() ({
          %run_scoped3A_335 = tpu.sem_alloc : memref<!tpu.dma_semaphore, #tpu.memory_space<semaphore_mem>>
          %dma_start3A_336 = arith.constant 64 : i32
          %dma_start3A_337 = arith.constant 0 : i32
          %dma_start3A_338 = tpu.memref_slice %arg8[%dma_start3A_336, %dma_start3A_337] : memref<128x64xf32, #tpu.memory_space<vmem>> -> memref<64x64xf32, #tpu.memory_space<vmem>>
          %dma_start3A_339 = arith.constant 0 : i32
          %dma_start3A_340 = tpu.memref_slice %arg4[%run_scoped3A_334, %add3A_333, %dma_start3A_339] : memref<2x16384x64xf32, #tpu.memory_space<hbm>> -> memref<1x64x64xf32, #tpu.memory_space<hbm>>
          %dma_start3A_341 = tpu.memref_squeeze %dma_start3A_340 : memref<1x64x64xf32, #tpu.memory_space<hbm>> -> memref<64x64xf32, #tpu.memory_space<hbm>>
          %dma_start3A_342 = arith.constant 64 : i32
          %dma_start3A_343 = arith.constant 0 : i32
          %dma_start3A_344 = tpu.memref_slice %arg8[%dma_start3A_342, %dma_start3A_343] : memref<128x64xf32, #tpu.memory_space<vmem>> -> memref<64x64xf32, #tpu.memory_space<vmem>>
          %dma_start3A_345 = arith.constant 0 : i32
          %dma_start3A_346 = tpu.memref_slice %arg4[%run_scoped3A_334, %add3A_333, %dma_start3A_345] : memref<2x16384x64xf32, #tpu.memory_space<hbm>> -> memref<1x64x64xf32, #tpu.memory_space<hbm>>
          %dma_start3A_347 = tpu.memref_squeeze %dma_start3A_346 : memref<1x64x64xf32, #tpu.memory_space<hbm>> -> memref<64x64xf32, #tpu.memory_space<hbm>>
          tpu.enqueue_dma source(%dma_start3A_347 : memref<64x64xf32, #tpu.memory_space<hbm>>) target(%dma_start3A_344 : memref<64x64xf32, #tpu.memory_space<vmem>>) target_semaphore(%run_scoped3A_335 : memref<!tpu.dma_semaphore, #tpu.memory_space<semaphore_mem>>)
          %dma_wait3A_348 = arith.constant 64 : i32
          %dma_wait3A_349 = arith.constant 0 : i32
          %dma_wait3A_350 = tpu.memref_slice %arg8[%dma_wait3A_348, %dma_wait3A_349] : memref<128x64xf32, #tpu.memory_space<vmem>> -> memref<64x64xf32, #tpu.memory_space<vmem>>
          %dma_wait3A_351 = arith.constant 0 : i32
          %dma_wait3A_352 = tpu.memref_slice %arg4[%run_scoped3A_334, %add3A_333, %dma_wait3A_351] : memref<2x16384x64xf32, #tpu.memory_space<hbm>> -> memref<1x64x64xf32, #tpu.memory_space<hbm>>
          %dma_wait3A_353 = tpu.memref_squeeze %dma_wait3A_352 : memref<1x64x64xf32, #tpu.memory_space<hbm>> -> memref<64x64xf32, #tpu.memory_space<hbm>>
          %dma_wait3A_354 = arith.constant 64 : i32
          %dma_wait3A_355 = arith.constant 0 : i32
          %dma_wait3A_356 = tpu.memref_slice %arg8[%dma_wait3A_354, %dma_wait3A_355] : memref<128x64xf32, #tpu.memory_space<vmem>> -> memref<64x64xf32, #tpu.memory_space<vmem>>
          %dma_wait3A_357 = arith.constant 0 : i32
          %dma_wait3A_358 = tpu.memref_slice %arg4[%run_scoped3A_334, %add3A_333, %dma_wait3A_357] : memref<2x16384x64xf32, #tpu.memory_space<hbm>> -> memref<1x64x64xf32, #tpu.memory_space<hbm>>
          %dma_wait3A_359 = tpu.memref_squeeze %dma_wait3A_358 : memref<1x64x64xf32, #tpu.memory_space<hbm>> -> memref<64x64xf32, #tpu.memory_space<hbm>>
          tpu.wait_dma2 semaphore(%run_scoped3A_335 : memref<!tpu.dma_semaphore, #tpu.memory_space<semaphore_mem>>) src(%dma_wait3A_359 : memref<64x64xf32, #tpu.memory_space<hbm>>) dst(%dma_wait3A_356 : memref<64x64xf32, #tpu.memory_space<vmem>>)
          tpu.yield
        }) : () -> ()
      } else {
      }
      %scan3A_163 = arith.constant 0 : i32
      %scan3A_164 = arith.constant 64 : i32
      %scan3A_165 = arith.addi %scan3A_163, %scan3A_164 : i32
      %scan3A_166 = arith.constant 1 : i32
      %scan3A_167:8 = scf.for %scan3A_283 = %scan3A_163 to %scan3A_165 step %scan3A_166 iter_args(%scan3A_284 = %scan3A_89, %scan3A_285 = %scan3A_90, %scan3A_286 = %scan3A_91, %scan3A_287 = %scan3A_92, %scan3A_288 = %scan3A_93, %scan3A_289 = %scan3A_94, %scan3A_290 = %scan3A_95, %scan3A_291 = %scan3A_96) -> (vector<16xf32>, vector<16xf32>, vector<16xf32>, vector<16xf32>, vector<16xf32>, vector<16xf32>, vector<16xf32>, vector<16xf32>)  : i32 {
        %mul3A_292 = arith.constant 2 : i32
        %mul3A_293 = arith.muli %mul3A_292, %scan3A_283 : i32
        %add3A_294 = arith.constant 0 : i32
        %add3A_295 = arith.addi %mul3A_293, %add3A_294 : i32
        %add3A_296 = arith.constant 0 : i32
        %add3A_297 = arith.addi %add3A_296, %scan3A_283 : i32
        %get3A = arith.index_cast %add3A_297 : i32 to index
        %get3A_298 = arith.constant 0 : index
        %get3A_299 = tpu.vector_load %arg8[%get3A, %get3A_298] {strides = array<i32>} : memref<128x64xf32, #tpu.memory_space<vmem>>, vector<16xf32>,
        %get3A_300 = arith.index_cast %add3A_295 : i32 to index
        %get3A_301 = arith.constant 0 : index
        %get3A_302 = tpu.vector_load %arg9[%get3A_300, %get3A_301] {strides = array<i32>} : memref<128x64xf32, #tpu.memory_space<vmem>>, vector<16xf32>,
        %add3A_303 = arith.addf %get3A_302, %get3A_299 : vector<16xf32>
        %get3A_304 = arith.index_cast %add3A_295 : i32 to index
        %get3A_305 = arith.constant 0 : index
        %get3A_306 = tpu.vector_load %arg10[%get3A_304, %get3A_305] {strides = array<i32>} : memref<128x64xf32, #tpu.memory_space<vmem>>, vector<16xf32>,
        %add3A_307 = arith.addf %get3A_306, %get3A_299 : vector<16xf32>
        %add3A_308 = arith.addf %add3A_303, %add3A_307 : vector<16xf32>
        %add3A_309 = arith.addf %scan3A_284, %add3A_308 : vector<16xf32>
        %mul3A_310 = arith.mulf %add3A_303, %add3A_303 : vector<16xf32>
        %mul3A_311 = arith.mulf %add3A_307, %add3A_307 : vector<16xf32>
        %add3A_312 = arith.addf %mul3A_310, %mul3A_311 : vector<16xf32>
        %add3A_313 = arith.addf %scan3A_288, %add3A_312 : vector<16xf32>
        %bitcast3A = vector.bitcast %add3A_303 : vector<16xf32> to vector<16xi32>
        %bitcast3A_314 = vector.bitcast %add3A_307 : vector<16xf32> to vector<16xi32>
        %add3A_315 = arith.addi %bitcast3A, %broadcast_in_dim3A_21 : vector<16xi32>
        %shift_right_logical3A = arith.constant 16 : i32
        %shift_right_logical3A_316 = vector.broadcast %shift_right_logical3A : i32 to vector<16xi32>
        %shift_right_logical3A_317 = arith.shrui %add3A_315, %shift_right_logical3A_316 : vector<16xi32>
        %add3A_318 = arith.addi %bitcast3A_314, %broadcast_in_dim3A_21 : vector<16xi32>
        %and3A_319 = arith.andi %add3A_318, %broadcast_in_dim3A_23 : vector<16xi32>
        %or3A = arith.ori %shift_right_logical3A_317, %and3A_319 : vector<16xi32>
        %swap3A_320 = arith.index_cast %scan3A_283 : i32 to index
        %swap3A_321 = arith.constant 0 : index
        %swap3A_322 = tpu.vector_load %arg13[%swap3A_320, %swap3A_321] {strides = array<i32>} : memref<64x128xi32, #tpu.memory_space<vmem>>, vector<16xi32>,
        tpu.vector_store %arg13[%swap3A_320, %swap3A_321], %or3A {strides = array<i32>} : memref<64x128xi32, #tpu.memory_space<vmem>>, vector<16xi32>,
        %add3A_323 = arith.constant 0 : i32
        %add3A_324 = arith.addi %add3A_323, %scan3A_283 : i32
        %get3A_325 = arith.index_cast %add3A_324 : i32 to index
        %get3A_326 = arith.constant 16 : index
        %get3A_327 = tpu.vector_load %arg8[%get3A_325, %get3A_326] {strides = array<i32>} : memref<128x64xf32, #tpu.memory_space<vmem>>, vector<16xf32>,
        %get3A_328 = arith.index_cast %add3A_295 : i32 to index
        %get3A_329 = arith.constant 16 : index
        %get3A_330 = tpu.vector_load %arg9[%get3A_328, %get3A_329] {strides = array<i32>} : memref<128x64xf32, #tpu.memory_space<vmem>>, vector<16xf32>,
        %add3A_331 = arith.addf %get3A_330, %get3A_327 : vector<16xf32>
        %get3A_332 = arith.index_cast %add3A_295 : i32 to index
        %get3A_333 = arith.constant 16 : index
        %get3A_334 = tpu.vector_load %arg10[%get3A_332, %get3A_333] {strides = array<i32>} : memref<128x64xf32, #tpu.memory_space<vmem>>, vector<16xf32>,
        %add3A_335 = arith.addf %get3A_334, %get3A_327 : vector<16xf32>
        %add3A_336 = arith.addf %add3A_331, %add3A_335 : vector<16xf32>
        %add3A_337 = arith.addf %scan3A_285, %add3A_336 : vector<16xf32>
        %mul3A_338 = arith.mulf %add3A_331, %add3A_331 : vector<16xf32>
        %mul3A_339 = arith.mulf %add3A_335, %add3A_335 : vector<16xf32>
        %add3A_340 = arith.addf %mul3A_338, %mul3A_339 : vector<16xf32>
        %add3A_341 = arith.addf %scan3A_289, %add3A_340 : vector<16xf32>
        %bitcast3A_342 = vector.bitcast %add3A_331 : vector<16xf32> to vector<16xi32>
        %bitcast3A_343 = vector.bitcast %add3A_335 : vector<16xf32> to vector<16xi32>
        %add3A_344 = arith.addi %bitcast3A_342, %broadcast_in_dim3A_21 : vector<16xi32>
        %shift_right_logical3A_345 = arith.constant 16 : i32
        %shift_right_logical3A_346 = vector.broadcast %shift_right_logical3A_345 : i32 to vector<16xi32>
        %shift_right_logical3A_347 = arith.shrui %add3A_344, %shift_right_logical3A_346 : vector<16xi32>
        %add3A_348 = arith.addi %bitcast3A_343, %broadcast_in_dim3A_21 : vector<16xi32>
        %and3A_349 = arith.andi %add3A_348, %broadcast_in_dim3A_23 : vector<16xi32>
        %or3A_350 = arith.ori %shift_right_logical3A_347, %and3A_349 : vector<16xi32>
        %swap3A_351 = arith.index_cast %scan3A_283 : i32 to index
        %swap3A_352 = arith.constant 16 : index
        %swap3A_353 = tpu.vector_load %arg13[%swap3A_351, %swap3A_352] {strides = array<i32>} : memref<64x128xi32, #tpu.memory_space<vmem>>, vector<16xi32>,
        tpu.vector_store %arg13[%swap3A_351, %swap3A_352], %or3A_350 {strides = array<i32>} : memref<64x128xi32, #tpu.memory_space<vmem>>, vector<16xi32>,
        %add3A_354 = arith.constant 0 : i32
        %add3A_355 = arith.addi %add3A_354, %scan3A_283 : i32
        %get3A_356 = arith.index_cast %add3A_355 : i32 to index
        %get3A_357 = arith.constant 32 : index
        %get3A_358 = tpu.vector_load %arg8[%get3A_356, %get3A_357] {strides = array<i32>} : memref<128x64xf32, #tpu.memory_space<vmem>>, vector<16xf32>,
        %get3A_359 = arith.index_cast %add3A_295 : i32 to index
        %get3A_360 = arith.constant 32 : index
        %get3A_361 = tpu.vector_load %arg9[%get3A_359, %get3A_360] {strides = array<i32>} : memref<128x64xf32, #tpu.memory_space<vmem>>, vector<16xf32>,
        %add3A_362 = arith.addf %get3A_361, %get3A_358 : vector<16xf32>
        %get3A_363 = arith.index_cast %add3A_295 : i32 to index
        %get3A_364 = arith.constant 32 : index
        %get3A_365 = tpu.vector_load %arg10[%get3A_363, %get3A_364] {strides = array<i32>} : memref<128x64xf32, #tpu.memory_space<vmem>>, vector<16xf32>,
        %add3A_366 = arith.addf %get3A_365, %get3A_358 : vector<16xf32>
        %add3A_367 = arith.addf %add3A_362, %add3A_366 : vector<16xf32>
        %add3A_368 = arith.addf %scan3A_286, %add3A_367 : vector<16xf32>
        %mul3A_369 = arith.mulf %add3A_362, %add3A_362 : vector<16xf32>
        %mul3A_370 = arith.mulf %add3A_366, %add3A_366 : vector<16xf32>
        %add3A_371 = arith.addf %mul3A_369, %mul3A_370 : vector<16xf32>
        %add3A_372 = arith.addf %scan3A_290, %add3A_371 : vector<16xf32>
        %bitcast3A_373 = vector.bitcast %add3A_362 : vector<16xf32> to vector<16xi32>
        %bitcast3A_374 = vector.bitcast %add3A_366 : vector<16xf32> to vector<16xi32>
        %add3A_375 = arith.addi %bitcast3A_373, %broadcast_in_dim3A_21 : vector<16xi32>
        %shift_right_logical3A_376 = arith.constant 16 : i32
        %shift_right_logical3A_377 = vector.broadcast %shift_right_logical3A_376 : i32 to vector<16xi32>
        %shift_right_logical3A_378 = arith.shrui %add3A_375, %shift_right_logical3A_377 : vector<16xi32>
        %add3A_379 = arith.addi %bitcast3A_374, %broadcast_in_dim3A_21 : vector<16xi32>
        %and3A_380 = arith.andi %add3A_379, %broadcast_in_dim3A_23 : vector<16xi32>
        %or3A_381 = arith.ori %shift_right_logical3A_378, %and3A_380 : vector<16xi32>
        %swap3A_382 = arith.index_cast %scan3A_283 : i32 to index
        %swap3A_383 = arith.constant 32 : index
        %swap3A_384 = tpu.vector_load %arg13[%swap3A_382, %swap3A_383] {strides = array<i32>} : memref<64x128xi32, #tpu.memory_space<vmem>>, vector<16xi32>,
        tpu.vector_store %arg13[%swap3A_382, %swap3A_383], %or3A_381 {strides = array<i32>} : memref<64x128xi32, #tpu.memory_space<vmem>>, vector<16xi32>,
        %add3A_385 = arith.constant 0 : i32
        %add3A_386 = arith.addi %add3A_385, %scan3A_283 : i32
        %get3A_387 = arith.index_cast %add3A_386 : i32 to index
        %get3A_388 = arith.constant 48 : index
        %get3A_389 = tpu.vector_load %arg8[%get3A_387, %get3A_388] {strides = array<i32>} : memref<128x64xf32, #tpu.memory_space<vmem>>, vector<16xf32>,
        %get3A_390 = arith.index_cast %add3A_295 : i32 to index
        %get3A_391 = arith.constant 48 : index
        %get3A_392 = tpu.vector_load %arg9[%get3A_390, %get3A_391] {strides = array<i32>} : memref<128x64xf32, #tpu.memory_space<vmem>>, vector<16xf32>,
        %add3A_393 = arith.addf %get3A_392, %get3A_389 : vector<16xf32>
        %get3A_394 = arith.index_cast %add3A_295 : i32 to index
        %get3A_395 = arith.constant 48 : index
        %get3A_396 = tpu.vector_load %arg10[%get3A_394, %get3A_395] {strides = array<i32>} : memref<128x64xf32, #tpu.memory_space<vmem>>, vector<16xf32>,
        %add3A_397 = arith.addf %get3A_396, %get3A_389 : vector<16xf32>
        %add3A_398 = arith.addf %add3A_393, %add3A_397 : vector<16xf32>
        %add3A_399 = arith.addf %scan3A_287, %add3A_398 : vector<16xf32>
        %mul3A_400 = arith.mulf %add3A_393, %add3A_393 : vector<16xf32>
        %mul3A_401 = arith.mulf %add3A_397, %add3A_397 : vector<16xf32>
        %add3A_402 = arith.addf %mul3A_400, %mul3A_401 : vector<16xf32>
        %add3A_403 = arith.addf %scan3A_291, %add3A_402 : vector<16xf32>
        %bitcast3A_404 = vector.bitcast %add3A_393 : vector<16xf32> to vector<16xi32>
        %bitcast3A_405 = vector.bitcast %add3A_397 : vector<16xf32> to vector<16xi32>
        %add3A_406 = arith.addi %bitcast3A_404, %broadcast_in_dim3A_21 : vector<16xi32>
        %shift_right_logical3A_407 = arith.constant 16 : i32
        %shift_right_logical3A_408 = vector.broadcast %shift_right_logical3A_407 : i32 to vector<16xi32>
        %shift_right_logical3A_409 = arith.shrui %add3A_406, %shift_right_logical3A_408 : vector<16xi32>
        %add3A_410 = arith.addi %bitcast3A_405, %broadcast_in_dim3A_21 : vector<16xi32>
        %and3A_411 = arith.andi %add3A_410, %broadcast_in_dim3A_23 : vector<16xi32>
        %or3A_412 = arith.ori %shift_right_logical3A_409, %and3A_411 : vector<16xi32>
        %swap3A_413 = arith.index_cast %scan3A_283 : i32 to index
        %swap3A_414 = arith.constant 48 : index
        %swap3A_415 = tpu.vector_load %arg13[%swap3A_413, %swap3A_414] {strides = array<i32>} : memref<64x128xi32, #tpu.memory_space<vmem>>, vector<16xi32>,
        tpu.vector_store %arg13[%swap3A_413, %swap3A_414], %or3A_412 {strides = array<i32>} : memref<64x128xi32, #tpu.memory_space<vmem>>, vector<16xi32>,
        %mul3A_416 = arith.constant 2 : i32
        %mul3A_417 = arith.muli %mul3A_416, %scan3A_283 : i32
        %add3A_418 = arith.constant 1 : i32
        %add3A_419 = arith.addi %mul3A_417, %add3A_418 : i32
        %add3A_420 = arith.constant 64 : i32
        %add3A_421 = arith.addi %add3A_420, %scan3A_283 : i32
        %get3A_422 = arith.index_cast %add3A_421 : i32 to index
        %get3A_423 = arith.constant 0 : index
        %get3A_424 = tpu.vector_load %arg8[%get3A_422, %get3A_423] {strides = array<i32>} : memref<128x64xf32, #tpu.memory_space<vmem>>, vector<16xf32>,
        %get3A_425 = arith.index_cast %add3A_419 : i32 to index
        %get3A_426 = arith.constant 0 : index
        %get3A_427 = tpu.vector_load %arg9[%get3A_425, %get3A_426] {strides = array<i32>} : memref<128x64xf32, #tpu.memory_space<vmem>>, vector<16xf32>,
        %add3A_428 = arith.addf %get3A_427, %get3A_424 : vector<16xf32>
        %get3A_429 = arith.index_cast %add3A_419 : i32 to index
        %get3A_430 = arith.constant 0 : index
        %get3A_431 = tpu.vector_load %arg10[%get3A_429, %get3A_430] {strides = array<i32>} : memref<128x64xf32, #tpu.memory_space<vmem>>, vector<16xf32>,
        %add3A_432 = arith.addf %get3A_431, %get3A_424 : vector<16xf32>
        %add3A_433 = arith.addf %add3A_428, %add3A_432 : vector<16xf32>
        %add3A_434 = arith.addf %add3A_309, %add3A_433 : vector<16xf32>
        %mul3A_435 = arith.mulf %add3A_428, %add3A_428 : vector<16xf32>
        %mul3A_436 = arith.mulf %add3A_432, %add3A_432 : vector<16xf32>
        %add3A_437 = arith.addf %mul3A_435, %mul3A_436 : vector<16xf32>
        %add3A_438 = arith.addf %add3A_313, %add3A_437 : vector<16xf32>
        %bitcast3A_439 = vector.bitcast %add3A_428 : vector<16xf32> to vector<16xi32>
        %bitcast3A_440 = vector.bitcast %add3A_432 : vector<16xf32> to vector<16xi32>
        %add3A_441 = arith.addi %bitcast3A_439, %broadcast_in_dim3A_21 : vector<16xi32>
        %shift_right_logical3A_442 = arith.constant 16 : i32
        %shift_right_logical3A_443 = vector.broadcast %shift_right_logical3A_442 : i32 to vector<16xi32>
        %shift_right_logical3A_444 = arith.shrui %add3A_441, %shift_right_logical3A_443 : vector<16xi32>
        %add3A_445 = arith.addi %bitcast3A_440, %broadcast_in_dim3A_21 : vector<16xi32>
        %and3A_446 = arith.andi %add3A_445, %broadcast_in_dim3A_23 : vector<16xi32>
        %or3A_447 = arith.ori %shift_right_logical3A_444, %and3A_446 : vector<16xi32>
        %swap3A_448 = arith.index_cast %scan3A_283 : i32 to index
        %swap3A_449 = arith.constant 64 : index
        %swap3A_450 = tpu.vector_load %arg13[%swap3A_448, %swap3A_449] {strides = array<i32>} : memref<64x128xi32, #tpu.memory_space<vmem>>, vector<16xi32>,
        tpu.vector_store %arg13[%swap3A_448, %swap3A_449], %or3A_447 {strides = array<i32>} : memref<64x128xi32, #tpu.memory_space<vmem>>, vector<16xi32>,
        %add3A_451 = arith.constant 64 : i32
        %add3A_452 = arith.addi %add3A_451, %scan3A_283 : i32
        %get3A_453 = arith.index_cast %add3A_452 : i32 to index
        %get3A_454 = arith.constant 16 : index
        %get3A_455 = tpu.vector_load %arg8[%get3A_453, %get3A_454] {strides = array<i32>} : memref<128x64xf32, #tpu.memory_space<vmem>>, vector<16xf32>,
        %get3A_456 = arith.index_cast %add3A_419 : i32 to index
        %get3A_457 = arith.constant 16 : index
        %get3A_458 = tpu.vector_load %arg9[%get3A_456, %get3A_457] {strides = array<i32>} : memref<128x64xf32, #tpu.memory_space<vmem>>, vector<16xf32>,
        %add3A_459 = arith.addf %get3A_458, %get3A_455 : vector<16xf32>
        %get3A_460 = arith.index_cast %add3A_419 : i32 to index
        %get3A_461 = arith.constant 16 : index
        %get3A_462 = tpu.vector_load %arg10[%get3A_460, %get3A_461] {strides = array<i32>} : memref<128x64xf32, #tpu.memory_space<vmem>>, vector<16xf32>,
        %add3A_463 = arith.addf %get3A_462, %get3A_455 : vector<16xf32>
        %add3A_464 = arith.addf %add3A_459, %add3A_463 : vector<16xf32>
        %add3A_465 = arith.addf %add3A_337, %add3A_464 : vector<16xf32>
        %mul3A_466 = arith.mulf %add3A_459, %add3A_459 : vector<16xf32>
        %mul3A_467 = arith.mulf %add3A_463, %add3A_463 : vector<16xf32>
        %add3A_468 = arith.addf %mul3A_466, %mul3A_467 : vector<16xf32>
        %add3A_469 = arith.addf %add3A_341, %add3A_468 : vector<16xf32>
        %bitcast3A_470 = vector.bitcast %add3A_459 : vector<16xf32> to vector<16xi32>
        %bitcast3A_471 = vector.bitcast %add3A_463 : vector<16xf32> to vector<16xi32>
        %add3A_472 = arith.addi %bitcast3A_470, %broadcast_in_dim3A_21 : vector<16xi32>
        %shift_right_logical3A_473 = arith.constant 16 : i32
        %shift_right_logical3A_474 = vector.broadcast %shift_right_logical3A_473 : i32 to vector<16xi32>
        %shift_right_logical3A_475 = arith.shrui %add3A_472, %shift_right_logical3A_474 : vector<16xi32>
        %add3A_476 = arith.addi %bitcast3A_471, %broadcast_in_dim3A_21 : vector<16xi32>
        %and3A_477 = arith.andi %add3A_476, %broadcast_in_dim3A_23 : vector<16xi32>
        %or3A_478 = arith.ori %shift_right_logical3A_475, %and3A_477 : vector<16xi32>
        %swap3A_479 = arith.index_cast %scan3A_283 : i32 to index
        %swap3A_480 = arith.constant 80 : index
        %swap3A_481 = tpu.vector_load %arg13[%swap3A_479, %swap3A_480] {strides = array<i32>} : memref<64x128xi32, #tpu.memory_space<vmem>>, vector<16xi32>,
        tpu.vector_store %arg13[%swap3A_479, %swap3A_480], %or3A_478 {strides = array<i32>} : memref<64x128xi32, #tpu.memory_space<vmem>>, vector<16xi32>,
        %add3A_482 = arith.constant 64 : i32
        %add3A_483 = arith.addi %add3A_482, %scan3A_283 : i32
        %get3A_484 = arith.index_cast %add3A_483 : i32 to index
        %get3A_485 = arith.constant 32 : index
        %get3A_486 = tpu.vector_load %arg8[%get3A_484, %get3A_485] {strides = array<i32>} : memref<128x64xf32, #tpu.memory_space<vmem>>, vector<16xf32>,
        %get3A_487 = arith.index_cast %add3A_419 : i32 to index
        %get3A_488 = arith.constant 32 : index
        %get3A_489 = tpu.vector_load %arg9[%get3A_487, %get3A_488] {strides = array<i32>} : memref<128x64xf32, #tpu.memory_space<vmem>>, vector<16xf32>,
        %add3A_490 = arith.addf %get3A_489, %get3A_486 : vector<16xf32>
        %get3A_491 = arith.index_cast %add3A_419 : i32 to index
        %get3A_492 = arith.constant 32 : index
        %get3A_493 = tpu.vector_load %arg10[%get3A_491, %get3A_492] {strides = array<i32>} : memref<128x64xf32, #tpu.memory_space<vmem>>, vector<16xf32>,
        %add3A_494 = arith.addf %get3A_493, %get3A_486 : vector<16xf32>
        %add3A_495 = arith.addf %add3A_490, %add3A_494 : vector<16xf32>
        %add3A_496 = arith.addf %add3A_368, %add3A_495 : vector<16xf32>
        %mul3A_497 = arith.mulf %add3A_490, %add3A_490 : vector<16xf32>
        %mul3A_498 = arith.mulf %add3A_494, %add3A_494 : vector<16xf32>
        %add3A_499 = arith.addf %mul3A_497, %mul3A_498 : vector<16xf32>
        %add3A_500 = arith.addf %add3A_372, %add3A_499 : vector<16xf32>
        %bitcast3A_501 = vector.bitcast %add3A_490 : vector<16xf32> to vector<16xi32>
        %bitcast3A_502 = vector.bitcast %add3A_494 : vector<16xf32> to vector<16xi32>
        %add3A_503 = arith.addi %bitcast3A_501, %broadcast_in_dim3A_21 : vector<16xi32>
        %shift_right_logical3A_504 = arith.constant 16 : i32
        %shift_right_logical3A_505 = vector.broadcast %shift_right_logical3A_504 : i32 to vector<16xi32>
        %shift_right_logical3A_506 = arith.shrui %add3A_503, %shift_right_logical3A_505 : vector<16xi32>
        %add3A_507 = arith.addi %bitcast3A_502, %broadcast_in_dim3A_21 : vector<16xi32>
        %and3A_508 = arith.andi %add3A_507, %broadcast_in_dim3A_23 : vector<16xi32>
        %or3A_509 = arith.ori %shift_right_logical3A_506, %and3A_508 : vector<16xi32>
        %swap3A_510 = arith.index_cast %scan3A_283 : i32 to index
        %swap3A_511 = arith.constant 96 : index
        %swap3A_512 = tpu.vector_load %arg13[%swap3A_510, %swap3A_511] {strides = array<i32>} : memref<64x128xi32, #tpu.memory_space<vmem>>, vector<16xi32>,
        tpu.vector_store %arg13[%swap3A_510, %swap3A_511], %or3A_509 {strides = array<i32>} : memref<64x128xi32, #tpu.memory_space<vmem>>, vector<16xi32>,
        %add3A_513 = arith.constant 64 : i32
        %add3A_514 = arith.addi %add3A_513, %scan3A_283 : i32
        %get3A_515 = arith.index_cast %add3A_514 : i32 to index
        %get3A_516 = arith.constant 48 : index
        %get3A_517 = tpu.vector_load %arg8[%get3A_515, %get3A_516] {strides = array<i32>} : memref<128x64xf32, #tpu.memory_space<vmem>>, vector<16xf32>,
        %get3A_518 = arith.index_cast %add3A_419 : i32 to index
        %get3A_519 = arith.constant 48 : index
        %get3A_520 = tpu.vector_load %arg9[%get3A_518, %get3A_519] {strides = array<i32>} : memref<128x64xf32, #tpu.memory_space<vmem>>, vector<16xf32>,
        %add3A_521 = arith.addf %get3A_520, %get3A_517 : vector<16xf32>
        %get3A_522 = arith.index_cast %add3A_419 : i32 to index
        %get3A_523 = arith.constant 48 : index
        %get3A_524 = tpu.vector_load %arg10[%get3A_522, %get3A_523] {strides = array<i32>} : memref<128x64xf32, #tpu.memory_space<vmem>>, vector<16xf32>,
        %add3A_525 = arith.addf %get3A_524, %get3A_517 : vector<16xf32>
        %add3A_526 = arith.addf %add3A_521, %add3A_525 : vector<16xf32>
        %add3A_527 = arith.addf %add3A_399, %add3A_526 : vector<16xf32>
        %mul3A_528 = arith.mulf %add3A_521, %add3A_521 : vector<16xf32>
        %mul3A_529 = arith.mulf %add3A_525, %add3A_525 : vector<16xf32>
        %add3A_530 = arith.addf %mul3A_528, %mul3A_529 : vector<16xf32>
        %add3A_531 = arith.addf %add3A_403, %add3A_530 : vector<16xf32>
        %bitcast3A_532 = vector.bitcast %add3A_521 : vector<16xf32> to vector<16xi32>
        %bitcast3A_533 = vector.bitcast %add3A_525 : vector<16xf32> to vector<16xi32>
        %add3A_534 = arith.addi %bitcast3A_532, %broadcast_in_dim3A_21 : vector<16xi32>
        %shift_right_logical3A_535 = arith.constant 16 : i32
        %shift_right_logical3A_536 = vector.broadcast %shift_right_logical3A_535 : i32 to vector<16xi32>
        %shift_right_logical3A_537 = arith.shrui %add3A_534, %shift_right_logical3A_536 : vector<16xi32>
        %add3A_538 = arith.addi %bitcast3A_533, %broadcast_in_dim3A_21 : vector<16xi32>
        %and3A_539 = arith.andi %add3A_538, %broadcast_in_dim3A_23 : vector<16xi32>
        %or3A_540 = arith.ori %shift_right_logical3A_537, %and3A_539 : vector<16xi32>
        %swap3A_541 = arith.index_cast %scan3A_283 : i32 to index
        %swap3A_542 = arith.constant 112 : index
        %swap3A_543 = tpu.vector_load %arg13[%swap3A_541, %swap3A_542] {strides = array<i32>} : memref<64x128xi32, #tpu.memory_space<vmem>>, vector<16xi32>,
        tpu.vector_store %arg13[%swap3A_541, %swap3A_542], %or3A_540 {strides = array<i32>} : memref<64x128xi32, #tpu.memory_space<vmem>>, vector<16xi32>,
        scf.yield %add3A_434, %add3A_465, %add3A_496, %add3A_527, %add3A_438, %add3A_469, %add3A_500, %add3A_531 : vector<16xf32>, vector<16xf32>, vector<16xf32>, vector<16xf32>, vector<16xf32>, vector<16xf32>, vector<16xf32>, vector<16xf32>
      }
      %scan3A_168 = arith.constant 64 : i32
      %jit3A_169 = arith.constant 10 : i32
      %div3A_170 = arith.divsi %mul3A_98, %jit3A_169 : i32
      %sign3A_171 = arith.constant 0 : i32
      %sign3A_172 = arith.cmpi sgt, %mul3A_98, %sign3A_171 : i32
      %sign3A_173 = arith.extui %sign3A_172 : i1 to i32
      %sign3A_174 = arith.constant 0 : i32
      %sign3A_175 = arith.cmpi slt, %mul3A_98, %sign3A_174 : i32
      %sign3A_176 = arith.extui %sign3A_175 : i1 to i32
      %sign3A_177 = arith.subi %sign3A_173, %sign3A_176 : i32
      %sign3A_178 = arith.constant 0 : i32
      %sign3A_179 = arith.cmpi sgt, %jit3A_169, %sign3A_178 : i32
      %sign3A_180 = arith.extui %sign3A_179 : i1 to i32
      %sign3A_181 = arith.constant 0 : i32
      %sign3A_182 = arith.cmpi slt, %jit3A_169, %sign3A_181 : i32
      %sign3A_183 = arith.extui %sign3A_182 : i1 to i32
      %sign3A_184 = arith.subi %sign3A_180, %sign3A_183 : i32
      %ne3A_185 = arith.cmpi ne, %sign3A_177, %sign3A_184 : i32
      %rem3A_186 = arith.remsi %mul3A_98, %jit3A_169 : i32
      %ne3A_187 = arith.constant 0 : i32
      %ne3A_188 = arith.cmpi ne, %rem3A_186, %ne3A_187 : i32
      %and3A_189 = arith.andi %ne3A_185, %ne3A_188 : i1
      %sub3A_190 = arith.constant 1 : i32
      %sub3A_191 = arith.subi %div3A_170, %sub3A_190 : i32
      %select_n3A_192 = arith.select %and3A_189, %sub3A_191, %div3A_170 : i32
      %rem3A_193 = arith.constant 10 : i32
      %rem3A_194 = arith.remsi %mul3A_98, %rem3A_193 : i32
      %mul3A_195 = arith.constant 64 : i32
      %mul3A_196 = arith.muli %select_n3A_192, %mul3A_195 : i32
      %add3A_197 = arith.addi %select_n3A, %mul3A_196 : i32
      %dma_start3A_198 = arith.constant 0 : i32
      %dma_start3A_199 = tpu.memref_slice %arg5[%rem3A_194, %add3A_197, %dma_start3A_198] : memref<10x16384x128xi32, #tpu.memory_space<hbm>> -> memref<1x64x128xi32, #tpu.memory_space<hbm>>
      %dma_start3A_200 = tpu.memref_squeeze %dma_start3A_199 : memref<1x64x128xi32, #tpu.memory_space<hbm>> -> memref<64x128xi32, #tpu.memory_space<hbm>>
      %dma_start3A_201 = arith.constant 0 : i32
      %dma_start3A_202 = tpu.memref_slice %arg5[%rem3A_194, %add3A_197, %dma_start3A_201] : memref<10x16384x128xi32, #tpu.memory_space<hbm>> -> memref<1x64x128xi32, #tpu.memory_space<hbm>>
      %dma_start3A_203 = tpu.memref_squeeze %dma_start3A_202 : memref<1x64x128xi32, #tpu.memory_space<hbm>> -> memref<64x128xi32, #tpu.memory_space<hbm>>
      tpu.enqueue_dma source(%arg13 : memref<64x128xi32, #tpu.memory_space<vmem>>) target(%dma_start3A_203 : memref<64x128xi32, #tpu.memory_space<hbm>>) target_semaphore(%arg18 : memref<!tpu.dma_semaphore, #tpu.memory_space<semaphore_mem>>)
      %dma_wait3A_204 = arith.constant 0 : i32
      %dma_wait3A_205 = arith.constant 0 : i32
      %dma_wait3A_206 = arith.constant 0 : i32
      %dma_wait3A_207 = tpu.memref_slice %arg5[%dma_wait3A_204, %dma_wait3A_205, %dma_wait3A_206] : memref<10x16384x128xi32, #tpu.memory_space<hbm>> -> memref<1x64x128xi32, #tpu.memory_space<hbm>>
      %dma_wait3A_208 = tpu.memref_squeeze %dma_wait3A_207 : memref<1x64x128xi32, #tpu.memory_space<hbm>> -> memref<64x128xi32, #tpu.memory_space<hbm>>
      %dma_wait3A_209 = arith.constant 0 : i32
      %dma_wait3A_210 = arith.constant 0 : i32
      %dma_wait3A_211 = tpu.memref_slice %arg5[%dma_wait3A_204, %dma_wait3A_209, %dma_wait3A_210] : memref<10x16384x128xi32, #tpu.memory_space<hbm>> -> memref<1x64x128xi32, #tpu.memory_space<hbm>>
      %dma_wait3A_212 = tpu.memref_squeeze %dma_wait3A_211 : memref<1x64x128xi32, #tpu.memory_space<hbm>> -> memref<64x128xi32, #tpu.memory_space<hbm>>
      tpu.wait_dma2 semaphore(%arg18 : memref<!tpu.dma_semaphore, #tpu.memory_space<semaphore_mem>>) src(%arg13 : memref<64x128xi32, #tpu.memory_space<vmem>>) dst(%dma_wait3A_212 : memref<64x128xi32, #tpu.memory_space<hbm>>)
      %add3A_213 = arith.constant 1 : i32
      %add3A_214 = arith.addi %scan3A_88, %add3A_213 : i32
      %lt3A = arith.constant 40 : i32
      %lt3A_215 = arith.cmpi slt, %add3A_214, %lt3A : i32
      %convert_element_type3A_216 = arith.extui %lt3A_215 : i1 to i32
      %cond3A_217 = arith.constant 0 : i32
      %cond3A_218 = arith.cmpi ne, %convert_element_type3A_216, %cond3A_217 : i32
      scf.if %cond3A_218 {
        %add3A_283 = arith.constant 2 : i32
        %add3A_284 = arith.addi %mul3A_98, %add3A_283 : i32
        %jit3A_285 = arith.constant 10 : i32
        %div3A_286 = arith.divsi %add3A_284, %jit3A_285 : i32
        %sign3A_287 = arith.constant 0 : i32
        %sign3A_288 = arith.cmpi sgt, %add3A_284, %sign3A_287 : i32
        %sign3A_289 = arith.extui %sign3A_288 : i1 to i32
        %sign3A_290 = arith.constant 0 : i32
        %sign3A_291 = arith.cmpi slt, %add3A_284, %sign3A_290 : i32
        %sign3A_292 = arith.extui %sign3A_291 : i1 to i32
        %sign3A_293 = arith.subi %sign3A_289, %sign3A_292 : i32
        %sign3A_294 = arith.constant 0 : i32
        %sign3A_295 = arith.cmpi sgt, %jit3A_285, %sign3A_294 : i32
        %sign3A_296 = arith.extui %sign3A_295 : i1 to i32
        %sign3A_297 = arith.constant 0 : i32
        %sign3A_298 = arith.cmpi slt, %jit3A_285, %sign3A_297 : i32
        %sign3A_299 = arith.extui %sign3A_298 : i1 to i32
        %sign3A_300 = arith.subi %sign3A_296, %sign3A_299 : i32
        %ne3A_301 = arith.cmpi ne, %sign3A_293, %sign3A_300 : i32
        %rem3A_302 = arith.remsi %add3A_284, %jit3A_285 : i32
        %ne3A_303 = arith.constant 0 : i32
        %ne3A_304 = arith.cmpi ne, %rem3A_302, %ne3A_303 : i32
        %and3A_305 = arith.andi %ne3A_301, %ne3A_304 : i1
        %sub3A_306 = arith.constant 1 : i32
        %sub3A_307 = arith.subi %div3A_286, %sub3A_306 : i32
        %select_n3A_308 = arith.select %and3A_305, %sub3A_307, %div3A_286 : i32
        %rem3A_309 = arith.constant 10 : i32
        %rem3A_310 = arith.remsi %add3A_284, %rem3A_309 : i32
        %mul3A_311 = arith.constant 2 : i32
        %mul3A_312 = arith.muli %mul3A_311, %rem3A_310 : i32
        %mul3A_313 = arith.constant 128 : i32
        %mul3A_314 = arith.muli %select_n3A_308, %mul3A_313 : i32
        %dma_start3A_315 = tpu.memref_slice %arg7[%mul3A_312, %mul3A_314] : memref<20x1024xi32, #tpu.memory_space<vmem>> -> memref<1x128xi32, #tpu.memory_space<vmem>>
        %dma_start3A_316 = tpu.memref_squeeze %dma_start3A_315 : memref<1x128xi32, #tpu.memory_space<vmem>> -> memref<128xi32, #tpu.memory_space<vmem>>
        %dma_start3A_317 = arith.constant 0 : i32
        %dma_start3A_318 = arith.constant 0 : i32
        %dma_start3A_319 = tpu.memref_slice %arg2[%dma_start3A_317, %dma_start3A_318] : memref<32768x64xf32, #tpu.memory_space<hbm>> -> memref<32768x64xf32, #tpu.memory_space<hbm>>
        tpu.enqueue_indirect_dma source(%dma_start3A_319 : memref<32768x64xf32, #tpu.memory_space<hbm>>) target(%arg9 : memref<128x64xf32, #tpu.memory_space<vmem>>) offsets(%dma_start3A_316 : memref<128xi32, #tpu.memory_space<vmem>>) semaphore(%arg16 : memref<!tpu.dma_semaphore, #tpu.memory_space<semaphore_mem>>)
        %add3A_320 = arith.constant 1 : i32
        %add3A_321 = arith.addi %mul3A_312, %add3A_320 : i32
        %dma_start3A_322 = tpu.memref_slice %arg7[%add3A_321, %mul3A_314] : memref<20x1024xi32, #tpu.memory_space<vmem>> -> memref<1x128xi32, #tpu.memory_space<vmem>>
        %dma_start3A_323 = tpu.memref_squeeze %dma_start3A_322 : memref<1x128xi32, #tpu.memory_space<vmem>> -> memref<128xi32, #tpu.memory_space<vmem>>
        %dma_start3A_324 = arith.constant 0 : i32
        %dma_start3A_325 = arith.constant 0 : i32
        %dma_start3A_326 = tpu.memref_slice %arg2[%dma_start3A_324, %dma_start3A_325] : memref<32768x64xf32, #tpu.memory_space<hbm>> -> memref<32768x64xf32, #tpu.memory_space<hbm>>
        tpu.enqueue_indirect_dma source(%dma_start3A_326 : memref<32768x64xf32, #tpu.memory_space<hbm>>) target(%arg10 : memref<128x64xf32, #tpu.memory_space<vmem>>) offsets(%dma_start3A_323 : memref<128xi32, #tpu.memory_space<vmem>>) semaphore(%arg16 : memref<!tpu.dma_semaphore, #tpu.memory_space<semaphore_mem>>)
      } else {
      }
      %dma_wait3A_219 = arith.constant 0 : i32
      %dma_wait3A_220 = arith.constant 0 : i32
      %dma_wait3A_221 = tpu.memref_slice %arg2[%dma_wait3A_219, %dma_wait3A_220] : memref<32768x64xf32, #tpu.memory_space<hbm>> -> memref<128x64xf32, #tpu.memory_space<hbm>>
      %dma_wait3A_222 = arith.constant 0 : i32
      %dma_wait3A_223 = arith.constant 0 : i32
      %dma_wait3A_224 = tpu.memref_slice %arg2[%dma_wait3A_222, %dma_wait3A_223] : memref<32768x64xf32, #tpu.memory_space<hbm>> -> memref<128x64xf32, #tpu.memory_space<hbm>>
      tpu.wait_dma2 semaphore(%arg17 : memref<!tpu.dma_semaphore, #tpu.memory_space<semaphore_mem>>) src(%dma_wait3A_224 : memref<128x64xf32, #tpu.memory_space<hbm>>) dst(%arg11 : memref<128x64xf32, #tpu.memory_space<vmem>>)
      %dma_wait3A_225 = arith.constant 0 : i32
      %dma_wait3A_226 = arith.constant 0 : i32
      %dma_wait3A_227 = tpu.memref_slice %arg2[%dma_wait3A_225, %dma_wait3A_226] : memref<32768x64xf32, #tpu.memory_space<hbm>> -> memref<128x64xf32, #tpu.memory_space<hbm>>
      %dma_wait3A_228 = arith.constant 0 : i32
      %dma_wait3A_229 = arith.constant 0 : i32
      %dma_wait3A_230 = tpu.memref_slice %arg2[%dma_wait3A_228, %dma_wait3A_229] : memref<32768x64xf32, #tpu.memory_space<hbm>> -> memref<128x64xf32, #tpu.memory_space<hbm>>
      tpu.wait_dma2 semaphore(%arg17 : memref<!tpu.dma_semaphore, #tpu.memory_space<semaphore_mem>>) src(%dma_wait3A_230 : memref<128x64xf32, #tpu.memory_space<hbm>>) dst(%arg12 : memref<128x64xf32, #tpu.memory_space<vmem>>)
      %add3A_231 = arith.constant 1 : i32
      %add3A_232 = arith.addi %mul3A_98, %add3A_231 : i32
      %rem3A_233 = arith.constant 10 : i32
      %rem3A_234 = arith.remsi %add3A_232, %rem3A_233 : i32
      %eq3A_235 = arith.constant 0 : i32
      %eq3A_236 = arith.cmpi eq, %rem3A_234, %eq3A_235 : i32
      %convert_element_type3A_237 = arith.extui %eq3A_236 : i1 to i32
      %cond3A_238 = arith.constant 0 : i32
      %cond3A_239 = arith.cmpi ne, %convert_element_type3A_237, %cond3A_238 : i32
      scf.if %cond3A_239 {
        %jit3A_283 = arith.constant 2 : i32
        %div3A_284 = arith.divsi %mul3A_2, %jit3A_283 : i32
        %sign3A_285 = arith.constant 0 : i32
        %sign3A_286 = arith.cmpi sgt, %mul3A_2, %sign3A_285 : i32
        %sign3A_287 = arith.extui %sign3A_286 : i1 to i32
        %sign3A_288 = arith.constant 0 : i32
        %sign3A_289 = arith.cmpi slt, %mul3A_2, %sign3A_288 : i32
        %sign3A_290 = arith.extui %sign3A_289 : i1 to i32
        %sign3A_291 = arith.subi %sign3A_287, %sign3A_290 : i32
        %sign3A_292 = arith.constant 0 : i32
        %sign3A_293 = arith.cmpi sgt, %jit3A_283, %sign3A_292 : i32
        %sign3A_294 = arith.extui %sign3A_293 : i1 to i32
        %sign3A_295 = arith.constant 0 : i32
        %sign3A_296 = arith.cmpi slt, %jit3A_283, %sign3A_295 : i32
        %sign3A_297 = arith.extui %sign3A_296 : i1 to i32
        %sign3A_298 = arith.subi %sign3A_294, %sign3A_297 : i32
        %ne3A_299 = arith.cmpi ne, %sign3A_291, %sign3A_298 : i32
        %rem3A_300 = arith.remsi %mul3A_2, %jit3A_283 : i32
        %ne3A_301 = arith.constant 0 : i32
        %ne3A_302 = arith.cmpi ne, %rem3A_300, %ne3A_301 : i32
        %and3A_303 = arith.andi %ne3A_299, %ne3A_302 : i1
        %sub3A_304 = arith.constant 1 : i32
        %sub3A_305 = arith.subi %div3A_284, %sub3A_304 : i32
        %select_n3A_306 = arith.select %and3A_303, %sub3A_305, %div3A_284 : i32
        %jit3A_307 = arith.constant 10 : i32
        %div3A_308 = arith.divsi %add3A_232, %jit3A_307 : i32
        %sign3A_309 = arith.constant 0 : i32
        %sign3A_310 = arith.cmpi sgt, %add3A_232, %sign3A_309 : i32
        %sign3A_311 = arith.extui %sign3A_310 : i1 to i32
        %sign3A_312 = arith.constant 0 : i32
        %sign3A_313 = arith.cmpi slt, %add3A_232, %sign3A_312 : i32
        %sign3A_314 = arith.extui %sign3A_313 : i1 to i32
        %sign3A_315 = arith.subi %sign3A_311, %sign3A_314 : i32
        %sign3A_316 = arith.constant 0 : i32
        %sign3A_317 = arith.cmpi sgt, %jit3A_307, %sign3A_316 : i32
        %sign3A_318 = arith.extui %sign3A_317 : i1 to i32
        %sign3A_319 = arith.constant 0 : i32
        %sign3A_320 = arith.cmpi slt, %jit3A_307, %sign3A_319 : i32
        %sign3A_321 = arith.extui %sign3A_320 : i1 to i32
        %sign3A_322 = arith.subi %sign3A_318, %sign3A_321 : i32
        %ne3A_323 = arith.cmpi ne, %sign3A_315, %sign3A_322 : i32
        %rem3A_324 = arith.remsi %add3A_232, %jit3A_307 : i32
        %ne3A_325 = arith.constant 0 : i32
        %ne3A_326 = arith.cmpi ne, %rem3A_324, %ne3A_325 : i32
        %and3A_327 = arith.andi %ne3A_323, %ne3A_326 : i1
        %sub3A_328 = arith.constant 1 : i32
        %sub3A_329 = arith.subi %div3A_308, %sub3A_328 : i32
        %select_n3A_330 = arith.select %and3A_327, %sub3A_329, %div3A_308 : i32
        %mul3A_331 = arith.constant 64 : i32
        %mul3A_332 = arith.muli %select_n3A_330, %mul3A_331 : i32
        %add3A_333 = arith.addi %select_n3A_306, %mul3A_332 : i32
        %run_scoped3A = arith.constant 0 : i32
        "tpu.region"() ({
          %run_scoped3A_335 = tpu.sem_alloc : memref<!tpu.dma_semaphore, #tpu.memory_space<semaphore_mem>>
          %dma_start3A_336 = arith.constant 0 : i32
          %dma_start3A_337 = arith.constant 0 : i32
          %dma_start3A_338 = tpu.memref_slice %arg8[%dma_start3A_336, %dma_start3A_337] : memref<128x64xf32, #tpu.memory_space<vmem>> -> memref<64x64xf32, #tpu.memory_space<vmem>>
          %dma_start3A_339 = arith.constant 0 : i32
          %dma_start3A_340 = tpu.memref_slice %arg4[%run_scoped3A, %add3A_333, %dma_start3A_339] : memref<2x16384x64xf32, #tpu.memory_space<hbm>> -> memref<1x64x64xf32, #tpu.memory_space<hbm>>
          %dma_start3A_341 = tpu.memref_squeeze %dma_start3A_340 : memref<1x64x64xf32, #tpu.memory_space<hbm>> -> memref<64x64xf32, #tpu.memory_space<hbm>>
          %dma_start3A_342 = arith.constant 0 : i32
          %dma_start3A_343 = arith.constant 0 : i32
          %dma_start3A_344 = tpu.memref_slice %arg8[%dma_start3A_342, %dma_start3A_343] : memref<128x64xf32, #tpu.memory_space<vmem>> -> memref<64x64xf32, #tpu.memory_space<vmem>>
          %dma_start3A_345 = arith.constant 0 : i32
          %dma_start3A_346 = tpu.memref_slice %arg4[%run_scoped3A, %add3A_333, %dma_start3A_345] : memref<2x16384x64xf32, #tpu.memory_space<hbm>> -> memref<1x64x64xf32, #tpu.memory_space<hbm>>
          %dma_start3A_347 = tpu.memref_squeeze %dma_start3A_346 : memref<1x64x64xf32, #tpu.memory_space<hbm>> -> memref<64x64xf32, #tpu.memory_space<hbm>>
          tpu.enqueue_dma source(%dma_start3A_347 : memref<64x64xf32, #tpu.memory_space<hbm>>) target(%dma_start3A_344 : memref<64x64xf32, #tpu.memory_space<vmem>>) target_semaphore(%run_scoped3A_335 : memref<!tpu.dma_semaphore, #tpu.memory_space<semaphore_mem>>)
          %dma_wait3A_348 = arith.constant 0 : i32
          %dma_wait3A_349 = arith.constant 0 : i32
          %dma_wait3A_350 = tpu.memref_slice %arg8[%dma_wait3A_348, %dma_wait3A_349] : memref<128x64xf32, #tpu.memory_space<vmem>> -> memref<64x64xf32, #tpu.memory_space<vmem>>
          %dma_wait3A_351 = arith.constant 0 : i32
          %dma_wait3A_352 = tpu.memref_slice %arg4[%run_scoped3A, %add3A_333, %dma_wait3A_351] : memref<2x16384x64xf32, #tpu.memory_space<hbm>> -> memref<1x64x64xf32, #tpu.memory_space<hbm>>
          %dma_wait3A_353 = tpu.memref_squeeze %dma_wait3A_352 : memref<1x64x64xf32, #tpu.memory_space<hbm>> -> memref<64x64xf32, #tpu.memory_space<hbm>>
          %dma_wait3A_354 = arith.constant 0 : i32
          %dma_wait3A_355 = arith.constant 0 : i32
          %dma_wait3A_356 = tpu.memref_slice %arg8[%dma_wait3A_354, %dma_wait3A_355] : memref<128x64xf32, #tpu.memory_space<vmem>> -> memref<64x64xf32, #tpu.memory_space<vmem>>
          %dma_wait3A_357 = arith.constant 0 : i32
          %dma_wait3A_358 = tpu.memref_slice %arg4[%run_scoped3A, %add3A_333, %dma_wait3A_357] : memref<2x16384x64xf32, #tpu.memory_space<hbm>> -> memref<1x64x64xf32, #tpu.memory_space<hbm>>
          %dma_wait3A_359 = tpu.memref_squeeze %dma_wait3A_358 : memref<1x64x64xf32, #tpu.memory_space<hbm>> -> memref<64x64xf32, #tpu.memory_space<hbm>>
          tpu.wait_dma2 semaphore(%run_scoped3A_335 : memref<!tpu.dma_semaphore, #tpu.memory_space<semaphore_mem>>) src(%dma_wait3A_359 : memref<64x64xf32, #tpu.memory_space<hbm>>) dst(%dma_wait3A_356 : memref<64x64xf32, #tpu.memory_space<vmem>>)
          tpu.yield
        }) : () -> ()
        %run_scoped3A_334 = arith.constant 1 : i32
        "tpu.region"() ({
          %run_scoped3A_335 = tpu.sem_alloc : memref<!tpu.dma_semaphore, #tpu.memory_space<semaphore_mem>>
          %dma_start3A_336 = arith.constant 64 : i32
          %dma_start3A_337 = arith.constant 0 : i32
          %dma_start3A_338 = tpu.memref_slice %arg8[%dma_start3A_336, %dma_start3A_337] : memref<128x64xf32, #tpu.memory_space<vmem>> -> memref<64x64xf32, #tpu.memory_space<vmem>>
          %dma_start3A_339 = arith.constant 0 : i32
          %dma_start3A_340 = tpu.memref_slice %arg4[%run_scoped3A_334, %add3A_333, %dma_start3A_339] : memref<2x16384x64xf32, #tpu.memory_space<hbm>> -> memref<1x64x64xf32, #tpu.memory_space<hbm>>
          %dma_start3A_341 = tpu.memref_squeeze %dma_start3A_340 : memref<1x64x64xf32, #tpu.memory_space<hbm>> -> memref<64x64xf32, #tpu.memory_space<hbm>>
          %dma_start3A_342 = arith.constant 64 : i32
          %dma_start3A_343 = arith.constant 0 : i32
          %dma_start3A_344 = tpu.memref_slice %arg8[%dma_start3A_342, %dma_start3A_343] : memref<128x64xf32, #tpu.memory_space<vmem>> -> memref<64x64xf32, #tpu.memory_space<vmem>>
          %dma_start3A_345 = arith.constant 0 : i32
          %dma_start3A_346 = tpu.memref_slice %arg4[%run_scoped3A_334, %add3A_333, %dma_start3A_345] : memref<2x16384x64xf32, #tpu.memory_space<hbm>> -> memref<1x64x64xf32, #tpu.memory_space<hbm>>
          %dma_start3A_347 = tpu.memref_squeeze %dma_start3A_346 : memref<1x64x64xf32, #tpu.memory_space<hbm>> -> memref<64x64xf32, #tpu.memory_space<hbm>>
          tpu.enqueue_dma source(%dma_start3A_347 : memref<64x64xf32, #tpu.memory_space<hbm>>) target(%dma_start3A_344 : memref<64x64xf32, #tpu.memory_space<vmem>>) target_semaphore(%run_scoped3A_335 : memref<!tpu.dma_semaphore, #tpu.memory_space<semaphore_mem>>)
          %dma_wait3A_348 = arith.constant 64 : i32
          %dma_wait3A_349 = arith.constant 0 : i32
          %dma_wait3A_350 = tpu.memref_slice %arg8[%dma_wait3A_348, %dma_wait3A_349] : memref<128x64xf32, #tpu.memory_space<vmem>> -> memref<64x64xf32, #tpu.memory_space<vmem>>
          %dma_wait3A_351 = arith.constant 0 : i32
          %dma_wait3A_352 = tpu.memref_slice %arg4[%run_scoped3A_334, %add3A_333, %dma_wait3A_351] : memref<2x16384x64xf32, #tpu.memory_space<hbm>> -> memref<1x64x64xf32, #tpu.memory_space<hbm>>
          %dma_wait3A_353 = tpu.memref_squeeze %dma_wait3A_352 : memref<1x64x64xf32, #tpu.memory_space<hbm>> -> memref<64x64xf32, #tpu.memory_space<hbm>>
          %dma_wait3A_354 = arith.constant 64 : i32
          %dma_wait3A_355 = arith.constant 0 : i32
          %dma_wait3A_356 = tpu.memref_slice %arg8[%dma_wait3A_354, %dma_wait3A_355] : memref<128x64xf32, #tpu.memory_space<vmem>> -> memref<64x64xf32, #tpu.memory_space<vmem>>
          %dma_wait3A_357 = arith.constant 0 : i32
          %dma_wait3A_358 = tpu.memref_slice %arg4[%run_scoped3A_334, %add3A_333, %dma_wait3A_357] : memref<2x16384x64xf32, #tpu.memory_space<hbm>> -> memref<1x64x64xf32, #tpu.memory_space<hbm>>
          %dma_wait3A_359 = tpu.memref_squeeze %dma_wait3A_358 : memref<1x64x64xf32, #tpu.memory_space<hbm>> -> memref<64x64xf32, #tpu.memory_space<hbm>>
          tpu.wait_dma2 semaphore(%run_scoped3A_335 : memref<!tpu.dma_semaphore, #tpu.memory_space<semaphore_mem>>) src(%dma_wait3A_359 : memref<64x64xf32, #tpu.memory_space<hbm>>) dst(%dma_wait3A_356 : memref<64x64xf32, #tpu.memory_space<vmem>>)
          tpu.yield
        }) : () -> ()
      } else {
      }
      %scan3A_240 = arith.constant 0 : i32
      %scan3A_241 = arith.constant 64 : i32
      %scan3A_242 = arith.addi %scan3A_240, %scan3A_241 : i32
      %scan3A_243 = arith.constant 1 : i32
      %scan3A_244:8 = scf.for %scan3A_283 = %scan3A_240 to %scan3A_242 step %scan3A_243 iter_args(%scan3A_284 = %scan3A_167#0, %scan3A_285 = %scan3A_167#1, %scan3A_286 = %scan3A_167#2, %scan3A_287 = %scan3A_167#3, %scan3A_288 = %scan3A_167#4, %scan3A_289 = %scan3A_167#5, %scan3A_290 = %scan3A_167#6, %scan3A_291 = %scan3A_167#7) -> (vector<16xf32>, vector<16xf32>, vector<16xf32>, vector<16xf32>, vector<16xf32>, vector<16xf32>, vector<16xf32>, vector<16xf32>)  : i32 {
        %mul3A_292 = arith.constant 2 : i32
        %mul3A_293 = arith.muli %mul3A_292, %scan3A_283 : i32
        %add3A_294 = arith.constant 0 : i32
        %add3A_295 = arith.addi %mul3A_293, %add3A_294 : i32
        %add3A_296 = arith.constant 0 : i32
        %add3A_297 = arith.addi %add3A_296, %scan3A_283 : i32
        %get3A = arith.index_cast %add3A_297 : i32 to index
        %get3A_298 = arith.constant 0 : index
        %get3A_299 = tpu.vector_load %arg8[%get3A, %get3A_298] {strides = array<i32>} : memref<128x64xf32, #tpu.memory_space<vmem>>, vector<16xf32>,
        %get3A_300 = arith.index_cast %add3A_295 : i32 to index
        %get3A_301 = arith.constant 0 : index
        %get3A_302 = tpu.vector_load %arg11[%get3A_300, %get3A_301] {strides = array<i32>} : memref<128x64xf32, #tpu.memory_space<vmem>>, vector<16xf32>,
        %add3A_303 = arith.addf %get3A_302, %get3A_299 : vector<16xf32>
        %get3A_304 = arith.index_cast %add3A_295 : i32 to index
        %get3A_305 = arith.constant 0 : index
        %get3A_306 = tpu.vector_load %arg12[%get3A_304, %get3A_305] {strides = array<i32>} : memref<128x64xf32, #tpu.memory_space<vmem>>, vector<16xf32>,
        %add3A_307 = arith.addf %get3A_306, %get3A_299 : vector<16xf32>
        %add3A_308 = arith.addf %add3A_303, %add3A_307 : vector<16xf32>
        %add3A_309 = arith.addf %scan3A_284, %add3A_308 : vector<16xf32>
        %mul3A_310 = arith.mulf %add3A_303, %add3A_303 : vector<16xf32>
        %mul3A_311 = arith.mulf %add3A_307, %add3A_307 : vector<16xf32>
        %add3A_312 = arith.addf %mul3A_310, %mul3A_311 : vector<16xf32>
        %add3A_313 = arith.addf %scan3A_288, %add3A_312 : vector<16xf32>
        %bitcast3A = vector.bitcast %add3A_303 : vector<16xf32> to vector<16xi32>
        %bitcast3A_314 = vector.bitcast %add3A_307 : vector<16xf32> to vector<16xi32>
        %add3A_315 = arith.addi %bitcast3A, %broadcast_in_dim3A_21 : vector<16xi32>
        %shift_right_logical3A = arith.constant 16 : i32
        %shift_right_logical3A_316 = vector.broadcast %shift_right_logical3A : i32 to vector<16xi32>
        %shift_right_logical3A_317 = arith.shrui %add3A_315, %shift_right_logical3A_316 : vector<16xi32>
        %add3A_318 = arith.addi %bitcast3A_314, %broadcast_in_dim3A_21 : vector<16xi32>
        %and3A_319 = arith.andi %add3A_318, %broadcast_in_dim3A_23 : vector<16xi32>
        %or3A = arith.ori %shift_right_logical3A_317, %and3A_319 : vector<16xi32>
        %swap3A_320 = arith.index_cast %scan3A_283 : i32 to index
        %swap3A_321 = arith.constant 0 : index
        %swap3A_322 = tpu.vector_load %arg14[%swap3A_320, %swap3A_321] {strides = array<i32>} : memref<64x128xi32, #tpu.memory_space<vmem>>, vector<16xi32>,
        tpu.vector_store %arg14[%swap3A_320, %swap3A_321], %or3A {strides = array<i32>} : memref<64x128xi32, #tpu.memory_space<vmem>>, vector<16xi32>,
        %add3A_323 = arith.constant 0 : i32
        %add3A_324 = arith.addi %add3A_323, %scan3A_283 : i32
        %get3A_325 = arith.index_cast %add3A_324 : i32 to index
        %get3A_326 = arith.constant 16 : index
        %get3A_327 = tpu.vector_load %arg8[%get3A_325, %get3A_326] {strides = array<i32>} : memref<128x64xf32, #tpu.memory_space<vmem>>, vector<16xf32>,
        %get3A_328 = arith.index_cast %add3A_295 : i32 to index
        %get3A_329 = arith.constant 16 : index
        %get3A_330 = tpu.vector_load %arg11[%get3A_328, %get3A_329] {strides = array<i32>} : memref<128x64xf32, #tpu.memory_space<vmem>>, vector<16xf32>,
        %add3A_331 = arith.addf %get3A_330, %get3A_327 : vector<16xf32>
        %get3A_332 = arith.index_cast %add3A_295 : i32 to index
        %get3A_333 = arith.constant 16 : index
        %get3A_334 = tpu.vector_load %arg12[%get3A_332, %get3A_333] {strides = array<i32>} : memref<128x64xf32, #tpu.memory_space<vmem>>, vector<16xf32>,
        %add3A_335 = arith.addf %get3A_334, %get3A_327 : vector<16xf32>
        %add3A_336 = arith.addf %add3A_331, %add3A_335 : vector<16xf32>
        %add3A_337 = arith.addf %scan3A_285, %add3A_336 : vector<16xf32>
        %mul3A_338 = arith.mulf %add3A_331, %add3A_331 : vector<16xf32>
        %mul3A_339 = arith.mulf %add3A_335, %add3A_335 : vector<16xf32>
        %add3A_340 = arith.addf %mul3A_338, %mul3A_339 : vector<16xf32>
        %add3A_341 = arith.addf %scan3A_289, %add3A_340 : vector<16xf32>
        %bitcast3A_342 = vector.bitcast %add3A_331 : vector<16xf32> to vector<16xi32>
        %bitcast3A_343 = vector.bitcast %add3A_335 : vector<16xf32> to vector<16xi32>
        %add3A_344 = arith.addi %bitcast3A_342, %broadcast_in_dim3A_21 : vector<16xi32>
        %shift_right_logical3A_345 = arith.constant 16 : i32
        %shift_right_logical3A_346 = vector.broadcast %shift_right_logical3A_345 : i32 to vector<16xi32>
        %shift_right_logical3A_347 = arith.shrui %add3A_344, %shift_right_logical3A_346 : vector<16xi32>
        %add3A_348 = arith.addi %bitcast3A_343, %broadcast_in_dim3A_21 : vector<16xi32>
        %and3A_349 = arith.andi %add3A_348, %broadcast_in_dim3A_23 : vector<16xi32>
        %or3A_350 = arith.ori %shift_right_logical3A_347, %and3A_349 : vector<16xi32>
        %swap3A_351 = arith.index_cast %scan3A_283 : i32 to index
        %swap3A_352 = arith.constant 16 : index
        %swap3A_353 = tpu.vector_load %arg14[%swap3A_351, %swap3A_352] {strides = array<i32>} : memref<64x128xi32, #tpu.memory_space<vmem>>, vector<16xi32>,
        tpu.vector_store %arg14[%swap3A_351, %swap3A_352], %or3A_350 {strides = array<i32>} : memref<64x128xi32, #tpu.memory_space<vmem>>, vector<16xi32>,
        %add3A_354 = arith.constant 0 : i32
        %add3A_355 = arith.addi %add3A_354, %scan3A_283 : i32
        %get3A_356 = arith.index_cast %add3A_355 : i32 to index
        %get3A_357 = arith.constant 32 : index
        %get3A_358 = tpu.vector_load %arg8[%get3A_356, %get3A_357] {strides = array<i32>} : memref<128x64xf32, #tpu.memory_space<vmem>>, vector<16xf32>,
        %get3A_359 = arith.index_cast %add3A_295 : i32 to index
        %get3A_360 = arith.constant 32 : index
        %get3A_361 = tpu.vector_load %arg11[%get3A_359, %get3A_360] {strides = array<i32>} : memref<128x64xf32, #tpu.memory_space<vmem>>, vector<16xf32>,
        %add3A_362 = arith.addf %get3A_361, %get3A_358 : vector<16xf32>
        %get3A_363 = arith.index_cast %add3A_295 : i32 to index
        %get3A_364 = arith.constant 32 : index
        %get3A_365 = tpu.vector_load %arg12[%get3A_363, %get3A_364] {strides = array<i32>} : memref<128x64xf32, #tpu.memory_space<vmem>>, vector<16xf32>,
        %add3A_366 = arith.addf %get3A_365, %get3A_358 : vector<16xf32>
        %add3A_367 = arith.addf %add3A_362, %add3A_366 : vector<16xf32>
        %add3A_368 = arith.addf %scan3A_286, %add3A_367 : vector<16xf32>
        %mul3A_369 = arith.mulf %add3A_362, %add3A_362 : vector<16xf32>
        %mul3A_370 = arith.mulf %add3A_366, %add3A_366 : vector<16xf32>
        %add3A_371 = arith.addf %mul3A_369, %mul3A_370 : vector<16xf32>
        %add3A_372 = arith.addf %scan3A_290, %add3A_371 : vector<16xf32>
        %bitcast3A_373 = vector.bitcast %add3A_362 : vector<16xf32> to vector<16xi32>
        %bitcast3A_374 = vector.bitcast %add3A_366 : vector<16xf32> to vector<16xi32>
        %add3A_375 = arith.addi %bitcast3A_373, %broadcast_in_dim3A_21 : vector<16xi32>
        %shift_right_logical3A_376 = arith.constant 16 : i32
        %shift_right_logical3A_377 = vector.broadcast %shift_right_logical3A_376 : i32 to vector<16xi32>
        %shift_right_logical3A_378 = arith.shrui %add3A_375, %shift_right_logical3A_377 : vector<16xi32>
        %add3A_379 = arith.addi %bitcast3A_374, %broadcast_in_dim3A_21 : vector<16xi32>
        %and3A_380 = arith.andi %add3A_379, %broadcast_in_dim3A_23 : vector<16xi32>
        %or3A_381 = arith.ori %shift_right_logical3A_378, %and3A_380 : vector<16xi32>
        %swap3A_382 = arith.index_cast %scan3A_283 : i32 to index
        %swap3A_383 = arith.constant 32 : index
        %swap3A_384 = tpu.vector_load %arg14[%swap3A_382, %swap3A_383] {strides = array<i32>} : memref<64x128xi32, #tpu.memory_space<vmem>>, vector<16xi32>,
        tpu.vector_store %arg14[%swap3A_382, %swap3A_383], %or3A_381 {strides = array<i32>} : memref<64x128xi32, #tpu.memory_space<vmem>>, vector<16xi32>,
        %add3A_385 = arith.constant 0 : i32
        %add3A_386 = arith.addi %add3A_385, %scan3A_283 : i32
        %get3A_387 = arith.index_cast %add3A_386 : i32 to index
        %get3A_388 = arith.constant 48 : index
        %get3A_389 = tpu.vector_load %arg8[%get3A_387, %get3A_388] {strides = array<i32>} : memref<128x64xf32, #tpu.memory_space<vmem>>, vector<16xf32>,
        %get3A_390 = arith.index_cast %add3A_295 : i32 to index
        %get3A_391 = arith.constant 48 : index
        %get3A_392 = tpu.vector_load %arg11[%get3A_390, %get3A_391] {strides = array<i32>} : memref<128x64xf32, #tpu.memory_space<vmem>>, vector<16xf32>,
        %add3A_393 = arith.addf %get3A_392, %get3A_389 : vector<16xf32>
        %get3A_394 = arith.index_cast %add3A_295 : i32 to index
        %get3A_395 = arith.constant 48 : index
        %get3A_396 = tpu.vector_load %arg12[%get3A_394, %get3A_395] {strides = array<i32>} : memref<128x64xf32, #tpu.memory_space<vmem>>, vector<16xf32>,
        %add3A_397 = arith.addf %get3A_396, %get3A_389 : vector<16xf32>
        %add3A_398 = arith.addf %add3A_393, %add3A_397 : vector<16xf32>
        %add3A_399 = arith.addf %scan3A_287, %add3A_398 : vector<16xf32>
        %mul3A_400 = arith.mulf %add3A_393, %add3A_393 : vector<16xf32>
        %mul3A_401 = arith.mulf %add3A_397, %add3A_397 : vector<16xf32>
        %add3A_402 = arith.addf %mul3A_400, %mul3A_401 : vector<16xf32>
        %add3A_403 = arith.addf %scan3A_291, %add3A_402 : vector<16xf32>
        %bitcast3A_404 = vector.bitcast %add3A_393 : vector<16xf32> to vector<16xi32>
        %bitcast3A_405 = vector.bitcast %add3A_397 : vector<16xf32> to vector<16xi32>
        %add3A_406 = arith.addi %bitcast3A_404, %broadcast_in_dim3A_21 : vector<16xi32>
        %shift_right_logical3A_407 = arith.constant 16 : i32
        %shift_right_logical3A_408 = vector.broadcast %shift_right_logical3A_407 : i32 to vector<16xi32>
        %shift_right_logical3A_409 = arith.shrui %add3A_406, %shift_right_logical3A_408 : vector<16xi32>
        %add3A_410 = arith.addi %bitcast3A_405, %broadcast_in_dim3A_21 : vector<16xi32>
        %and3A_411 = arith.andi %add3A_410, %broadcast_in_dim3A_23 : vector<16xi32>
        %or3A_412 = arith.ori %shift_right_logical3A_409, %and3A_411 : vector<16xi32>
        %swap3A_413 = arith.index_cast %scan3A_283 : i32 to index
        %swap3A_414 = arith.constant 48 : index
        %swap3A_415 = tpu.vector_load %arg14[%swap3A_413, %swap3A_414] {strides = array<i32>} : memref<64x128xi32, #tpu.memory_space<vmem>>, vector<16xi32>,
        tpu.vector_store %arg14[%swap3A_413, %swap3A_414], %or3A_412 {strides = array<i32>} : memref<64x128xi32, #tpu.memory_space<vmem>>, vector<16xi32>,
        %mul3A_416 = arith.constant 2 : i32
        %mul3A_417 = arith.muli %mul3A_416, %scan3A_283 : i32
        %add3A_418 = arith.constant 1 : i32
        %add3A_419 = arith.addi %mul3A_417, %add3A_418 : i32
        %add3A_420 = arith.constant 64 : i32
        %add3A_421 = arith.addi %add3A_420, %scan3A_283 : i32
        %get3A_422 = arith.index_cast %add3A_421 : i32 to index
        %get3A_423 = arith.constant 0 : index
        %get3A_424 = tpu.vector_load %arg8[%get3A_422, %get3A_423] {strides = array<i32>} : memref<128x64xf32, #tpu.memory_space<vmem>>, vector<16xf32>,
        %get3A_425 = arith.index_cast %add3A_419 : i32 to index
        %get3A_426 = arith.constant 0 : index
        %get3A_427 = tpu.vector_load %arg11[%get3A_425, %get3A_426] {strides = array<i32>} : memref<128x64xf32, #tpu.memory_space<vmem>>, vector<16xf32>,
        %add3A_428 = arith.addf %get3A_427, %get3A_424 : vector<16xf32>
        %get3A_429 = arith.index_cast %add3A_419 : i32 to index
        %get3A_430 = arith.constant 0 : index
        %get3A_431 = tpu.vector_load %arg12[%get3A_429, %get3A_430] {strides = array<i32>} : memref<128x64xf32, #tpu.memory_space<vmem>>, vector<16xf32>,
        %add3A_432 = arith.addf %get3A_431, %get3A_424 : vector<16xf32>
        %add3A_433 = arith.addf %add3A_428, %add3A_432 : vector<16xf32>
        %add3A_434 = arith.addf %add3A_309, %add3A_433 : vector<16xf32>
        %mul3A_435 = arith.mulf %add3A_428, %add3A_428 : vector<16xf32>
        %mul3A_436 = arith.mulf %add3A_432, %add3A_432 : vector<16xf32>
        %add3A_437 = arith.addf %mul3A_435, %mul3A_436 : vector<16xf32>
        %add3A_438 = arith.addf %add3A_313, %add3A_437 : vector<16xf32>
        %bitcast3A_439 = vector.bitcast %add3A_428 : vector<16xf32> to vector<16xi32>
        %bitcast3A_440 = vector.bitcast %add3A_432 : vector<16xf32> to vector<16xi32>
        %add3A_441 = arith.addi %bitcast3A_439, %broadcast_in_dim3A_21 : vector<16xi32>
        %shift_right_logical3A_442 = arith.constant 16 : i32
        %shift_right_logical3A_443 = vector.broadcast %shift_right_logical3A_442 : i32 to vector<16xi32>
        %shift_right_logical3A_444 = arith.shrui %add3A_441, %shift_right_logical3A_443 : vector<16xi32>
        %add3A_445 = arith.addi %bitcast3A_440, %broadcast_in_dim3A_21 : vector<16xi32>
        %and3A_446 = arith.andi %add3A_445, %broadcast_in_dim3A_23 : vector<16xi32>
        %or3A_447 = arith.ori %shift_right_logical3A_444, %and3A_446 : vector<16xi32>
        %swap3A_448 = arith.index_cast %scan3A_283 : i32 to index
        %swap3A_449 = arith.constant 64 : index
        %swap3A_450 = tpu.vector_load %arg14[%swap3A_448, %swap3A_449] {strides = array<i32>} : memref<64x128xi32, #tpu.memory_space<vmem>>, vector<16xi32>,
        tpu.vector_store %arg14[%swap3A_448, %swap3A_449], %or3A_447 {strides = array<i32>} : memref<64x128xi32, #tpu.memory_space<vmem>>, vector<16xi32>,
        %add3A_451 = arith.constant 64 : i32
        %add3A_452 = arith.addi %add3A_451, %scan3A_283 : i32
        %get3A_453 = arith.index_cast %add3A_452 : i32 to index
        %get3A_454 = arith.constant 16 : index
        %get3A_455 = tpu.vector_load %arg8[%get3A_453, %get3A_454] {strides = array<i32>} : memref<128x64xf32, #tpu.memory_space<vmem>>, vector<16xf32>,
        %get3A_456 = arith.index_cast %add3A_419 : i32 to index
        %get3A_457 = arith.constant 16 : index
        %get3A_458 = tpu.vector_load %arg11[%get3A_456, %get3A_457] {strides = array<i32>} : memref<128x64xf32, #tpu.memory_space<vmem>>, vector<16xf32>,
        %add3A_459 = arith.addf %get3A_458, %get3A_455 : vector<16xf32>
        %get3A_460 = arith.index_cast %add3A_419 : i32 to index
        %get3A_461 = arith.constant 16 : index
        %get3A_462 = tpu.vector_load %arg12[%get3A_460, %get3A_461] {strides = array<i32>} : memref<128x64xf32, #tpu.memory_space<vmem>>, vector<16xf32>,
        %add3A_463 = arith.addf %get3A_462, %get3A_455 : vector<16xf32>
        %add3A_464 = arith.addf %add3A_459, %add3A_463 : vector<16xf32>
        %add3A_465 = arith.addf %add3A_337, %add3A_464 : vector<16xf32>
        %mul3A_466 = arith.mulf %add3A_459, %add3A_459 : vector<16xf32>
        %mul3A_467 = arith.mulf %add3A_463, %add3A_463 : vector<16xf32>
        %add3A_468 = arith.addf %mul3A_466, %mul3A_467 : vector<16xf32>
        %add3A_469 = arith.addf %add3A_341, %add3A_468 : vector<16xf32>
        %bitcast3A_470 = vector.bitcast %add3A_459 : vector<16xf32> to vector<16xi32>
        %bitcast3A_471 = vector.bitcast %add3A_463 : vector<16xf32> to vector<16xi32>
        %add3A_472 = arith.addi %bitcast3A_470, %broadcast_in_dim3A_21 : vector<16xi32>
        %shift_right_logical3A_473 = arith.constant 16 : i32
        %shift_right_logical3A_474 = vector.broadcast %shift_right_logical3A_473 : i32 to vector<16xi32>
        %shift_right_logical3A_475 = arith.shrui %add3A_472, %shift_right_logical3A_474 : vector<16xi32>
        %add3A_476 = arith.addi %bitcast3A_471, %broadcast_in_dim3A_21 : vector<16xi32>
        %and3A_477 = arith.andi %add3A_476, %broadcast_in_dim3A_23 : vector<16xi32>
        %or3A_478 = arith.ori %shift_right_logical3A_475, %and3A_477 : vector<16xi32>
        %swap3A_479 = arith.index_cast %scan3A_283 : i32 to index
        %swap3A_480 = arith.constant 80 : index
        %swap3A_481 = tpu.vector_load %arg14[%swap3A_479, %swap3A_480] {strides = array<i32>} : memref<64x128xi32, #tpu.memory_space<vmem>>, vector<16xi32>,
        tpu.vector_store %arg14[%swap3A_479, %swap3A_480], %or3A_478 {strides = array<i32>} : memref<64x128xi32, #tpu.memory_space<vmem>>, vector<16xi32>,
        %add3A_482 = arith.constant 64 : i32
        %add3A_483 = arith.addi %add3A_482, %scan3A_283 : i32
        %get3A_484 = arith.index_cast %add3A_483 : i32 to index
        %get3A_485 = arith.constant 32 : index
        %get3A_486 = tpu.vector_load %arg8[%get3A_484, %get3A_485] {strides = array<i32>} : memref<128x64xf32, #tpu.memory_space<vmem>>, vector<16xf32>,
        %get3A_487 = arith.index_cast %add3A_419 : i32 to index
        %get3A_488 = arith.constant 32 : index
        %get3A_489 = tpu.vector_load %arg11[%get3A_487, %get3A_488] {strides = array<i32>} : memref<128x64xf32, #tpu.memory_space<vmem>>, vector<16xf32>,
        %add3A_490 = arith.addf %get3A_489, %get3A_486 : vector<16xf32>
        %get3A_491 = arith.index_cast %add3A_419 : i32 to index
        %get3A_492 = arith.constant 32 : index
        %get3A_493 = tpu.vector_load %arg12[%get3A_491, %get3A_492] {strides = array<i32>} : memref<128x64xf32, #tpu.memory_space<vmem>>, vector<16xf32>,
        %add3A_494 = arith.addf %get3A_493, %get3A_486 : vector<16xf32>
        %add3A_495 = arith.addf %add3A_490, %add3A_494 : vector<16xf32>
        %add3A_496 = arith.addf %add3A_368, %add3A_495 : vector<16xf32>
        %mul3A_497 = arith.mulf %add3A_490, %add3A_490 : vector<16xf32>
        %mul3A_498 = arith.mulf %add3A_494, %add3A_494 : vector<16xf32>
        %add3A_499 = arith.addf %mul3A_497, %mul3A_498 : vector<16xf32>
        %add3A_500 = arith.addf %add3A_372, %add3A_499 : vector<16xf32>
        %bitcast3A_501 = vector.bitcast %add3A_490 : vector<16xf32> to vector<16xi32>
        %bitcast3A_502 = vector.bitcast %add3A_494 : vector<16xf32> to vector<16xi32>
        %add3A_503 = arith.addi %bitcast3A_501, %broadcast_in_dim3A_21 : vector<16xi32>
        %shift_right_logical3A_504 = arith.constant 16 : i32
        %shift_right_logical3A_505 = vector.broadcast %shift_right_logical3A_504 : i32 to vector<16xi32>
        %shift_right_logical3A_506 = arith.shrui %add3A_503, %shift_right_logical3A_505 : vector<16xi32>
        %add3A_507 = arith.addi %bitcast3A_502, %broadcast_in_dim3A_21 : vector<16xi32>
        %and3A_508 = arith.andi %add3A_507, %broadcast_in_dim3A_23 : vector<16xi32>
        %or3A_509 = arith.ori %shift_right_logical3A_506, %and3A_508 : vector<16xi32>
        %swap3A_510 = arith.index_cast %scan3A_283 : i32 to index
        %swap3A_511 = arith.constant 96 : index
        %swap3A_512 = tpu.vector_load %arg14[%swap3A_510, %swap3A_511] {strides = array<i32>} : memref<64x128xi32, #tpu.memory_space<vmem>>, vector<16xi32>,
        tpu.vector_store %arg14[%swap3A_510, %swap3A_511], %or3A_509 {strides = array<i32>} : memref<64x128xi32, #tpu.memory_space<vmem>>, vector<16xi32>,
        %add3A_513 = arith.constant 64 : i32
        %add3A_514 = arith.addi %add3A_513, %scan3A_283 : i32
        %get3A_515 = arith.index_cast %add3A_514 : i32 to index
        %get3A_516 = arith.constant 48 : index
        %get3A_517 = tpu.vector_load %arg8[%get3A_515, %get3A_516] {strides = array<i32>} : memref<128x64xf32, #tpu.memory_space<vmem>>, vector<16xf32>,
        %get3A_518 = arith.index_cast %add3A_419 : i32 to index
        %get3A_519 = arith.constant 48 : index
        %get3A_520 = tpu.vector_load %arg11[%get3A_518, %get3A_519] {strides = array<i32>} : memref<128x64xf32, #tpu.memory_space<vmem>>, vector<16xf32>,
        %add3A_521 = arith.addf %get3A_520, %get3A_517 : vector<16xf32>
        %get3A_522 = arith.index_cast %add3A_419 : i32 to index
        %get3A_523 = arith.constant 48 : index
        %get3A_524 = tpu.vector_load %arg12[%get3A_522, %get3A_523] {strides = array<i32>} : memref<128x64xf32, #tpu.memory_space<vmem>>, vector<16xf32>,
        %add3A_525 = arith.addf %get3A_524, %get3A_517 : vector<16xf32>
        %add3A_526 = arith.addf %add3A_521, %add3A_525 : vector<16xf32>
        %add3A_527 = arith.addf %add3A_399, %add3A_526 : vector<16xf32>
        %mul3A_528 = arith.mulf %add3A_521, %add3A_521 : vector<16xf32>
        %mul3A_529 = arith.mulf %add3A_525, %add3A_525 : vector<16xf32>
        %add3A_530 = arith.addf %mul3A_528, %mul3A_529 : vector<16xf32>
        %add3A_531 = arith.addf %add3A_403, %add3A_530 : vector<16xf32>
        %bitcast3A_532 = vector.bitcast %add3A_521 : vector<16xf32> to vector<16xi32>
        %bitcast3A_533 = vector.bitcast %add3A_525 : vector<16xf32> to vector<16xi32>
        %add3A_534 = arith.addi %bitcast3A_532, %broadcast_in_dim3A_21 : vector<16xi32>
        %shift_right_logical3A_535 = arith.constant 16 : i32
        %shift_right_logical3A_536 = vector.broadcast %shift_right_logical3A_535 : i32 to vector<16xi32>
        %shift_right_logical3A_537 = arith.shrui %add3A_534, %shift_right_logical3A_536 : vector<16xi32>
        %add3A_538 = arith.addi %bitcast3A_533, %broadcast_in_dim3A_21 : vector<16xi32>
        %and3A_539 = arith.andi %add3A_538, %broadcast_in_dim3A_23 : vector<16xi32>
        %or3A_540 = arith.ori %shift_right_logical3A_537, %and3A_539 : vector<16xi32>
        %swap3A_541 = arith.index_cast %scan3A_283 : i32 to index
        %swap3A_542 = arith.constant 112 : index
        %swap3A_543 = tpu.vector_load %arg14[%swap3A_541, %swap3A_542] {strides = array<i32>} : memref<64x128xi32, #tpu.memory_space<vmem>>, vector<16xi32>,
        tpu.vector_store %arg14[%swap3A_541, %swap3A_542], %or3A_540 {strides = array<i32>} : memref<64x128xi32, #tpu.memory_space<vmem>>, vector<16xi32>,
        scf.yield %add3A_434, %add3A_465, %add3A_496, %add3A_527, %add3A_438, %add3A_469, %add3A_500, %add3A_531 : vector<16xf32>, vector<16xf32>, vector<16xf32>, vector<16xf32>, vector<16xf32>, vector<16xf32>, vector<16xf32>, vector<16xf32>
      }
      %scan3A_245 = arith.constant 64 : i32
      %add3A_246 = arith.constant 1 : i32
      %add3A_247 = arith.addi %mul3A_98, %add3A_246 : i32
      %jit3A_248 = arith.constant 10 : i32
      %div3A_249 = arith.divsi %add3A_247, %jit3A_248 : i32
      %sign3A_250 = arith.constant 0 : i32
      %sign3A_251 = arith.cmpi sgt, %add3A_247, %sign3A_250 : i32
      %sign3A_252 = arith.extui %sign3A_251 : i1 to i32
      %sign3A_253 = arith.constant 0 : i32
      %sign3A_254 = arith.cmpi slt, %add3A_247, %sign3A_253 : i32
      %sign3A_255 = arith.extui %sign3A_254 : i1 to i32
      %sign3A_256 = arith.subi %sign3A_252, %sign3A_255 : i32
      %sign3A_257 = arith.constant 0 : i32
      %sign3A_258 = arith.cmpi sgt, %jit3A_248, %sign3A_257 : i32
      %sign3A_259 = arith.extui %sign3A_258 : i1 to i32
      %sign3A_260 = arith.constant 0 : i32
      %sign3A_261 = arith.cmpi slt, %jit3A_248, %sign3A_260 : i32
      %sign3A_262 = arith.extui %sign3A_261 : i1 to i32
      %sign3A_263 = arith.subi %sign3A_259, %sign3A_262 : i32
      %ne3A_264 = arith.cmpi ne, %sign3A_256, %sign3A_263 : i32
      %rem3A_265 = arith.remsi %add3A_247, %jit3A_248 : i32
      %ne3A_266 = arith.constant 0 : i32
      %ne3A_267 = arith.cmpi ne, %rem3A_265, %ne3A_266 : i32
      %and3A_268 = arith.andi %ne3A_264, %ne3A_267 : i1
      %sub3A_269 = arith.constant 1 : i32
      %sub3A_270 = arith.subi %div3A_249, %sub3A_269 : i32
      %select_n3A_271 = arith.select %and3A_268, %sub3A_270, %div3A_249 : i32
      %rem3A_272 = arith.constant 10 : i32
      %rem3A_273 = arith.remsi %add3A_247, %rem3A_272 : i32
      %mul3A_274 = arith.constant 64 : i32
      %mul3A_275 = arith.muli %select_n3A_271, %mul3A_274 : i32
      %add3A_276 = arith.addi %select_n3A, %mul3A_275 : i32
      %dma_start3A_277 = arith.constant 0 : i32
      %dma_start3A_278 = tpu.memref_slice %arg5[%rem3A_273, %add3A_276, %dma_start3A_277] : memref<10x16384x128xi32, #tpu.memory_space<hbm>> -> memref<1x64x128xi32, #tpu.memory_space<hbm>>
      %dma_start3A_279 = tpu.memref_squeeze %dma_start3A_278 : memref<1x64x128xi32, #tpu.memory_space<hbm>> -> memref<64x128xi32, #tpu.memory_space<hbm>>
      %dma_start3A_280 = arith.constant 0 : i32
      %dma_start3A_281 = tpu.memref_slice %arg5[%rem3A_273, %add3A_276, %dma_start3A_280] : memref<10x16384x128xi32, #tpu.memory_space<hbm>> -> memref<1x64x128xi32, #tpu.memory_space<hbm>>
      %dma_start3A_282 = tpu.memref_squeeze %dma_start3A_281 : memref<1x64x128xi32, #tpu.memory_space<hbm>> -> memref<64x128xi32, #tpu.memory_space<hbm>>
      tpu.enqueue_dma source(%arg14 : memref<64x128xi32, #tpu.memory_space<vmem>>) target(%dma_start3A_282 : memref<64x128xi32, #tpu.memory_space<hbm>>) target_semaphore(%arg19 : memref<!tpu.dma_semaphore, #tpu.memory_space<semaphore_mem>>)
      scf.yield %scan3A_244#0, %scan3A_244#1, %scan3A_244#2, %scan3A_244#3, %scan3A_244#4, %scan3A_244#5, %scan3A_244#6, %scan3A_244#7 : vector<16xf32>, vector<16xf32>, vector<16xf32>, vector<16xf32>, vector<16xf32>, vector<16xf32>, vector<16xf32>, vector<16xf32>
    }
    %scan3A_48 = arith.constant 40 : i32
    %swap3A = arith.constant 0 : i32
    %swap3A_49 = arith.index_cast %swap3A : i32 to index
    %swap3A_50 = arith.constant 0 : index
    %swap3A_51 = tpu.vector_load %arg15[%swap3A_49, %swap3A_50] {strides = array<i32>} : memref<8x16xf32, #tpu.memory_space<vmem>>, vector<16xf32>,
    tpu.vector_store %arg15[%swap3A_49, %swap3A_50], %scan3A_47#0 {strides = array<i32>} : memref<8x16xf32, #tpu.memory_space<vmem>>, vector<16xf32>,
    %swap3A_52 = arith.constant 1 : i32
    %swap3A_53 = arith.index_cast %swap3A_52 : i32 to index
    %swap3A_54 = arith.constant 0 : index
    %swap3A_55 = tpu.vector_load %arg15[%swap3A_53, %swap3A_54] {strides = array<i32>} : memref<8x16xf32, #tpu.memory_space<vmem>>, vector<16xf32>,
    tpu.vector_store %arg15[%swap3A_53, %swap3A_54], %scan3A_47#1 {strides = array<i32>} : memref<8x16xf32, #tpu.memory_space<vmem>>, vector<16xf32>,
    %swap3A_56 = arith.constant 2 : i32
    %swap3A_57 = arith.index_cast %swap3A_56 : i32 to index
    %swap3A_58 = arith.constant 0 : index
    %swap3A_59 = tpu.vector_load %arg15[%swap3A_57, %swap3A_58] {strides = array<i32>} : memref<8x16xf32, #tpu.memory_space<vmem>>, vector<16xf32>,
    tpu.vector_store %arg15[%swap3A_57, %swap3A_58], %scan3A_47#2 {strides = array<i32>} : memref<8x16xf32, #tpu.memory_space<vmem>>, vector<16xf32>,
    %swap3A_60 = arith.constant 3 : i32
    %swap3A_61 = arith.index_cast %swap3A_60 : i32 to index
    %swap3A_62 = arith.constant 0 : index
    %swap3A_63 = tpu.vector_load %arg15[%swap3A_61, %swap3A_62] {strides = array<i32>} : memref<8x16xf32, #tpu.memory_space<vmem>>, vector<16xf32>,
    tpu.vector_store %arg15[%swap3A_61, %swap3A_62], %scan3A_47#3 {strides = array<i32>} : memref<8x16xf32, #tpu.memory_space<vmem>>, vector<16xf32>,
    %swap3A_64 = arith.constant 4 : i32
    %swap3A_65 = arith.index_cast %swap3A_64 : i32 to index
    %swap3A_66 = arith.constant 0 : index
    %swap3A_67 = tpu.vector_load %arg15[%swap3A_65, %swap3A_66] {strides = array<i32>} : memref<8x16xf32, #tpu.memory_space<vmem>>, vector<16xf32>,
    tpu.vector_store %arg15[%swap3A_65, %swap3A_66], %scan3A_47#4 {strides = array<i32>} : memref<8x16xf32, #tpu.memory_space<vmem>>, vector<16xf32>,
    %swap3A_68 = arith.constant 5 : i32
    %swap3A_69 = arith.index_cast %swap3A_68 : i32 to index
    %swap3A_70 = arith.constant 0 : index
    %swap3A_71 = tpu.vector_load %arg15[%swap3A_69, %swap3A_70] {strides = array<i32>} : memref<8x16xf32, #tpu.memory_space<vmem>>, vector<16xf32>,
    tpu.vector_store %arg15[%swap3A_69, %swap3A_70], %scan3A_47#5 {strides = array<i32>} : memref<8x16xf32, #tpu.memory_space<vmem>>, vector<16xf32>,
    %swap3A_72 = arith.constant 6 : i32
    %swap3A_73 = arith.index_cast %swap3A_72 : i32 to index
    %swap3A_74 = arith.constant 0 : index
    %swap3A_75 = tpu.vector_load %arg15[%swap3A_73, %swap3A_74] {strides = array<i32>} : memref<8x16xf32, #tpu.memory_space<vmem>>, vector<16xf32>,
    tpu.vector_store %arg15[%swap3A_73, %swap3A_74], %scan3A_47#6 {strides = array<i32>} : memref<8x16xf32, #tpu.memory_space<vmem>>, vector<16xf32>,
    %swap3A_76 = arith.constant 7 : i32
    %swap3A_77 = arith.index_cast %swap3A_76 : i32 to index
    %swap3A_78 = arith.constant 0 : index
    %swap3A_79 = tpu.vector_load %arg15[%swap3A_77, %swap3A_78] {strides = array<i32>} : memref<8x16xf32, #tpu.memory_space<vmem>>, vector<16xf32>,
    tpu.vector_store %arg15[%swap3A_77, %swap3A_78], %scan3A_47#7 {strides = array<i32>} : memref<8x16xf32, #tpu.memory_space<vmem>>, vector<16xf32>,
    "tpu.region"() ({
      %run_scoped3A = tpu.sem_alloc : memref<!tpu.dma_semaphore, #tpu.memory_space<semaphore_mem>>
      %dma_start3A_88 = arith.constant 0 : i32
      %dma_start3A_89 = arith.constant 0 : i32
      %dma_start3A_90 = tpu.memref_slice %arg6[%add3A, %dma_start3A_88, %dma_start3A_89] : memref<32x8x16xf32, #tpu.memory_space<hbm>> -> memref<1x8x16xf32, #tpu.memory_space<hbm>>
      %dma_start3A_91 = tpu.memref_squeeze %dma_start3A_90 : memref<1x8x16xf32, #tpu.memory_space<hbm>> -> memref<8x16xf32, #tpu.memory_space<hbm>>
      %dma_start3A_92 = arith.constant 0 : i32
      %dma_start3A_93 = arith.constant 0 : i32
      %dma_start3A_94 = tpu.memref_slice %arg6[%add3A, %dma_start3A_92, %dma_start3A_93] : memref<32x8x16xf32, #tpu.memory_space<hbm>> -> memref<1x8x16xf32, #tpu.memory_space<hbm>>
      %dma_start3A_95 = tpu.memref_squeeze %dma_start3A_94 : memref<1x8x16xf32, #tpu.memory_space<hbm>> -> memref<8x16xf32, #tpu.memory_space<hbm>>
      tpu.enqueue_dma source(%arg15 : memref<8x16xf32, #tpu.memory_space<vmem>>) target(%dma_start3A_95 : memref<8x16xf32, #tpu.memory_space<hbm>>) target_semaphore(%run_scoped3A : memref<!tpu.dma_semaphore, #tpu.memory_space<semaphore_mem>>)
      %dma_wait3A_96 = arith.constant 0 : i32
      %dma_wait3A_97 = arith.constant 0 : i32
      %dma_wait3A_98 = tpu.memref_slice %arg6[%add3A, %dma_wait3A_96, %dma_wait3A_97] : memref<32x8x16xf32, #tpu.memory_space<hbm>> -> memref<1x8x16xf32, #tpu.memory_space<hbm>>
      %dma_wait3A_99 = tpu.memref_squeeze %dma_wait3A_98 : memref<1x8x16xf32, #tpu.memory_space<hbm>> -> memref<8x16xf32, #tpu.memory_space<hbm>>
      %dma_wait3A_100 = arith.constant 0 : i32
      %dma_wait3A_101 = arith.constant 0 : i32
      %dma_wait3A_102 = tpu.memref_slice %arg6[%add3A, %dma_wait3A_100, %dma_wait3A_101] : memref<32x8x16xf32, #tpu.memory_space<hbm>> -> memref<1x8x16xf32, #tpu.memory_space<hbm>>
      %dma_wait3A_103 = tpu.memref_squeeze %dma_wait3A_102 : memref<1x8x16xf32, #tpu.memory_space<hbm>> -> memref<8x16xf32, #tpu.memory_space<hbm>>
      tpu.wait_dma2 semaphore(%run_scoped3A : memref<!tpu.dma_semaphore, #tpu.memory_space<semaphore_mem>>) src(%arg15 : memref<8x16xf32, #tpu.memory_space<vmem>>) dst(%dma_wait3A_103 : memref<8x16xf32, #tpu.memory_space<hbm>>)
      tpu.yield
    }) : () -> ()
    %dma_wait3A = arith.constant 0 : i32
    %dma_wait3A_80 = arith.constant 0 : i32
    %dma_wait3A_81 = arith.constant 0 : i32
    %dma_wait3A_82 = tpu.memref_slice %arg5[%dma_wait3A, %dma_wait3A_80, %dma_wait3A_81] : memref<10x16384x128xi32, #tpu.memory_space<hbm>> -> memref<1x64x128xi32, #tpu.memory_space<hbm>>
    %dma_wait3A_83 = tpu.memref_squeeze %dma_wait3A_82 : memref<1x64x128xi32, #tpu.memory_space<hbm>> -> memref<64x128xi32, #tpu.memory_space<hbm>>
    %dma_wait3A_84 = arith.constant 0 : i32
    %dma_wait3A_85 = arith.constant 0 : i32
    %dma_wait3A_86 = tpu.memref_slice %arg5[%dma_wait3A, %dma_wait3A_84, %dma_wait3A_85] : memref<10x16384x128xi32, #tpu.memory_space<hbm>> -> memref<1x64x128xi32, #tpu.memory_space<hbm>>
    %dma_wait3A_87 = tpu.memref_squeeze %dma_wait3A_86 : memref<1x64x128xi32, #tpu.memory_space<hbm>> -> memref<64x128xi32, #tpu.memory_space<hbm>>
    tpu.wait_dma2 semaphore(%arg19 : memref<!tpu.dma_semaphore, #tpu.memory_space<semaphore_mem>>) src(%arg14 : memref<64x128xi32, #tpu.memory_space<vmem>>) dst(%dma_wait3A_87 : memref<64x128xi32, #tpu.memory_space<hbm>>)
    return
  }
}

module attributes {stable_mosaic.version = 14 : i64} {
  func.func @_proj_body(%arg0: i32, %arg1: i32, %arg2: memref<1x64x2048xf32, #tpu.memory_space<vmem>>, %arg3: memref<64x128xf32, #tpu.memory_space<vmem>>, %arg4: memref<2048x64xf32, #tpu.memory_space<vmem>>, %arg5: memref<2048x64xf32, #tpu.memory_space<vmem>>) attributes {dimension_semantics = [#tpu.dimension_semantics<arbitrary>, #tpu.dimension_semantics<arbitrary>], iteration_bounds = array<i64: 2, 8>, scalar_prefetch = 0 : i64, scratch_operands = 0 : i64, tpu.core_type = #tpu.core_type<tc>, window_params = [{transform_indices = @transform_0, window_bounds = array<i64: 1, 64, 2048>}, {pipeline_mode = #tpu.pipeline_mode<synchronous>, transform_indices = @transform_1, window_bounds = array<i64: 64, 128>}, {transform_indices = @transform_2, window_bounds = array<i64: 2048, 64>}, {transform_indices = @transform_3, window_bounds = array<i64: 2048, 64>}]} {
    %get3A = arith.constant 0 : index
    %get3A_0 = arith.constant 0 : index
    %get3A_1 = arith.constant 0 : index
    %get3A_2 = vector.load %arg2[%get3A, %get3A_0, %get3A_1] : memref<1x64x2048xf32, #tpu.memory_space<vmem>>, vector<1x64x2048xf32>
    %get3A_3 = vector.shape_cast %get3A_2 : vector<1x64x2048xf32> to vector<64x2048xf32>
    %get3A_4 = arith.constant 0 : index
    %get3A_5 = arith.constant 0 : index
    %get3A_6 = vector.load %arg3[%get3A_4, %get3A_5] : memref<64x128xf32, #tpu.memory_space<vmem>>, vector<64x128xf32>
    %dot_general3A = arith.constant dense<0.000000e+00> : vector<2048x128xf32>
    %dot_general3A_7 = tpu.matmul %get3A_3, %get3A_6, %dot_general3A {dimension_numbers = #tpu.dot_dimension_numbers<[0], [0], [1], [1], [0, 1, 1, 1], [], []>, transpose_lhs_hint = false} : vector<64x2048xf32>, vector<64x128xf32>, vector<2048x128xf32> -> vector<2048x128xf32>
    %slice3A = vector.extract_strided_slice %dot_general3A_7 {offsets = [0, 0], sizes = [2048, 64], strides = [1, 1]} : vector<2048x128xf32> to vector<2048x64xf32>
    %swap3A = arith.constant 0 : index
    %swap3A_8 = arith.constant 0 : index
    %swap3A_9 = vector.load %arg4[%swap3A, %swap3A_8] : memref<2048x64xf32, #tpu.memory_space<vmem>>, vector<2048x64xf32>
    tpu.vector_store %arg4[%swap3A, %swap3A_8], %slice3A {strides = array<i32>} : memref<2048x64xf32, #tpu.memory_space<vmem>>, vector<2048x64xf32>,
    %slice3A_10 = vector.extract_strided_slice %dot_general3A_7 {offsets = [0, 64], sizes = [2048, 64], strides = [1, 1]} : vector<2048x128xf32> to vector<2048x64xf32>
    %swap3A_11 = arith.constant 0 : index
    %swap3A_12 = arith.constant 0 : index
    %swap3A_13 = vector.load %arg5[%swap3A_11, %swap3A_12] : memref<2048x64xf32, #tpu.memory_space<vmem>>, vector<2048x64xf32>
    tpu.vector_store %arg5[%swap3A_11, %swap3A_12], %slice3A_10 {strides = array<i32>} : memref<2048x64xf32, #tpu.memory_space<vmem>>, vector<2048x64xf32>,
    return
  }
  func.func @transform_0(%arg0: i32, %arg1: i32) -> (i32, i32, i32) {
    %c0_i32 = arith.constant 0 : i32
    %c0_i32_0 = arith.constant 0 : i32
    return %arg0, %c0_i32, %arg1 : i32, i32, i32
  }
  func.func @transform_1(%arg0: i32, %arg1: i32) -> (i32, i32) {
    %c0_i32 = arith.constant 0 : i32
    %c0_i32_0 = arith.constant 0 : i32
    %c0_i32_1 = arith.constant 0 : i32
    return %c0_i32, %c0_i32_0 : i32, i32
  }
  func.func @transform_2(%arg0: i32, %arg1: i32) -> (i32, i32) {
    %mul3A = arith.constant 8 : i32
    %mul3A_0 = arith.muli %arg0, %mul3A : i32
    %add3A = arith.addi %mul3A_0, %arg1 : i32
    %c0_i32 = arith.constant 0 : i32
    %c0_i32_1 = arith.constant 0 : i32
    return %add3A, %c0_i32 : i32, i32
  }
  func.func @transform_3(%arg0: i32, %arg1: i32) -> (i32, i32) {
    %mul3A = arith.constant 8 : i32
    %mul3A_0 = arith.muli %arg0, %mul3A : i32
    %add3A = arith.addi %mul3A_0, %arg1 : i32
    %c0_i32 = arith.constant 0 : i32
    %c0_i32_1 = arith.constant 0 : i32
    return %add3A, %c0_i32 : i32, i32
  }
}

module attributes {stable_mosaic.version = 14 : i64} {
  func.func @_main_body(%arg0: i32, %arg1: memref<10x256x128xi32, #tpu.memory_space<vmem>>, %arg2: memref<128x128xf32, #tpu.memory_space<vmem>>, %arg3: memref<8x128xf32, #tpu.memory_space<vmem>>, %arg4: memref<256x128xf32, #tpu.memory_space<vmem>>, %arg5: memref<1x8x128xf32, #tpu.memory_space<vmem>>, %arg6: memref<1x8x128xf32, #tpu.memory_space<vmem>>) attributes {dimension_semantics = [#tpu.dimension_semantics<arbitrary>], iteration_bounds = array<i64: 64>, scalar_prefetch = 0 : i64, scratch_operands = 0 : i64, tpu.core_type = #tpu.core_type<tc>, window_params = [{transform_indices = @transform_0, window_bounds = array<i64: 10, 256, 128>}, {pipeline_mode = #tpu.pipeline_mode<synchronous>, transform_indices = @transform_1, window_bounds = array<i64: 128, 128>}, {pipeline_mode = #tpu.pipeline_mode<synchronous>, transform_indices = @transform_2, window_bounds = array<i64: 8, 128>}, {transform_indices = @transform_3, window_bounds = array<i64: 256, 128>}, {transform_indices = @transform_4, window_bounds = array<i64: 1, 8, 128>}, {transform_indices = @transform_5, window_bounds = array<i64: 1, 8, 128>}]} {
    %get3A = arith.constant 0 : index
    %get3A_0 = arith.constant 0 : index
    %get3A_1 = vector.load %arg3[%get3A, %get3A_0] : memref<8x128xf32, #tpu.memory_space<vmem>>, vector<1x128xf32>
    %get3A_2 = arith.constant 1 : index
    %get3A_3 = arith.constant 0 : index
    %get3A_4 = vector.load %arg3[%get3A_2, %get3A_3] : memref<8x128xf32, #tpu.memory_space<vmem>>, vector<1x128xf32>
    %get3A_5 = arith.constant 0 : index
    %get3A_6 = arith.constant 0 : index
    %get3A_7 = vector.load %arg2[%get3A_5, %get3A_6] : memref<128x128xf32, #tpu.memory_space<vmem>>, vector<128x128xf32>
    %broadcast_in_dim3A = arith.constant 0xFF800000 : f32
    %broadcast_in_dim3A_8 = vector.broadcast %broadcast_in_dim3A : f32 to vector<256x128xf32>
    %broadcast_in_dim3A_9 = arith.constant 0.000000e+00 : f32
    %broadcast_in_dim3A_10 = vector.broadcast %broadcast_in_dim3A_9 : f32 to vector<256x128xf32>
    %broadcast_in_dim3A_11 = arith.constant 0.000000e+00 : f32
    %broadcast_in_dim3A_12 = vector.broadcast %broadcast_in_dim3A_11 : f32 to vector<256x128xf32>
    %get3A_13 = arith.constant 0 : index
    %get3A_14 = arith.constant 0 : index
    %get3A_15 = arith.constant 0 : index
    %get3A_16 = vector.load %arg1[%get3A_13, %get3A_14, %get3A_15] : memref<10x256x128xi32, #tpu.memory_space<vmem>>, vector<1x256x128xi32>
    %get3A_17 = vector.shape_cast %get3A_16 : vector<1x256x128xi32> to vector<256x128xi32>
    %shift_left3A = arith.constant 16 : i32
    %shift_left3A_18 = vector.broadcast %shift_left3A : i32 to vector<256x128xi32>
    %shift_left3A_19 = arith.shli %get3A_17, %shift_left3A_18 : vector<256x128xi32>
    %bitcast_convert_type3A = tpu.bitcast %shift_left3A_19 : vector<256x128xi32> -> vector<256x128xf32>
    %and3A = arith.constant -65536 : i32
    %and3A_20 = vector.broadcast %and3A : i32 to vector<256x128xi32>
    %and3A_21 = arith.andi %get3A_17, %and3A_20 : vector<256x128xi32>
    %bitcast_convert_type3A_22 = tpu.bitcast %and3A_21 : vector<256x128xi32> -> vector<256x128xf32>
    %mul3A = vector.broadcast %get3A_1 : vector<1x128xf32> to vector<256x128xf32>
    %mul3A_23 = arith.mulf %bitcast_convert_type3A, %mul3A : vector<256x128xf32>
    %add3A = vector.broadcast %get3A_4 : vector<1x128xf32> to vector<256x128xf32>
    %add3A_24 = arith.addf %mul3A_23, %add3A : vector<256x128xf32>
    %ge3A = arith.constant 0.000000e+00 : f32
    %ge3A_25 = vector.broadcast %ge3A : f32 to vector<256x128xf32>
    %ge3A_26 = arith.cmpf oge, %add3A_24, %ge3A_25 : vector<256x128xf32>
    %mul3A_27 = arith.constant 2.000000e-01 : f32
    %mul3A_28 = vector.broadcast %mul3A_27 : f32 to vector<256x128xf32>
    %mul3A_29 = arith.mulf %mul3A_28, %add3A_24 : vector<256x128xf32>
    %select_n3A = arith.select %ge3A_26, %add3A_24, %mul3A_29 : vector<256x128xi1>, vector<256x128xf32>
    %dot_general3A = arith.constant dense<0.000000e+00> : vector<256x128xf32>
    %dot_general3A_30 = tpu.matmul %select_n3A, %get3A_7, %dot_general3A {dimension_numbers = #tpu.dot_dimension_numbers<[1], [0], [0], [1], [0, 0, 1, 1], [], []>, transpose_lhs_hint = false} : vector<256x128xf32>, vector<128x128xf32>, vector<256x128xf32> -> vector<256x128xf32>
    %max3A = arith.maximumf %broadcast_in_dim3A_8, %dot_general3A_30 : vector<256x128xf32>
    %add3A_31 = arith.addf %broadcast_in_dim3A_10, %dot_general3A_30 : vector<256x128xf32>
    %mul3A_32 = arith.mulf %dot_general3A_30, %dot_general3A_30 : vector<256x128xf32>
    %add3A_33 = arith.addf %broadcast_in_dim3A_12, %mul3A_32 : vector<256x128xf32>
    %mul3A_34 = vector.broadcast %get3A_1 : vector<1x128xf32> to vector<256x128xf32>
    %mul3A_35 = arith.mulf %bitcast_convert_type3A_22, %mul3A_34 : vector<256x128xf32>
    %add3A_36 = vector.broadcast %get3A_4 : vector<1x128xf32> to vector<256x128xf32>
    %add3A_37 = arith.addf %mul3A_35, %add3A_36 : vector<256x128xf32>
    %ge3A_38 = arith.constant 0.000000e+00 : f32
    %ge3A_39 = vector.broadcast %ge3A_38 : f32 to vector<256x128xf32>
    %ge3A_40 = arith.cmpf oge, %add3A_37, %ge3A_39 : vector<256x128xf32>
    %mul3A_41 = arith.constant 2.000000e-01 : f32
    %mul3A_42 = vector.broadcast %mul3A_41 : f32 to vector<256x128xf32>
    %mul3A_43 = arith.mulf %mul3A_42, %add3A_37 : vector<256x128xf32>
    %select_n3A_44 = arith.select %ge3A_40, %add3A_37, %mul3A_43 : vector<256x128xi1>, vector<256x128xf32>
    %dot_general3A_45 = arith.constant dense<0.000000e+00> : vector<256x128xf32>
    %dot_general3A_46 = tpu.matmul %select_n3A_44, %get3A_7, %dot_general3A_45 {dimension_numbers = #tpu.dot_dimension_numbers<[1], [0], [0], [1], [0, 0, 1, 1], [], []>, transpose_lhs_hint = false} : vector<256x128xf32>, vector<128x128xf32>, vector<256x128xf32> -> vector<256x128xf32>
    %max3A_47 = arith.maximumf %max3A, %dot_general3A_46 : vector<256x128xf32>
    %add3A_48 = arith.addf %add3A_31, %dot_general3A_46 : vector<256x128xf32>
    %mul3A_49 = arith.mulf %dot_general3A_46, %dot_general3A_46 : vector<256x128xf32>
    %add3A_50 = arith.addf %add3A_33, %mul3A_49 : vector<256x128xf32>
    %get3A_51 = arith.constant 1 : index
    %get3A_52 = arith.constant 0 : index
    %get3A_53 = arith.constant 0 : index
    %get3A_54 = vector.load %arg1[%get3A_51, %get3A_52, %get3A_53] : memref<10x256x128xi32, #tpu.memory_space<vmem>>, vector<1x256x128xi32>
    %get3A_55 = vector.shape_cast %get3A_54 : vector<1x256x128xi32> to vector<256x128xi32>
    %shift_left3A_56 = arith.constant 16 : i32
    %shift_left3A_57 = vector.broadcast %shift_left3A_56 : i32 to vector<256x128xi32>
    %shift_left3A_58 = arith.shli %get3A_55, %shift_left3A_57 : vector<256x128xi32>
    %bitcast_convert_type3A_59 = tpu.bitcast %shift_left3A_58 : vector<256x128xi32> -> vector<256x128xf32>
    %and3A_60 = arith.constant -65536 : i32
    %and3A_61 = vector.broadcast %and3A_60 : i32 to vector<256x128xi32>
    %and3A_62 = arith.andi %get3A_55, %and3A_61 : vector<256x128xi32>
    %bitcast_convert_type3A_63 = tpu.bitcast %and3A_62 : vector<256x128xi32> -> vector<256x128xf32>
    %mul3A_64 = vector.broadcast %get3A_1 : vector<1x128xf32> to vector<256x128xf32>
    %mul3A_65 = arith.mulf %bitcast_convert_type3A_59, %mul3A_64 : vector<256x128xf32>
    %add3A_66 = vector.broadcast %get3A_4 : vector<1x128xf32> to vector<256x128xf32>
    %add3A_67 = arith.addf %mul3A_65, %add3A_66 : vector<256x128xf32>
    %ge3A_68 = arith.constant 0.000000e+00 : f32
    %ge3A_69 = vector.broadcast %ge3A_68 : f32 to vector<256x128xf32>
    %ge3A_70 = arith.cmpf oge, %add3A_67, %ge3A_69 : vector<256x128xf32>
    %mul3A_71 = arith.constant 2.000000e-01 : f32
    %mul3A_72 = vector.broadcast %mul3A_71 : f32 to vector<256x128xf32>
    %mul3A_73 = arith.mulf %mul3A_72, %add3A_67 : vector<256x128xf32>
    %select_n3A_74 = arith.select %ge3A_70, %add3A_67, %mul3A_73 : vector<256x128xi1>, vector<256x128xf32>
    %dot_general3A_75 = arith.constant dense<0.000000e+00> : vector<256x128xf32>
    %dot_general3A_76 = tpu.matmul %select_n3A_74, %get3A_7, %dot_general3A_75 {dimension_numbers = #tpu.dot_dimension_numbers<[1], [0], [0], [1], [0, 0, 1, 1], [], []>, transpose_lhs_hint = false} : vector<256x128xf32>, vector<128x128xf32>, vector<256x128xf32> -> vector<256x128xf32>
    %max3A_77 = arith.maximumf %max3A_47, %dot_general3A_76 : vector<256x128xf32>
    %add3A_78 = arith.addf %add3A_48, %dot_general3A_76 : vector<256x128xf32>
    %mul3A_79 = arith.mulf %dot_general3A_76, %dot_general3A_76 : vector<256x128xf32>
    %add3A_80 = arith.addf %add3A_50, %mul3A_79 : vector<256x128xf32>
    %mul3A_81 = vector.broadcast %get3A_1 : vector<1x128xf32> to vector<256x128xf32>
    %mul3A_82 = arith.mulf %bitcast_convert_type3A_63, %mul3A_81 : vector<256x128xf32>
    %add3A_83 = vector.broadcast %get3A_4 : vector<1x128xf32> to vector<256x128xf32>
    %add3A_84 = arith.addf %mul3A_82, %add3A_83 : vector<256x128xf32>
    %ge3A_85 = arith.constant 0.000000e+00 : f32
    %ge3A_86 = vector.broadcast %ge3A_85 : f32 to vector<256x128xf32>
    %ge3A_87 = arith.cmpf oge, %add3A_84, %ge3A_86 : vector<256x128xf32>
    %mul3A_88 = arith.constant 2.000000e-01 : f32
    %mul3A_89 = vector.broadcast %mul3A_88 : f32 to vector<256x128xf32>
    %mul3A_90 = arith.mulf %mul3A_89, %add3A_84 : vector<256x128xf32>
    %select_n3A_91 = arith.select %ge3A_87, %add3A_84, %mul3A_90 : vector<256x128xi1>, vector<256x128xf32>
    %dot_general3A_92 = arith.constant dense<0.000000e+00> : vector<256x128xf32>
    %dot_general3A_93 = tpu.matmul %select_n3A_91, %get3A_7, %dot_general3A_92 {dimension_numbers = #tpu.dot_dimension_numbers<[1], [0], [0], [1], [0, 0, 1, 1], [], []>, transpose_lhs_hint = false} : vector<256x128xf32>, vector<128x128xf32>, vector<256x128xf32> -> vector<256x128xf32>
    %max3A_94 = arith.maximumf %max3A_77, %dot_general3A_93 : vector<256x128xf32>
    %add3A_95 = arith.addf %add3A_78, %dot_general3A_93 : vector<256x128xf32>
    %mul3A_96 = arith.mulf %dot_general3A_93, %dot_general3A_93 : vector<256x128xf32>
    %add3A_97 = arith.addf %add3A_80, %mul3A_96 : vector<256x128xf32>
    %get3A_98 = arith.constant 2 : index
    %get3A_99 = arith.constant 0 : index
    %get3A_100 = arith.constant 0 : index
    %get3A_101 = vector.load %arg1[%get3A_98, %get3A_99, %get3A_100] : memref<10x256x128xi32, #tpu.memory_space<vmem>>, vector<1x256x128xi32>
    %get3A_102 = vector.shape_cast %get3A_101 : vector<1x256x128xi32> to vector<256x128xi32>
    %shift_left3A_103 = arith.constant 16 : i32
    %shift_left3A_104 = vector.broadcast %shift_left3A_103 : i32 to vector<256x128xi32>
    %shift_left3A_105 = arith.shli %get3A_102, %shift_left3A_104 : vector<256x128xi32>
    %bitcast_convert_type3A_106 = tpu.bitcast %shift_left3A_105 : vector<256x128xi32> -> vector<256x128xf32>
    %and3A_107 = arith.constant -65536 : i32
    %and3A_108 = vector.broadcast %and3A_107 : i32 to vector<256x128xi32>
    %and3A_109 = arith.andi %get3A_102, %and3A_108 : vector<256x128xi32>
    %bitcast_convert_type3A_110 = tpu.bitcast %and3A_109 : vector<256x128xi32> -> vector<256x128xf32>
    %mul3A_111 = vector.broadcast %get3A_1 : vector<1x128xf32> to vector<256x128xf32>
    %mul3A_112 = arith.mulf %bitcast_convert_type3A_106, %mul3A_111 : vector<256x128xf32>
    %add3A_113 = vector.broadcast %get3A_4 : vector<1x128xf32> to vector<256x128xf32>
    %add3A_114 = arith.addf %mul3A_112, %add3A_113 : vector<256x128xf32>
    %ge3A_115 = arith.constant 0.000000e+00 : f32
    %ge3A_116 = vector.broadcast %ge3A_115 : f32 to vector<256x128xf32>
    %ge3A_117 = arith.cmpf oge, %add3A_114, %ge3A_116 : vector<256x128xf32>
    %mul3A_118 = arith.constant 2.000000e-01 : f32
    %mul3A_119 = vector.broadcast %mul3A_118 : f32 to vector<256x128xf32>
    %mul3A_120 = arith.mulf %mul3A_119, %add3A_114 : vector<256x128xf32>
    %select_n3A_121 = arith.select %ge3A_117, %add3A_114, %mul3A_120 : vector<256x128xi1>, vector<256x128xf32>
    %dot_general3A_122 = arith.constant dense<0.000000e+00> : vector<256x128xf32>
    %dot_general3A_123 = tpu.matmul %select_n3A_121, %get3A_7, %dot_general3A_122 {dimension_numbers = #tpu.dot_dimension_numbers<[1], [0], [0], [1], [0, 0, 1, 1], [], []>, transpose_lhs_hint = false} : vector<256x128xf32>, vector<128x128xf32>, vector<256x128xf32> -> vector<256x128xf32>
    %max3A_124 = arith.maximumf %max3A_94, %dot_general3A_123 : vector<256x128xf32>
    %add3A_125 = arith.addf %add3A_95, %dot_general3A_123 : vector<256x128xf32>
    %mul3A_126 = arith.mulf %dot_general3A_123, %dot_general3A_123 : vector<256x128xf32>
    %add3A_127 = arith.addf %add3A_97, %mul3A_126 : vector<256x128xf32>
    %mul3A_128 = vector.broadcast %get3A_1 : vector<1x128xf32> to vector<256x128xf32>
    %mul3A_129 = arith.mulf %bitcast_convert_type3A_110, %mul3A_128 : vector<256x128xf32>
    %add3A_130 = vector.broadcast %get3A_4 : vector<1x128xf32> to vector<256x128xf32>
    %add3A_131 = arith.addf %mul3A_129, %add3A_130 : vector<256x128xf32>
    %ge3A_132 = arith.constant 0.000000e+00 : f32
    %ge3A_133 = vector.broadcast %ge3A_132 : f32 to vector<256x128xf32>
    %ge3A_134 = arith.cmpf oge, %add3A_131, %ge3A_133 : vector<256x128xf32>
    %mul3A_135 = arith.constant 2.000000e-01 : f32
    %mul3A_136 = vector.broadcast %mul3A_135 : f32 to vector<256x128xf32>
    %mul3A_137 = arith.mulf %mul3A_136, %add3A_131 : vector<256x128xf32>
    %select_n3A_138 = arith.select %ge3A_134, %add3A_131, %mul3A_137 : vector<256x128xi1>, vector<256x128xf32>
    %dot_general3A_139 = arith.constant dense<0.000000e+00> : vector<256x128xf32>
    %dot_general3A_140 = tpu.matmul %select_n3A_138, %get3A_7, %dot_general3A_139 {dimension_numbers = #tpu.dot_dimension_numbers<[1], [0], [0], [1], [0, 0, 1, 1], [], []>, transpose_lhs_hint = false} : vector<256x128xf32>, vector<128x128xf32>, vector<256x128xf32> -> vector<256x128xf32>
    %max3A_141 = arith.maximumf %max3A_124, %dot_general3A_140 : vector<256x128xf32>
    %add3A_142 = arith.addf %add3A_125, %dot_general3A_140 : vector<256x128xf32>
    %mul3A_143 = arith.mulf %dot_general3A_140, %dot_general3A_140 : vector<256x128xf32>
    %add3A_144 = arith.addf %add3A_127, %mul3A_143 : vector<256x128xf32>
    %get3A_145 = arith.constant 3 : index
    %get3A_146 = arith.constant 0 : index
    %get3A_147 = arith.constant 0 : index
    %get3A_148 = vector.load %arg1[%get3A_145, %get3A_146, %get3A_147] : memref<10x256x128xi32, #tpu.memory_space<vmem>>, vector<1x256x128xi32>
    %get3A_149 = vector.shape_cast %get3A_148 : vector<1x256x128xi32> to vector<256x128xi32>
    %shift_left3A_150 = arith.constant 16 : i32
    %shift_left3A_151 = vector.broadcast %shift_left3A_150 : i32 to vector<256x128xi32>
    %shift_left3A_152 = arith.shli %get3A_149, %shift_left3A_151 : vector<256x128xi32>
    %bitcast_convert_type3A_153 = tpu.bitcast %shift_left3A_152 : vector<256x128xi32> -> vector<256x128xf32>
    %and3A_154 = arith.constant -65536 : i32
    %and3A_155 = vector.broadcast %and3A_154 : i32 to vector<256x128xi32>
    %and3A_156 = arith.andi %get3A_149, %and3A_155 : vector<256x128xi32>
    %bitcast_convert_type3A_157 = tpu.bitcast %and3A_156 : vector<256x128xi32> -> vector<256x128xf32>
    %mul3A_158 = vector.broadcast %get3A_1 : vector<1x128xf32> to vector<256x128xf32>
    %mul3A_159 = arith.mulf %bitcast_convert_type3A_153, %mul3A_158 : vector<256x128xf32>
    %add3A_160 = vector.broadcast %get3A_4 : vector<1x128xf32> to vector<256x128xf32>
    %add3A_161 = arith.addf %mul3A_159, %add3A_160 : vector<256x128xf32>
    %ge3A_162 = arith.constant 0.000000e+00 : f32
    %ge3A_163 = vector.broadcast %ge3A_162 : f32 to vector<256x128xf32>
    %ge3A_164 = arith.cmpf oge, %add3A_161, %ge3A_163 : vector<256x128xf32>
    %mul3A_165 = arith.constant 2.000000e-01 : f32
    %mul3A_166 = vector.broadcast %mul3A_165 : f32 to vector<256x128xf32>
    %mul3A_167 = arith.mulf %mul3A_166, %add3A_161 : vector<256x128xf32>
    %select_n3A_168 = arith.select %ge3A_164, %add3A_161, %mul3A_167 : vector<256x128xi1>, vector<256x128xf32>
    %dot_general3A_169 = arith.constant dense<0.000000e+00> : vector<256x128xf32>
    %dot_general3A_170 = tpu.matmul %select_n3A_168, %get3A_7, %dot_general3A_169 {dimension_numbers = #tpu.dot_dimension_numbers<[1], [0], [0], [1], [0, 0, 1, 1], [], []>, transpose_lhs_hint = false} : vector<256x128xf32>, vector<128x128xf32>, vector<256x128xf32> -> vector<256x128xf32>
    %max3A_171 = arith.maximumf %max3A_141, %dot_general3A_170 : vector<256x128xf32>
    %add3A_172 = arith.addf %add3A_142, %dot_general3A_170 : vector<256x128xf32>
    %mul3A_173 = arith.mulf %dot_general3A_170, %dot_general3A_170 : vector<256x128xf32>
    %add3A_174 = arith.addf %add3A_144, %mul3A_173 : vector<256x128xf32>
    %mul3A_175 = vector.broadcast %get3A_1 : vector<1x128xf32> to vector<256x128xf32>
    %mul3A_176 = arith.mulf %bitcast_convert_type3A_157, %mul3A_175 : vector<256x128xf32>
    %add3A_177 = vector.broadcast %get3A_4 : vector<1x128xf32> to vector<256x128xf32>
    %add3A_178 = arith.addf %mul3A_176, %add3A_177 : vector<256x128xf32>
    %ge3A_179 = arith.constant 0.000000e+00 : f32
    %ge3A_180 = vector.broadcast %ge3A_179 : f32 to vector<256x128xf32>
    %ge3A_181 = arith.cmpf oge, %add3A_178, %ge3A_180 : vector<256x128xf32>
    %mul3A_182 = arith.constant 2.000000e-01 : f32
    %mul3A_183 = vector.broadcast %mul3A_182 : f32 to vector<256x128xf32>
    %mul3A_184 = arith.mulf %mul3A_183, %add3A_178 : vector<256x128xf32>
    %select_n3A_185 = arith.select %ge3A_181, %add3A_178, %mul3A_184 : vector<256x128xi1>, vector<256x128xf32>
    %dot_general3A_186 = arith.constant dense<0.000000e+00> : vector<256x128xf32>
    %dot_general3A_187 = tpu.matmul %select_n3A_185, %get3A_7, %dot_general3A_186 {dimension_numbers = #tpu.dot_dimension_numbers<[1], [0], [0], [1], [0, 0, 1, 1], [], []>, transpose_lhs_hint = false} : vector<256x128xf32>, vector<128x128xf32>, vector<256x128xf32> -> vector<256x128xf32>
    %max3A_188 = arith.maximumf %max3A_171, %dot_general3A_187 : vector<256x128xf32>
    %add3A_189 = arith.addf %add3A_172, %dot_general3A_187 : vector<256x128xf32>
    %mul3A_190 = arith.mulf %dot_general3A_187, %dot_general3A_187 : vector<256x128xf32>
    %add3A_191 = arith.addf %add3A_174, %mul3A_190 : vector<256x128xf32>
    %get3A_192 = arith.constant 4 : index
    %get3A_193 = arith.constant 0 : index
    %get3A_194 = arith.constant 0 : index
    %get3A_195 = vector.load %arg1[%get3A_192, %get3A_193, %get3A_194] : memref<10x256x128xi32, #tpu.memory_space<vmem>>, vector<1x256x128xi32>
    %get3A_196 = vector.shape_cast %get3A_195 : vector<1x256x128xi32> to vector<256x128xi32>
    %shift_left3A_197 = arith.constant 16 : i32
    %shift_left3A_198 = vector.broadcast %shift_left3A_197 : i32 to vector<256x128xi32>
    %shift_left3A_199 = arith.shli %get3A_196, %shift_left3A_198 : vector<256x128xi32>
    %bitcast_convert_type3A_200 = tpu.bitcast %shift_left3A_199 : vector<256x128xi32> -> vector<256x128xf32>
    %and3A_201 = arith.constant -65536 : i32
    %and3A_202 = vector.broadcast %and3A_201 : i32 to vector<256x128xi32>
    %and3A_203 = arith.andi %get3A_196, %and3A_202 : vector<256x128xi32>
    %bitcast_convert_type3A_204 = tpu.bitcast %and3A_203 : vector<256x128xi32> -> vector<256x128xf32>
    %mul3A_205 = vector.broadcast %get3A_1 : vector<1x128xf32> to vector<256x128xf32>
    %mul3A_206 = arith.mulf %bitcast_convert_type3A_200, %mul3A_205 : vector<256x128xf32>
    %add3A_207 = vector.broadcast %get3A_4 : vector<1x128xf32> to vector<256x128xf32>
    %add3A_208 = arith.addf %mul3A_206, %add3A_207 : vector<256x128xf32>
    %ge3A_209 = arith.constant 0.000000e+00 : f32
    %ge3A_210 = vector.broadcast %ge3A_209 : f32 to vector<256x128xf32>
    %ge3A_211 = arith.cmpf oge, %add3A_208, %ge3A_210 : vector<256x128xf32>
    %mul3A_212 = arith.constant 2.000000e-01 : f32
    %mul3A_213 = vector.broadcast %mul3A_212 : f32 to vector<256x128xf32>
    %mul3A_214 = arith.mulf %mul3A_213, %add3A_208 : vector<256x128xf32>
    %select_n3A_215 = arith.select %ge3A_211, %add3A_208, %mul3A_214 : vector<256x128xi1>, vector<256x128xf32>
    %dot_general3A_216 = arith.constant dense<0.000000e+00> : vector<256x128xf32>
    %dot_general3A_217 = tpu.matmul %select_n3A_215, %get3A_7, %dot_general3A_216 {dimension_numbers = #tpu.dot_dimension_numbers<[1], [0], [0], [1], [0, 0, 1, 1], [], []>, transpose_lhs_hint = false} : vector<256x128xf32>, vector<128x128xf32>, vector<256x128xf32> -> vector<256x128xf32>
    %max3A_218 = arith.maximumf %max3A_188, %dot_general3A_217 : vector<256x128xf32>
    %add3A_219 = arith.addf %add3A_189, %dot_general3A_217 : vector<256x128xf32>
    %mul3A_220 = arith.mulf %dot_general3A_217, %dot_general3A_217 : vector<256x128xf32>
    %add3A_221 = arith.addf %add3A_191, %mul3A_220 : vector<256x128xf32>
    %mul3A_222 = vector.broadcast %get3A_1 : vector<1x128xf32> to vector<256x128xf32>
    %mul3A_223 = arith.mulf %bitcast_convert_type3A_204, %mul3A_222 : vector<256x128xf32>
    %add3A_224 = vector.broadcast %get3A_4 : vector<1x128xf32> to vector<256x128xf32>
    %add3A_225 = arith.addf %mul3A_223, %add3A_224 : vector<256x128xf32>
    %ge3A_226 = arith.constant 0.000000e+00 : f32
    %ge3A_227 = vector.broadcast %ge3A_226 : f32 to vector<256x128xf32>
    %ge3A_228 = arith.cmpf oge, %add3A_225, %ge3A_227 : vector<256x128xf32>
    %mul3A_229 = arith.constant 2.000000e-01 : f32
    %mul3A_230 = vector.broadcast %mul3A_229 : f32 to vector<256x128xf32>
    %mul3A_231 = arith.mulf %mul3A_230, %add3A_225 : vector<256x128xf32>
    %select_n3A_232 = arith.select %ge3A_228, %add3A_225, %mul3A_231 : vector<256x128xi1>, vector<256x128xf32>
    %dot_general3A_233 = arith.constant dense<0.000000e+00> : vector<256x128xf32>
    %dot_general3A_234 = tpu.matmul %select_n3A_232, %get3A_7, %dot_general3A_233 {dimension_numbers = #tpu.dot_dimension_numbers<[1], [0], [0], [1], [0, 0, 1, 1], [], []>, transpose_lhs_hint = false} : vector<256x128xf32>, vector<128x128xf32>, vector<256x128xf32> -> vector<256x128xf32>
    %max3A_235 = arith.maximumf %max3A_218, %dot_general3A_234 : vector<256x128xf32>
    %add3A_236 = arith.addf %add3A_219, %dot_general3A_234 : vector<256x128xf32>
    %mul3A_237 = arith.mulf %dot_general3A_234, %dot_general3A_234 : vector<256x128xf32>
    %add3A_238 = arith.addf %add3A_221, %mul3A_237 : vector<256x128xf32>
    %get3A_239 = arith.constant 5 : index
    %get3A_240 = arith.constant 0 : index
    %get3A_241 = arith.constant 0 : index
    %get3A_242 = vector.load %arg1[%get3A_239, %get3A_240, %get3A_241] : memref<10x256x128xi32, #tpu.memory_space<vmem>>, vector<1x256x128xi32>
    %get3A_243 = vector.shape_cast %get3A_242 : vector<1x256x128xi32> to vector<256x128xi32>
    %shift_left3A_244 = arith.constant 16 : i32
    %shift_left3A_245 = vector.broadcast %shift_left3A_244 : i32 to vector<256x128xi32>
    %shift_left3A_246 = arith.shli %get3A_243, %shift_left3A_245 : vector<256x128xi32>
    %bitcast_convert_type3A_247 = tpu.bitcast %shift_left3A_246 : vector<256x128xi32> -> vector<256x128xf32>
    %and3A_248 = arith.constant -65536 : i32
    %and3A_249 = vector.broadcast %and3A_248 : i32 to vector<256x128xi32>
    %and3A_250 = arith.andi %get3A_243, %and3A_249 : vector<256x128xi32>
    %bitcast_convert_type3A_251 = tpu.bitcast %and3A_250 : vector<256x128xi32> -> vector<256x128xf32>
    %mul3A_252 = vector.broadcast %get3A_1 : vector<1x128xf32> to vector<256x128xf32>
    %mul3A_253 = arith.mulf %bitcast_convert_type3A_247, %mul3A_252 : vector<256x128xf32>
    %add3A_254 = vector.broadcast %get3A_4 : vector<1x128xf32> to vector<256x128xf32>
    %add3A_255 = arith.addf %mul3A_253, %add3A_254 : vector<256x128xf32>
    %ge3A_256 = arith.constant 0.000000e+00 : f32
    %ge3A_257 = vector.broadcast %ge3A_256 : f32 to vector<256x128xf32>
    %ge3A_258 = arith.cmpf oge, %add3A_255, %ge3A_257 : vector<256x128xf32>
    %mul3A_259 = arith.constant 2.000000e-01 : f32
    %mul3A_260 = vector.broadcast %mul3A_259 : f32 to vector<256x128xf32>
    %mul3A_261 = arith.mulf %mul3A_260, %add3A_255 : vector<256x128xf32>
    %select_n3A_262 = arith.select %ge3A_258, %add3A_255, %mul3A_261 : vector<256x128xi1>, vector<256x128xf32>
    %dot_general3A_263 = arith.constant dense<0.000000e+00> : vector<256x128xf32>
    %dot_general3A_264 = tpu.matmul %select_n3A_262, %get3A_7, %dot_general3A_263 {dimension_numbers = #tpu.dot_dimension_numbers<[1], [0], [0], [1], [0, 0, 1, 1], [], []>, transpose_lhs_hint = false} : vector<256x128xf32>, vector<128x128xf32>, vector<256x128xf32> -> vector<256x128xf32>
    %max3A_265 = arith.maximumf %max3A_235, %dot_general3A_264 : vector<256x128xf32>
    %add3A_266 = arith.addf %add3A_236, %dot_general3A_264 : vector<256x128xf32>
    %mul3A_267 = arith.mulf %dot_general3A_264, %dot_general3A_264 : vector<256x128xf32>
    %add3A_268 = arith.addf %add3A_238, %mul3A_267 : vector<256x128xf32>
    %mul3A_269 = vector.broadcast %get3A_1 : vector<1x128xf32> to vector<256x128xf32>
    %mul3A_270 = arith.mulf %bitcast_convert_type3A_251, %mul3A_269 : vector<256x128xf32>
    %add3A_271 = vector.broadcast %get3A_4 : vector<1x128xf32> to vector<256x128xf32>
    %add3A_272 = arith.addf %mul3A_270, %add3A_271 : vector<256x128xf32>
    %ge3A_273 = arith.constant 0.000000e+00 : f32
    %ge3A_274 = vector.broadcast %ge3A_273 : f32 to vector<256x128xf32>
    %ge3A_275 = arith.cmpf oge, %add3A_272, %ge3A_274 : vector<256x128xf32>
    %mul3A_276 = arith.constant 2.000000e-01 : f32
    %mul3A_277 = vector.broadcast %mul3A_276 : f32 to vector<256x128xf32>
    %mul3A_278 = arith.mulf %mul3A_277, %add3A_272 : vector<256x128xf32>
    %select_n3A_279 = arith.select %ge3A_275, %add3A_272, %mul3A_278 : vector<256x128xi1>, vector<256x128xf32>
    %dot_general3A_280 = arith.constant dense<0.000000e+00> : vector<256x128xf32>
    %dot_general3A_281 = tpu.matmul %select_n3A_279, %get3A_7, %dot_general3A_280 {dimension_numbers = #tpu.dot_dimension_numbers<[1], [0], [0], [1], [0, 0, 1, 1], [], []>, transpose_lhs_hint = false} : vector<256x128xf32>, vector<128x128xf32>, vector<256x128xf32> -> vector<256x128xf32>
    %max3A_282 = arith.maximumf %max3A_265, %dot_general3A_281 : vector<256x128xf32>
    %add3A_283 = arith.addf %add3A_266, %dot_general3A_281 : vector<256x128xf32>
    %mul3A_284 = arith.mulf %dot_general3A_281, %dot_general3A_281 : vector<256x128xf32>
    %add3A_285 = arith.addf %add3A_268, %mul3A_284 : vector<256x128xf32>
    %get3A_286 = arith.constant 6 : index
    %get3A_287 = arith.constant 0 : index
    %get3A_288 = arith.constant 0 : index
    %get3A_289 = vector.load %arg1[%get3A_286, %get3A_287, %get3A_288] : memref<10x256x128xi32, #tpu.memory_space<vmem>>, vector<1x256x128xi32>
    %get3A_290 = vector.shape_cast %get3A_289 : vector<1x256x128xi32> to vector<256x128xi32>
    %shift_left3A_291 = arith.constant 16 : i32
    %shift_left3A_292 = vector.broadcast %shift_left3A_291 : i32 to vector<256x128xi32>
    %shift_left3A_293 = arith.shli %get3A_290, %shift_left3A_292 : vector<256x128xi32>
    %bitcast_convert_type3A_294 = tpu.bitcast %shift_left3A_293 : vector<256x128xi32> -> vector<256x128xf32>
    %and3A_295 = arith.constant -65536 : i32
    %and3A_296 = vector.broadcast %and3A_295 : i32 to vector<256x128xi32>
    %and3A_297 = arith.andi %get3A_290, %and3A_296 : vector<256x128xi32>
    %bitcast_convert_type3A_298 = tpu.bitcast %and3A_297 : vector<256x128xi32> -> vector<256x128xf32>
    %mul3A_299 = vector.broadcast %get3A_1 : vector<1x128xf32> to vector<256x128xf32>
    %mul3A_300 = arith.mulf %bitcast_convert_type3A_294, %mul3A_299 : vector<256x128xf32>
    %add3A_301 = vector.broadcast %get3A_4 : vector<1x128xf32> to vector<256x128xf32>
    %add3A_302 = arith.addf %mul3A_300, %add3A_301 : vector<256x128xf32>
    %ge3A_303 = arith.constant 0.000000e+00 : f32
    %ge3A_304 = vector.broadcast %ge3A_303 : f32 to vector<256x128xf32>
    %ge3A_305 = arith.cmpf oge, %add3A_302, %ge3A_304 : vector<256x128xf32>
    %mul3A_306 = arith.constant 2.000000e-01 : f32
    %mul3A_307 = vector.broadcast %mul3A_306 : f32 to vector<256x128xf32>
    %mul3A_308 = arith.mulf %mul3A_307, %add3A_302 : vector<256x128xf32>
    %select_n3A_309 = arith.select %ge3A_305, %add3A_302, %mul3A_308 : vector<256x128xi1>, vector<256x128xf32>
    %dot_general3A_310 = arith.constant dense<0.000000e+00> : vector<256x128xf32>
    %dot_general3A_311 = tpu.matmul %select_n3A_309, %get3A_7, %dot_general3A_310 {dimension_numbers = #tpu.dot_dimension_numbers<[1], [0], [0], [1], [0, 0, 1, 1], [], []>, transpose_lhs_hint = false} : vector<256x128xf32>, vector<128x128xf32>, vector<256x128xf32> -> vector<256x128xf32>
    %max3A_312 = arith.maximumf %max3A_282, %dot_general3A_311 : vector<256x128xf32>
    %add3A_313 = arith.addf %add3A_283, %dot_general3A_311 : vector<256x128xf32>
    %mul3A_314 = arith.mulf %dot_general3A_311, %dot_general3A_311 : vector<256x128xf32>
    %add3A_315 = arith.addf %add3A_285, %mul3A_314 : vector<256x128xf32>
    %mul3A_316 = vector.broadcast %get3A_1 : vector<1x128xf32> to vector<256x128xf32>
    %mul3A_317 = arith.mulf %bitcast_convert_type3A_298, %mul3A_316 : vector<256x128xf32>
    %add3A_318 = vector.broadcast %get3A_4 : vector<1x128xf32> to vector<256x128xf32>
    %add3A_319 = arith.addf %mul3A_317, %add3A_318 : vector<256x128xf32>
    %ge3A_320 = arith.constant 0.000000e+00 : f32
    %ge3A_321 = vector.broadcast %ge3A_320 : f32 to vector<256x128xf32>
    %ge3A_322 = arith.cmpf oge, %add3A_319, %ge3A_321 : vector<256x128xf32>
    %mul3A_323 = arith.constant 2.000000e-01 : f32
    %mul3A_324 = vector.broadcast %mul3A_323 : f32 to vector<256x128xf32>
    %mul3A_325 = arith.mulf %mul3A_324, %add3A_319 : vector<256x128xf32>
    %select_n3A_326 = arith.select %ge3A_322, %add3A_319, %mul3A_325 : vector<256x128xi1>, vector<256x128xf32>
    %dot_general3A_327 = arith.constant dense<0.000000e+00> : vector<256x128xf32>
    %dot_general3A_328 = tpu.matmul %select_n3A_326, %get3A_7, %dot_general3A_327 {dimension_numbers = #tpu.dot_dimension_numbers<[1], [0], [0], [1], [0, 0, 1, 1], [], []>, transpose_lhs_hint = false} : vector<256x128xf32>, vector<128x128xf32>, vector<256x128xf32> -> vector<256x128xf32>
    %max3A_329 = arith.maximumf %max3A_312, %dot_general3A_328 : vector<256x128xf32>
    %add3A_330 = arith.addf %add3A_313, %dot_general3A_328 : vector<256x128xf32>
    %mul3A_331 = arith.mulf %dot_general3A_328, %dot_general3A_328 : vector<256x128xf32>
    %add3A_332 = arith.addf %add3A_315, %mul3A_331 : vector<256x128xf32>
    %get3A_333 = arith.constant 7 : index
    %get3A_334 = arith.constant 0 : index
    %get3A_335 = arith.constant 0 : index
    %get3A_336 = vector.load %arg1[%get3A_333, %get3A_334, %get3A_335] : memref<10x256x128xi32, #tpu.memory_space<vmem>>, vector<1x256x128xi32>
    %get3A_337 = vector.shape_cast %get3A_336 : vector<1x256x128xi32> to vector<256x128xi32>
    %shift_left3A_338 = arith.constant 16 : i32
    %shift_left3A_339 = vector.broadcast %shift_left3A_338 : i32 to vector<256x128xi32>
    %shift_left3A_340 = arith.shli %get3A_337, %shift_left3A_339 : vector<256x128xi32>
    %bitcast_convert_type3A_341 = tpu.bitcast %shift_left3A_340 : vector<256x128xi32> -> vector<256x128xf32>
    %and3A_342 = arith.constant -65536 : i32
    %and3A_343 = vector.broadcast %and3A_342 : i32 to vector<256x128xi32>
    %and3A_344 = arith.andi %get3A_337, %and3A_343 : vector<256x128xi32>
    %bitcast_convert_type3A_345 = tpu.bitcast %and3A_344 : vector<256x128xi32> -> vector<256x128xf32>
    %mul3A_346 = vector.broadcast %get3A_1 : vector<1x128xf32> to vector<256x128xf32>
    %mul3A_347 = arith.mulf %bitcast_convert_type3A_341, %mul3A_346 : vector<256x128xf32>
    %add3A_348 = vector.broadcast %get3A_4 : vector<1x128xf32> to vector<256x128xf32>
    %add3A_349 = arith.addf %mul3A_347, %add3A_348 : vector<256x128xf32>
    %ge3A_350 = arith.constant 0.000000e+00 : f32
    %ge3A_351 = vector.broadcast %ge3A_350 : f32 to vector<256x128xf32>
    %ge3A_352 = arith.cmpf oge, %add3A_349, %ge3A_351 : vector<256x128xf32>
    %mul3A_353 = arith.constant 2.000000e-01 : f32
    %mul3A_354 = vector.broadcast %mul3A_353 : f32 to vector<256x128xf32>
    %mul3A_355 = arith.mulf %mul3A_354, %add3A_349 : vector<256x128xf32>
    %select_n3A_356 = arith.select %ge3A_352, %add3A_349, %mul3A_355 : vector<256x128xi1>, vector<256x128xf32>
    %dot_general3A_357 = arith.constant dense<0.000000e+00> : vector<256x128xf32>
    %dot_general3A_358 = tpu.matmul %select_n3A_356, %get3A_7, %dot_general3A_357 {dimension_numbers = #tpu.dot_dimension_numbers<[1], [0], [0], [1], [0, 0, 1, 1], [], []>, transpose_lhs_hint = false} : vector<256x128xf32>, vector<128x128xf32>, vector<256x128xf32> -> vector<256x128xf32>
    %max3A_359 = arith.maximumf %max3A_329, %dot_general3A_358 : vector<256x128xf32>
    %add3A_360 = arith.addf %add3A_330, %dot_general3A_358 : vector<256x128xf32>
    %mul3A_361 = arith.mulf %dot_general3A_358, %dot_general3A_358 : vector<256x128xf32>
    %add3A_362 = arith.addf %add3A_332, %mul3A_361 : vector<256x128xf32>
    %mul3A_363 = vector.broadcast %get3A_1 : vector<1x128xf32> to vector<256x128xf32>
    %mul3A_364 = arith.mulf %bitcast_convert_type3A_345, %mul3A_363 : vector<256x128xf32>
    %add3A_365 = vector.broadcast %get3A_4 : vector<1x128xf32> to vector<256x128xf32>
    %add3A_366 = arith.addf %mul3A_364, %add3A_365 : vector<256x128xf32>
    %ge3A_367 = arith.constant 0.000000e+00 : f32
    %ge3A_368 = vector.broadcast %ge3A_367 : f32 to vector<256x128xf32>
    %ge3A_369 = arith.cmpf oge, %add3A_366, %ge3A_368 : vector<256x128xf32>
    %mul3A_370 = arith.constant 2.000000e-01 : f32
    %mul3A_371 = vector.broadcast %mul3A_370 : f32 to vector<256x128xf32>
    %mul3A_372 = arith.mulf %mul3A_371, %add3A_366 : vector<256x128xf32>
    %select_n3A_373 = arith.select %ge3A_369, %add3A_366, %mul3A_372 : vector<256x128xi1>, vector<256x128xf32>
    %dot_general3A_374 = arith.constant dense<0.000000e+00> : vector<256x128xf32>
    %dot_general3A_375 = tpu.matmul %select_n3A_373, %get3A_7, %dot_general3A_374 {dimension_numbers = #tpu.dot_dimension_numbers<[1], [0], [0], [1], [0, 0, 1, 1], [], []>, transpose_lhs_hint = false} : vector<256x128xf32>, vector<128x128xf32>, vector<256x128xf32> -> vector<256x128xf32>
    %max3A_376 = arith.maximumf %max3A_359, %dot_general3A_375 : vector<256x128xf32>
    %add3A_377 = arith.addf %add3A_360, %dot_general3A_375 : vector<256x128xf32>
    %mul3A_378 = arith.mulf %dot_general3A_375, %dot_general3A_375 : vector<256x128xf32>
    %add3A_379 = arith.addf %add3A_362, %mul3A_378 : vector<256x128xf32>
    %get3A_380 = arith.constant 8 : index
    %get3A_381 = arith.constant 0 : index
    %get3A_382 = arith.constant 0 : index
    %get3A_383 = vector.load %arg1[%get3A_380, %get3A_381, %get3A_382] : memref<10x256x128xi32, #tpu.memory_space<vmem>>, vector<1x256x128xi32>
    %get3A_384 = vector.shape_cast %get3A_383 : vector<1x256x128xi32> to vector<256x128xi32>
    %shift_left3A_385 = arith.constant 16 : i32
    %shift_left3A_386 = vector.broadcast %shift_left3A_385 : i32 to vector<256x128xi32>
    %shift_left3A_387 = arith.shli %get3A_384, %shift_left3A_386 : vector<256x128xi32>
    %bitcast_convert_type3A_388 = tpu.bitcast %shift_left3A_387 : vector<256x128xi32> -> vector<256x128xf32>
    %and3A_389 = arith.constant -65536 : i32
    %and3A_390 = vector.broadcast %and3A_389 : i32 to vector<256x128xi32>
    %and3A_391 = arith.andi %get3A_384, %and3A_390 : vector<256x128xi32>
    %bitcast_convert_type3A_392 = tpu.bitcast %and3A_391 : vector<256x128xi32> -> vector<256x128xf32>
    %mul3A_393 = vector.broadcast %get3A_1 : vector<1x128xf32> to vector<256x128xf32>
    %mul3A_394 = arith.mulf %bitcast_convert_type3A_388, %mul3A_393 : vector<256x128xf32>
    %add3A_395 = vector.broadcast %get3A_4 : vector<1x128xf32> to vector<256x128xf32>
    %add3A_396 = arith.addf %mul3A_394, %add3A_395 : vector<256x128xf32>
    %ge3A_397 = arith.constant 0.000000e+00 : f32
    %ge3A_398 = vector.broadcast %ge3A_397 : f32 to vector<256x128xf32>
    %ge3A_399 = arith.cmpf oge, %add3A_396, %ge3A_398 : vector<256x128xf32>
    %mul3A_400 = arith.constant 2.000000e-01 : f32
    %mul3A_401 = vector.broadcast %mul3A_400 : f32 to vector<256x128xf32>
    %mul3A_402 = arith.mulf %mul3A_401, %add3A_396 : vector<256x128xf32>
    %select_n3A_403 = arith.select %ge3A_399, %add3A_396, %mul3A_402 : vector<256x128xi1>, vector<256x128xf32>
    %dot_general3A_404 = arith.constant dense<0.000000e+00> : vector<256x128xf32>
    %dot_general3A_405 = tpu.matmul %select_n3A_403, %get3A_7, %dot_general3A_404 {dimension_numbers = #tpu.dot_dimension_numbers<[1], [0], [0], [1], [0, 0, 1, 1], [], []>, transpose_lhs_hint = false} : vector<256x128xf32>, vector<128x128xf32>, vector<256x128xf32> -> vector<256x128xf32>
    %max3A_406 = arith.maximumf %max3A_376, %dot_general3A_405 : vector<256x128xf32>
    %add3A_407 = arith.addf %add3A_377, %dot_general3A_405 : vector<256x128xf32>
    %mul3A_408 = arith.mulf %dot_general3A_405, %dot_general3A_405 : vector<256x128xf32>
    %add3A_409 = arith.addf %add3A_379, %mul3A_408 : vector<256x128xf32>
    %mul3A_410 = vector.broadcast %get3A_1 : vector<1x128xf32> to vector<256x128xf32>
    %mul3A_411 = arith.mulf %bitcast_convert_type3A_392, %mul3A_410 : vector<256x128xf32>
    %add3A_412 = vector.broadcast %get3A_4 : vector<1x128xf32> to vector<256x128xf32>
    %add3A_413 = arith.addf %mul3A_411, %add3A_412 : vector<256x128xf32>
    %ge3A_414 = arith.constant 0.000000e+00 : f32
    %ge3A_415 = vector.broadcast %ge3A_414 : f32 to vector<256x128xf32>
    %ge3A_416 = arith.cmpf oge, %add3A_413, %ge3A_415 : vector<256x128xf32>
    %mul3A_417 = arith.constant 2.000000e-01 : f32
    %mul3A_418 = vector.broadcast %mul3A_417 : f32 to vector<256x128xf32>
    %mul3A_419 = arith.mulf %mul3A_418, %add3A_413 : vector<256x128xf32>
    %select_n3A_420 = arith.select %ge3A_416, %add3A_413, %mul3A_419 : vector<256x128xi1>, vector<256x128xf32>
    %dot_general3A_421 = arith.constant dense<0.000000e+00> : vector<256x128xf32>
    %dot_general3A_422 = tpu.matmul %select_n3A_420, %get3A_7, %dot_general3A_421 {dimension_numbers = #tpu.dot_dimension_numbers<[1], [0], [0], [1], [0, 0, 1, 1], [], []>, transpose_lhs_hint = false} : vector<256x128xf32>, vector<128x128xf32>, vector<256x128xf32> -> vector<256x128xf32>
    %max3A_423 = arith.maximumf %max3A_406, %dot_general3A_422 : vector<256x128xf32>
    %add3A_424 = arith.addf %add3A_407, %dot_general3A_422 : vector<256x128xf32>
    %mul3A_425 = arith.mulf %dot_general3A_422, %dot_general3A_422 : vector<256x128xf32>
    %add3A_426 = arith.addf %add3A_409, %mul3A_425 : vector<256x128xf32>
    %get3A_427 = arith.constant 9 : index
    %get3A_428 = arith.constant 0 : index
    %get3A_429 = arith.constant 0 : index
    %get3A_430 = vector.load %arg1[%get3A_427, %get3A_428, %get3A_429] : memref<10x256x128xi32, #tpu.memory_space<vmem>>, vector<1x256x128xi32>
    %get3A_431 = vector.shape_cast %get3A_430 : vector<1x256x128xi32> to vector<256x128xi32>
    %shift_left3A_432 = arith.constant 16 : i32
    %shift_left3A_433 = vector.broadcast %shift_left3A_432 : i32 to vector<256x128xi32>
    %shift_left3A_434 = arith.shli %get3A_431, %shift_left3A_433 : vector<256x128xi32>
    %bitcast_convert_type3A_435 = tpu.bitcast %shift_left3A_434 : vector<256x128xi32> -> vector<256x128xf32>
    %and3A_436 = arith.constant -65536 : i32
    %and3A_437 = vector.broadcast %and3A_436 : i32 to vector<256x128xi32>
    %and3A_438 = arith.andi %get3A_431, %and3A_437 : vector<256x128xi32>
    %bitcast_convert_type3A_439 = tpu.bitcast %and3A_438 : vector<256x128xi32> -> vector<256x128xf32>
    %mul3A_440 = vector.broadcast %get3A_1 : vector<1x128xf32> to vector<256x128xf32>
    %mul3A_441 = arith.mulf %bitcast_convert_type3A_435, %mul3A_440 : vector<256x128xf32>
    %add3A_442 = vector.broadcast %get3A_4 : vector<1x128xf32> to vector<256x128xf32>
    %add3A_443 = arith.addf %mul3A_441, %add3A_442 : vector<256x128xf32>
    %ge3A_444 = arith.constant 0.000000e+00 : f32
    %ge3A_445 = vector.broadcast %ge3A_444 : f32 to vector<256x128xf32>
    %ge3A_446 = arith.cmpf oge, %add3A_443, %ge3A_445 : vector<256x128xf32>
    %mul3A_447 = arith.constant 2.000000e-01 : f32
    %mul3A_448 = vector.broadcast %mul3A_447 : f32 to vector<256x128xf32>
    %mul3A_449 = arith.mulf %mul3A_448, %add3A_443 : vector<256x128xf32>
    %select_n3A_450 = arith.select %ge3A_446, %add3A_443, %mul3A_449 : vector<256x128xi1>, vector<256x128xf32>
    %dot_general3A_451 = arith.constant dense<0.000000e+00> : vector<256x128xf32>
    %dot_general3A_452 = tpu.matmul %select_n3A_450, %get3A_7, %dot_general3A_451 {dimension_numbers = #tpu.dot_dimension_numbers<[1], [0], [0], [1], [0, 0, 1, 1], [], []>, transpose_lhs_hint = false} : vector<256x128xf32>, vector<128x128xf32>, vector<256x128xf32> -> vector<256x128xf32>
    %max3A_453 = arith.maximumf %max3A_423, %dot_general3A_452 : vector<256x128xf32>
    %add3A_454 = arith.addf %add3A_424, %dot_general3A_452 : vector<256x128xf32>
    %mul3A_455 = arith.mulf %dot_general3A_452, %dot_general3A_452 : vector<256x128xf32>
    %add3A_456 = arith.addf %add3A_426, %mul3A_455 : vector<256x128xf32>
    %mul3A_457 = vector.broadcast %get3A_1 : vector<1x128xf32> to vector<256x128xf32>
    %mul3A_458 = arith.mulf %bitcast_convert_type3A_439, %mul3A_457 : vector<256x128xf32>
    %add3A_459 = vector.broadcast %get3A_4 : vector<1x128xf32> to vector<256x128xf32>
    %add3A_460 = arith.addf %mul3A_458, %add3A_459 : vector<256x128xf32>
    %ge3A_461 = arith.constant 0.000000e+00 : f32
    %ge3A_462 = vector.broadcast %ge3A_461 : f32 to vector<256x128xf32>
    %ge3A_463 = arith.cmpf oge, %add3A_460, %ge3A_462 : vector<256x128xf32>
    %mul3A_464 = arith.constant 2.000000e-01 : f32
    %mul3A_465 = vector.broadcast %mul3A_464 : f32 to vector<256x128xf32>
    %mul3A_466 = arith.mulf %mul3A_465, %add3A_460 : vector<256x128xf32>
    %select_n3A_467 = arith.select %ge3A_463, %add3A_460, %mul3A_466 : vector<256x128xi1>, vector<256x128xf32>
    %dot_general3A_468 = arith.constant dense<0.000000e+00> : vector<256x128xf32>
    %dot_general3A_469 = tpu.matmul %select_n3A_467, %get3A_7, %dot_general3A_468 {dimension_numbers = #tpu.dot_dimension_numbers<[1], [0], [0], [1], [0, 0, 1, 1], [], []>, transpose_lhs_hint = false} : vector<256x128xf32>, vector<128x128xf32>, vector<256x128xf32> -> vector<256x128xf32>
    %max3A_470 = arith.maximumf %max3A_453, %dot_general3A_469 : vector<256x128xf32>
    %add3A_471 = arith.addf %add3A_454, %dot_general3A_469 : vector<256x128xf32>
    %mul3A_472 = arith.mulf %dot_general3A_469, %dot_general3A_469 : vector<256x128xf32>
    %add3A_473 = arith.addf %add3A_456, %mul3A_472 : vector<256x128xf32>
    %swap3A = arith.constant 0 : index
    %swap3A_474 = arith.constant 0 : index
    %swap3A_475 = vector.load %arg4[%swap3A, %swap3A_474] : memref<256x128xf32, #tpu.memory_space<vmem>>, vector<256x128xf32>
    tpu.vector_store %arg4[%swap3A, %swap3A_474], %max3A_470 {strides = array<i32>} : memref<256x128xf32, #tpu.memory_space<vmem>>, vector<256x128xf32>,
    %reduce_sum3A = arith.constant dense<0.000000e+00> : vector<128xf32>
    %reduce_sum3A_476 = vector.multi_reduction <add>, %add3A_471, %reduce_sum3A [0] : vector<256x128xf32> to vector<128xf32>
    %broadcast_in_dim3A_477 = vector.shape_cast %reduce_sum3A_476 : vector<128xf32> to vector<1x1x128xf32>
    %broadcast_in_dim3A_478 = vector.shape_cast %broadcast_in_dim3A_477 : vector<1x1x128xf32> to vector<1x1x128xf32>
    %broadcast_in_dim3A_479 = vector.broadcast %broadcast_in_dim3A_478 : vector<1x1x128xf32> to vector<1x8x128xf32>
    %swap3A_480 = arith.constant 0 : index
    %swap3A_481 = arith.constant 0 : index
    %swap3A_482 = arith.constant 0 : index
    %swap3A_483 = vector.load %arg5[%swap3A_480, %swap3A_481, %swap3A_482] : memref<1x8x128xf32, #tpu.memory_space<vmem>>, vector<1x8x128xf32>
    tpu.vector_store %arg5[%swap3A_480, %swap3A_481, %swap3A_482], %broadcast_in_dim3A_479 {strides = array<i32>} : memref<1x8x128xf32, #tpu.memory_space<vmem>>, vector<1x8x128xf32>,
    %reduce_sum3A_484 = arith.constant dense<0.000000e+00> : vector<128xf32>
    %reduce_sum3A_485 = vector.multi_reduction <add>, %add3A_473, %reduce_sum3A_484 [0] : vector<256x128xf32> to vector<128xf32>
    %broadcast_in_dim3A_486 = vector.shape_cast %reduce_sum3A_485 : vector<128xf32> to vector<1x1x128xf32>
    %broadcast_in_dim3A_487 = vector.shape_cast %broadcast_in_dim3A_486 : vector<1x1x128xf32> to vector<1x1x128xf32>
    %broadcast_in_dim3A_488 = vector.broadcast %broadcast_in_dim3A_487 : vector<1x1x128xf32> to vector<1x8x128xf32>
    %swap3A_489 = arith.constant 0 : index
    %swap3A_490 = arith.constant 0 : index
    %swap3A_491 = arith.constant 0 : index
    %swap3A_492 = vector.load %arg6[%swap3A_489, %swap3A_490, %swap3A_491] : memref<1x8x128xf32, #tpu.memory_space<vmem>>, vector<1x8x128xf32>
    tpu.vector_store %arg6[%swap3A_489, %swap3A_490, %swap3A_491], %broadcast_in_dim3A_488 {strides = array<i32>} : memref<1x8x128xf32, #tpu.memory_space<vmem>>, vector<1x8x128xf32>,
    return
  }
  func.func @transform_0(%arg0: i32) -> (i32, i32, i32) {
    %c0_i32 = arith.constant 0 : i32
    %c0_i32_0 = arith.constant 0 : i32
    %c0_i32_1 = arith.constant 0 : i32
    return %c0_i32, %arg0, %c0_i32_0 : i32, i32, i32
  }
  func.func @transform_1(%arg0: i32) -> (i32, i32) {
    %c0_i32 = arith.constant 0 : i32
    %c0_i32_0 = arith.constant 0 : i32
    %c0_i32_1 = arith.constant 0 : i32
    return %c0_i32, %c0_i32_0 : i32, i32
  }
  func.func @transform_2(%arg0: i32) -> (i32, i32) {
    %c0_i32 = arith.constant 0 : i32
    %c0_i32_0 = arith.constant 0 : i32
    %c0_i32_1 = arith.constant 0 : i32
    return %c0_i32, %c0_i32_0 : i32, i32
  }
  func.func @transform_3(%arg0: i32) -> (i32, i32) {
    %c0_i32 = arith.constant 0 : i32
    %c0_i32_0 = arith.constant 0 : i32
    return %arg0, %c0_i32 : i32, i32
  }
  func.func @transform_4(%arg0: i32) -> (i32, i32, i32) {
    %c0_i32 = arith.constant 0 : i32
    %c0_i32_0 = arith.constant 0 : i32
    %c0_i32_1 = arith.constant 0 : i32
    return %arg0, %c0_i32, %c0_i32_0 : i32, i32, i32
  }
  func.func @transform_5(%arg0: i32) -> (i32, i32, i32) {
    %c0_i32 = arith.constant 0 : i32
    %c0_i32_0 = arith.constant 0 : i32
    %c0_i32_1 = arith.constant 0 : i32
    return %arg0, %c0_i32, %c0_i32_0 : i32, i32, i32
  }
}

module attributes {stable_mosaic.version = 14 : i64} {
  func.func @_epi_body(%arg0: i32, %arg1: memref<1024x128xf32, #tpu.memory_space<vmem>>, %arg2: memref<8x128xf32, #tpu.memory_space<vmem>>, %arg3: memref<64x64xf32, #tpu.memory_space<vmem>>, %arg4: memref<2x64x1024xf32, #tpu.memory_space<vmem>>) attributes {dimension_semantics = [#tpu.dimension_semantics<arbitrary>], iteration_bounds = array<i64: 16>, scalar_prefetch = 0 : i64, scratch_operands = 0 : i64, tpu.core_type = #tpu.core_type<tc>, window_params = [{transform_indices = @transform_0, window_bounds = array<i64: 1024, 128>}, {pipeline_mode = #tpu.pipeline_mode<synchronous>, transform_indices = @transform_1, window_bounds = array<i64: 8, 128>}, {pipeline_mode = #tpu.pipeline_mode<synchronous>, transform_indices = @transform_2, window_bounds = array<i64: 64, 64>}, {transform_indices = @transform_3, window_bounds = array<i64: 2, 64, 1024>}]} {
    %get3A = arith.constant 0 : index
    %get3A_0 = arith.constant 0 : index
    %get3A_1 = vector.load %arg1[%get3A, %get3A_0] : memref<1024x128xf32, #tpu.memory_space<vmem>>, vector<1024x128xf32>
    %get3A_2 = arith.constant 0 : index
    %get3A_3 = arith.constant 0 : index
    %get3A_4 = vector.load %arg2[%get3A_2, %get3A_3] : memref<8x128xf32, #tpu.memory_space<vmem>>, vector<1x128xf32>
    %mul3A = vector.broadcast %get3A_4 : vector<1x128xf32> to vector<1024x128xf32>
    %mul3A_5 = arith.mulf %get3A_1, %mul3A : vector<1024x128xf32>
    %get3A_6 = arith.constant 1 : index
    %get3A_7 = arith.constant 0 : index
    %get3A_8 = vector.load %arg2[%get3A_6, %get3A_7] : memref<8x128xf32, #tpu.memory_space<vmem>>, vector<1x128xf32>
    %add3A = vector.broadcast %get3A_8 : vector<1x128xf32> to vector<1024x128xf32>
    %add3A_9 = arith.addf %mul3A_5, %add3A : vector<1024x128xf32>
    %ge3A = arith.constant 0.000000e+00 : f32
    %ge3A_10 = vector.broadcast %ge3A : f32 to vector<1024x128xf32>
    %ge3A_11 = arith.cmpf oge, %add3A_9, %ge3A_10 : vector<1024x128xf32>
    %mul3A_12 = arith.constant 2.000000e-01 : f32
    %mul3A_13 = vector.broadcast %mul3A_12 : f32 to vector<1024x128xf32>
    %mul3A_14 = arith.mulf %mul3A_13, %add3A_9 : vector<1024x128xf32>
    %select_n3A = arith.select %ge3A_11, %add3A_9, %mul3A_14 : vector<1024x128xi1>, vector<1024x128xf32>
    %get3A_15 = arith.constant 0 : index
    %get3A_16 = arith.constant 0 : index
    %get3A_17 = vector.load %arg3[%get3A_15, %get3A_16] : memref<64x64xf32, #tpu.memory_space<vmem>>, vector<64x64xf32>
    %slice3A = vector.extract_strided_slice %select_n3A {offsets = [0, 0], sizes = [1024, 64], strides = [1, 1]} : vector<1024x128xf32> to vector<1024x64xf32>
    %dot_general3A = arith.constant dense<0.000000e+00> : vector<64x1024xf32>
    %dot_general3A_18 = tpu.matmul %get3A_17, %slice3A, %dot_general3A {dimension_numbers = #tpu.dot_dimension_numbers<[1], [1], [0], [0], [0, 0, 1, 0], [], []>, transpose_lhs_hint = false} : vector<64x64xf32>, vector<1024x64xf32>, vector<64x1024xf32> -> vector<64x1024xf32>
    %swap3A = arith.constant 0 : index
    %swap3A_19 = arith.constant 0 : index
    %swap3A_20 = arith.constant 0 : index
    %swap3A_21 = vector.load %arg4[%swap3A, %swap3A_19, %swap3A_20] : memref<2x64x1024xf32, #tpu.memory_space<vmem>>, vector<1x64x1024xf32>
    %swap3A_22 = vector.shape_cast %swap3A_21 : vector<1x64x1024xf32> to vector<64x1024xf32>
    %swap3A_23 = vector.shape_cast %dot_general3A_18 : vector<64x1024xf32> to vector<1x64x1024xf32>
    tpu.vector_store %arg4[%swap3A, %swap3A_19, %swap3A_20], %swap3A_23 {strides = array<i32>} : memref<2x64x1024xf32, #tpu.memory_space<vmem>>, vector<1x64x1024xf32>,
    %slice3A_24 = vector.extract_strided_slice %select_n3A {offsets = [0, 64], sizes = [1024, 64], strides = [1, 1]} : vector<1024x128xf32> to vector<1024x64xf32>
    %dot_general3A_25 = arith.constant dense<0.000000e+00> : vector<64x1024xf32>
    %dot_general3A_26 = tpu.matmul %get3A_17, %slice3A_24, %dot_general3A_25 {dimension_numbers = #tpu.dot_dimension_numbers<[1], [1], [0], [0], [0, 0, 1, 0], [], []>, transpose_lhs_hint = false} : vector<64x64xf32>, vector<1024x64xf32>, vector<64x1024xf32> -> vector<64x1024xf32>
    %swap3A_27 = arith.constant 1 : index
    %swap3A_28 = arith.constant 0 : index
    %swap3A_29 = arith.constant 0 : index
    %swap3A_30 = vector.load %arg4[%swap3A_27, %swap3A_28, %swap3A_29] : memref<2x64x1024xf32, #tpu.memory_space<vmem>>, vector<1x64x1024xf32>
    %swap3A_31 = vector.shape_cast %swap3A_30 : vector<1x64x1024xf32> to vector<64x1024xf32>
    %swap3A_32 = vector.shape_cast %dot_general3A_26 : vector<64x1024xf32> to vector<1x64x1024xf32>
    tpu.vector_store %arg4[%swap3A_27, %swap3A_28, %swap3A_29], %swap3A_32 {strides = array<i32>} : memref<2x64x1024xf32, #tpu.memory_space<vmem>>, vector<1x64x1024xf32>,
    return
  }
  func.func @transform_0(%arg0: i32) -> (i32, i32) {
    %c0_i32 = arith.constant 0 : i32
    %c0_i32_0 = arith.constant 0 : i32
    return %arg0, %c0_i32 : i32, i32
  }
  func.func @transform_1(%arg0: i32) -> (i32, i32) {
    %c0_i32 = arith.constant 0 : i32
    %c0_i32_0 = arith.constant 0 : i32
    %c0_i32_1 = arith.constant 0 : i32
    return %c0_i32, %c0_i32_0 : i32, i32
  }
  func.func @transform_2(%arg0: i32) -> (i32, i32) {
    %c0_i32 = arith.constant 0 : i32
    %c0_i32_0 = arith.constant 0 : i32
    %c0_i32_1 = arith.constant 0 : i32
    return %c0_i32, %c0_i32_0 : i32, i32
  }
  func.func @transform_3(%arg0: i32) -> (i32, i32, i32) {
    %c0_i32 = arith.constant 0 : i32
    %c0_i32_0 = arith.constant 0 : i32
    %c0_i32_1 = arith.constant 0 : i32
    return %c0_i32, %c0_i32_0, %arg0 : i32, i32, i32
  }
}

</mosaic_0001>

<sc_bundles>
// kernel: _impl.6.cloned.1.call-start
scs
__scs_entry_jumppad:
0x0: {  	(pc) =	sbr.rel $0x88, $3  }
0x1: {  	(tag) =	ssettag $0x0;
	lr =	simm.s32 $0x1  }
0x2: {  	[smem:$0x3F99] =	sst lr;
	_ =	strace $0xD0000000  }
0x3: {  	_ = 	snop  }
0x4: {  	_ = 	snop  }
0x5: {  	_ = 	snop  }
0x6: {  	_ = 	snop  }
0x7: {  	_ = 	snop  }
__scs_overlays_trampoline_lowered:
0x8: {  	[smem:$0x3FA8] =	sst s0  }
0x9: {  	[smem:$0x3FA9] =	sst s1  }
0xa: {  	[smem:$0x3FAA] =	sst s2  }
0xb: {  	[smem:$0x3FAB] =	sst s3  }
0xc: {  	[smem:$0x3FAC] =	sst s4  }
0xd: {  	[smem:$0x3FAD] =	sst s5  }
0xe: {  	[smem:$0x3FAE] =	sst s6  }
0xf: {  	[smem:$0x3FAF] =	sst s7  }
0x10: {  	[smem:$0x3FB0] =	sst s8  }
0x11: {  	[smem:$0x3FB1] =	sst s9;
	s0 =	simm.s32 @!p0 $0x0  }
0x12: {  	s1 =	sld [smem:$0x3F97];
	s0 =	simm.s32 @p0 $0x1  }
0x13: {  	[smem:$0x3FB2] =	sst s0;
	s0 =	simm.s32 @!p1 $0x0  }
0x14: {  	s2 =	sld [smem:$0x3F96];
	s0 =	simm.s32 @p1 $0x1  }
0x15: {  	[smem:$0x3FB3] =	sst s0;
	s0 =	simm.s32 @!p2 $0x0  }
0x16: {  	s3 =	sld [smem:$0x3FDB];
	s0 =	simm.s32 @p2 $0x1  }
0x17: {  	s4 =	simm.s32 $0x1BF5;
	[smem:$0x3FB5] =	sst s0  }
0x18: {  	s0 =	sld [smem:$0x3F98];
	_ =	swait.ge [sflag:s4], $0x0  }
0x19: {  	s7 =	sld [smem:$0x3F99]  }
0x1a: {  	s8 =	sadd.s32 $0xFFFFE003, lr  }
0x1b: {  	s9 =	sadd.s32 $0xFFFFFEF7, lr;
	s5 =	simm.s32 $0xFFFFFFFF;
	p2 =	slt.u32 s8, $0xFFFFF086  }
0x1c: {  	p1 =	slt.u32 s9, $0xF7A;
	s5 =	simm.s32 @!p2 $0x0  }
0x1d: {  	s5 =	simm.s32 @p1 $0x1;
	p0 =	seq.s32 s7, s2  }
0x1e: {  	s7 =	smul.u32 @!p0 $0xF7A, s2;
	p2 =	seq.s32 @!p0 s5, $0x0  }
0x1f: {  	s9 =	smul.u32 $0xF7A, s1;
	s8 =	simm.s32 @!p0 $0x1BF5;
	p2 =	por !p2, p0  }
0x20: {  	[sflag:s8] =	ssyncset.s32 @!p0 $0xFFFFF086;
	s6 =	sadd.s32 @!p0 s3, s7;
	s7 =	simm.s32 @!p0 $0x108  }
0x21: {  	s3 =	sadd.s32 s3, s9;
	s6 =	sadd.s32 @!p0 $0x88, s6;
	s7 =	simm.s32 @p2 $0x1082  }
0x22: {  	[simem:s7], [sflag:s8] =	dma.local @!p0 [hbm:s6], $0xF7A  }
0x23: {  	s9 =	sor.u32 $0xD0000000, s2;
	s6 =	simm.s32 $0x108;
	_ =	swait.ge @!p0 [sflag:s8], $0x0  }
0x24: {  	s3 =	sadd.s32 $0x88, s3;
	s6 =	simm.s32 @!p1 $0x1082;
	[sflag:s4] =	ssyncset.s32 $0xFFFFF086  }
0x25: {  	[simem:s6], [sflag:s4] =	dma.local [hbm:s3], $0xF7A  }
0x26: {  	[smem:$0x3F99] =	sst s1;
	(tag) =	ssettag s2;
	_ =	strace s9  }
0x27: {  	s1 =	sld [smem:$0x3FA9]  }
0x28: {  	s2 =	sld [smem:$0x3FAA]  }
0x29: {  	s4 =	sld [smem:$0x3FAC]  }
0x2a: {  	p0 =	seq.s32 s5, $0x0;
	s5 =	sld [smem:$0x3FAD]  }
0x2b: {  	s6 =	sld [smem:$0x3FAE]  }
0x2c: {  	s7 =	sld [smem:$0x3FAF]  }
0x2d: {  	s3 =	simm.s32 $0x108;
	s8 =	sld [smem:$0x3FB0]  }
0x2e: {  	s3 =	simm.s32 @!p0 $0x1082;
	s9 =	sld [smem:$0x3FB1]  }
0x2f: {  	lr =	sadd.s32 s0, s3;
	s0 =	sld [smem:$0x3FA8]  }
0x30: {  	s3 =	sld [smem:$0x3FAB]  }
0x31: {  	[smem:$0x3FB4] =	sst s10  }
0x32: {  	s10 =	sld [smem:$0x3FB2];
	_ =	sdelay $0x3  }
0x33: {  	p0 =	seq.s32 s10, $0x1;
	s10 =	sld [smem:$0x3FB4];
	_ =	sdelay $0x3  }
0x34: {  	[smem:$0x3FB4] =	sst s10  }
0x35: {  	s10 =	sld [smem:$0x3FB3];
	_ =	sdelay $0x3  }
0x36: {  	p1 =	seq.s32 s10, $0x1;
	s10 =	sld [smem:$0x3FB4];
	_ =	sdelay $0x3  }
0x37: {  	[smem:$0x3FB4] =	sst s10  }
0x38: {  	s10 =	sld [smem:$0x3FB5]  }
0x39: {  	_ = 	snop;
	(pc) =	sbr.ind lr, $3  }
0x3a: {  	_ = 	snop  }
0x3b: {  	_ = 	snop  }
0x3c: {  	p2 =	seq.s32 s10, $0x1;
	s10 =	sld [smem:$0x3FB4]  }
0x3d: {  	_ =	shalt  }
0x3e: {  	_ =	shalt  }
0x3f: {  	_ =	shalt  }
0x40: {  	_ =	shalt  }
0x41: {  	_ =	shalt  }
0x42: {  	_ =	shalt  }
0x43: {  	_ =	shalt  }
0x44: {  	_ =	shalt  }
0x45: {  	_ =	shalt  }
0x46: {  	_ =	shalt  }
0x47: {  	_ =	shalt  }
0x48: {  	_ =	shalt  }
0x49: {  	_ =	shalt  }
0x4a: {  	_ =	shalt  }
0x4b: {  	_ =	shalt  }
0x4c: {  	_ =	shalt  }
0x4d: {  	_ =	shalt  }
0x4e: {  	_ =	shalt  }
0x4f: {  	_ =	shalt  }
0x50: {  	_ =	shalt  }
0x51: {  	_ =	shalt  }
0x52: {  	_ =	shalt  }
0x53: {  	_ =	shalt  }
0x54: {  	_ =	shalt  }
0x55: {  	_ =	shalt  }
0x56: {  	_ =	shalt  }
0x57: {  	_ =	shalt  }
0x58: {  	_ =	shalt  }
0x59: {  	_ =	shalt  }
0x5a: {  	_ =	shalt  }
0x5b: {  	_ =	shalt  }
0x5c: {  	_ =	shalt  }
0x5d: {  	_ =	shalt  }
0x5e: {  	_ =	shalt  }
0x5f: {  	_ =	shalt  }
0x60: {  	_ =	shalt  }
0x61: {  	_ =	shalt  }
0x62: {  	_ =	shalt  }
0x63: {  	_ =	shalt  }
0x64: {  	_ =	shalt  }
0x65: {  	_ =	shalt  }
0x66: {  	_ =	shalt  }
0x67: {  	_ =	shalt  }
0x68: {  	_ =	shalt  }
0x69: {  	_ =	shalt  }
0x6a: {  	_ =	shalt  }
0x6b: {  	_ =	shalt  }
0x6c: {  	_ =	shalt  }
0x6d: {  	_ =	shalt  }
0x6e: {  	_ =	shalt  }
0x6f: {  	_ =	shalt  }
0x70: {  	_ =	shalt  }
0x71: {  	_ =	shalt  }
0x72: {  	_ =	shalt  }
0x73: {  	_ =	shalt  }
0x74: {  	_ =	shalt  }
0x75: {  	_ =	shalt  }
0x76: {  	_ =	shalt  }
0x77: {  	_ =	shalt  }
0x78: {  	_ =	shalt  }
0x79: {  	_ =	shalt  }
0x7a: {  	_ =	shalt  }
0x7b: {  	_ =	shalt  }
0x7c: {  	_ =	shalt  }
0x7d: {  	_ =	shalt  }
0x7e: {  	_ =	shalt  }
0x7f: {  	_ =	shalt  }
0x80: {  	_ =	shalt  }
0x81: {  	_ =	shalt  }
0x82: {  	_ =	shalt  }
0x83: {  	_ =	shalt  }
0x84: {  	_ =	shalt  }
0x85: {  	_ =	shalt  }
0x86: {  	_ =	shalt  }
0x87: {  	_ =	shalt  }
.Lfunc_end0:
.L_simem_size_0:
called_computation_lowered:
.L_overlay_start_0:
0x88: {  	s2 =	sld [smem:$0x3FD9]  }
0x89: {  	s3 =	sld [smem:$0x3FFE];
	_ =	sdelay $0x1  }
0x8a: {  	s1 =	srdreg.scid  }
0x8b: {  	s0 =	sand.u32 $0x1, s1  }
0x8c: {  	s17 =	sshll.u32 s0, $0xA;
	s2 =	sadd.s32 s3, s2  }
0x8d: {  	s2 =	sadd.s32 s2, s17  }
0x8e: {  	[smem:$0x3FC0] =	sst s2  }
0x8f: {  	_ = 	snop  }
0x90: {  	s2 =	sld [smem:$0x3FD0];
	(tm) =	ssettm $0x1  }
0x91: {  	s18 =	sld [smem:$0x3FFB];
	_ =	sdelay $0x3  }
0x92: {  	_ =	strace s18  }
0x93: {  	s3 =	sld [smem:$0x3FFC];
	_ =	sdelay $0x3  }
0x94: {  	_ =	strace s3  }
0x95: {  	s3 =	sld [smem:$0x3FFD];
	_ =	sdelay $0x3  }
0x96: {  	_ =	strace s3  }
0x97: {  	_ =	strace $0x8FFFFFFF  }
0x98: {  	s19 =	sld [smem:$0x3FDB];
	_ =	sdelay $0x1  }
0x99: {  	s4 =	simm.s32 $_scs_section_size  }
0x9a: {  	s5 =	simm.s32 $_size__tile_overlayer_lowered;
	s6 =	simm.s32 $_tile_overlayer_lowered  }
0x9b: {  	s22 =	simm.s32 $0x1BFF;
	s21 =	sshll.u32 s6, $0x1;
	s3 =	sadd.s32 s4, s19  }
0x9c: {  	s7 =	simm.s32 $0x0;
	s20 =	sshll.u32 s5, $0x1;
	s5 =	sadd.s32 s21, s3  }
0x9d: {  	[timem:s7], [sflag:s22] =	dma.local [hbm:s5], s20  }
0x9e: {  	_ =	swait.ge [sflag:s22], s20  }
0x9f: {  	s4 =	ssub.s32 $0x0, s20;
	[sflag:s22] =	ssyncset.done $0x0  }
0xa0: {  	[sflag:s22] =	ssyncadd.s32 s4;
	_ =	sdelay $0x1  }
0xa1: {  	s23 =	simm.s32 $0x1B8B  }
0xa2: {  	_ =	swait.ge [sflag:s23], $0x1  }
0xa3: {  	[sflag:s23] =	ssyncset.done $0x0  }
0xa4: {  	s25 =	simm.s32 $0x1B8E;
	s24 =	sld [smem:$0x3FFE];
	[sflag:s23] =	ssyncadd.s32 $0xFFFFFFFF  }
0xa5: {  	s26 =	simm.s32 $execute0_lowered;
	[smem:$0x3FD2] =	sst s25  }
0xa6: {  	s5 =	sshll.u32 s26, $0x1;
	_ =	strace $0x80000046;
	[dreg:$0x1] =	wrdreg $0xFFFFFFFF  }
0xa7: {  	s28 =	simm.s32 $_size_execute0_lowered;
	s3 =	sadd.s32 s3, s5;
	[dreg:$0x0] =	wrdreg $0x0  }
0xa8: {  	s5 =	sshll.u32 s28, $0x1;
	[dreg:$0x2] =	wrdreg s3  }
0xa9: {  	[dreg:$0x3] =	wrdreg s5  }
0xaa: {  	[dreg:$0x4] =	wrdreg $0xC0  }
0xab: {  	_ =	task [dreg:s7], $0x5FFFF  }
0xac: {  	[dreg:$0x1] =	wrdreg $0xFFFFFFFF  }
0xad: {  	[dreg:$0x0] =	wrdreg $0x60  }
0xae: {  	[dreg:$0x2] =	wrdreg s2  }
0xaf: {  	[dreg:$0x3] =	wrdreg s24  }
0xb0: {  	[dreg:$0x4] =	wrdreg $0x9  }
0xb1: {  	_ =	task.clear_ibuf [dreg:s7], $0x5FFFF;
	_ =	strace $0x90000046  }
0xb2: {  	s29 =	simm.s32 $0x9;
	_ =	strace $0x80000048  }
0xb3: {  	_ =	swait.ge [sflag:s29], $0x1  }
0xb4: {  	[sflag:s29] =	ssyncadd.s32 $0xFFFFFFFF  }
0xb5: {  	_ =	strace $0x90000048  }
0xb6: {  	_ =	sfence  }
0xb7: {  	s30 =	sld [smem:$0x0];
	_ =	sdelay $0x2  }
0xb8: {  	s31 =	sshll.u32 s1, $0xD;
	s1 =	sshrl.u32 s1, $0x2  }
0xb9: {  	s3 =	sand.u32 $0x4000, s31;
	s1 =	sadd.s32 s1, s30  }
0xba: {  	s0 =	sor.u32 s3, s0;
	s1 =	sshll.u32 s1, $0x11  }
0xbb: {  	s0 =	sor.u32 s1, s0  }
0xbc: {  	s0 =	sadd.s32 $0x8F2B, s0  }
0xbd: {  	[sflag:s0] =	ssyncadd.remote.s32 $0x1  }
0xbe: {  	_ =	sfence.sel $0xFFFF  }
0xbf: {  	[dreg:$0x0] =	wrdreg $0xFFFFFFFF;
	(pc) =	sbr.abs _section_cstart, $3  }
0xc0: {  	[dreg:$0x1] =	wrdreg $0xFFFFFFFF  }
0xc1: {  	_ =	task.clear_ibuf [dreg:s7], $0x2FFFF;
	_ =	strace $0x9FFFFFFF  }
0xc2: {  	(tm) =	ssettm $0x7FFFFFFF  }
0xc3: {  	_ =	shalt  }
tec
execute0_lowered:
.L_overlay_start_1:
0x0: {  	(tag) =	ssettag $0x1  }
0x1: {  	s0 =	srdreg.scid  }
0x2: {  	s2 =	rddreg [dreg:$0x0];
	s3 =	stileid.u32  }
0x3: {  	s5 =	rddreg [dreg:$0x1];
	s10 =	simm.s32 $0x5;
	s11 =	simm.s32 $0x80  }
0x4: {  	s13 =	simm.s32 $0x400;
	s14 =	simm.s32 $0x9000;
	s15 =	simm.s32 $0xB000  }
0x5: {  	s16 =	simm.s32 $0xD000;
	s17 =	simm.s32 $0x1;
	s18 =	simm.s32 $0xF000  }
0x6: {  	s19 =	simm.s32 $0x3;
	s20 =	simm.s32 $0x2;
	s21 =	simm.s32 $0x11000  }
0x7: {  	s22 =	simm.s32 $0x13000;
	s23 =	simm.s32 $0x4;
	s0 =	sand.u32 $0x1, s0  }
0x8: {  	s24 =	simm.s32 $0x0;
	s1 =	sshll.u32 s0, $0x4;
	s0 =	ssub.s32 $0x2, s0  }
0x9: {  	s1 =	sor.u32 s3, s1;
	s3 =	simm.s32 $0x0;
	s31 =	sshrl.u32 s0, $0x1  }
0xa: {  	s4 =	smul.u32 $0xA00, s1;
	[smem:$0x7FF] =	sst s3;
	s7 =	sshll.u32 s1, $0xD  }
0xb: {  	s8 =	sshll.u32 s1, $0x4;
	s0 =	ssub.s32 s0, s31;
	_ =	strace $0x80000047  }
0xc: {  	s9 =	sadd.s32 s7, s5;
	s30 =	sadd.s32 s8, s5;
	s8 =	smax.u32 s0, $0x1  }
0xd: {  	s6 =	sadd.s32 s4, s5;
	s4 =	sadd.s32 $0x101000, s5;
	s7 =	sadd.s32 $0x15000, s30  }
0xe: {  	s9 =	sadd.s32 $0x141000, s9;
	s5 =	sadd.s32 $0x1000, s6;
	s6 =	sshll.u32 s1, $0xF  }
.LBB2_1:
0xf: {  	[tilespmem:s3], [sflag:$0x5] =	stream.linear.gather [hbm4b:s5+s3], $0x5000, $0x38;
	[tilespmem:$0x13080] =	vst v63  }
0x10: {  	_ =	swait.ge [sflag:s10], $0x5000  }
0x11: {  	[sflag:s10] =	ssyncset.done $0x0  }
0x12: {  	s0 =	simm.s32 $0x7000;
	[sflag:s10] =	ssyncadd.s32 $0xFFFFB000  }
0x13: {  	v0 =	vimm.f32 $0.0e+00;
	v4 =	vimm.f32 $0.0e+00;
	[tilespmem:s0], [sflag:$0x1] =	stream.indirect.gather [hbm4b:s2+s11], $0x40, s3, s11, $0xb8;
	[tilespmem:$0x13080] =	vst v63  }
0x14: {  	v2 =	vimm.f32 $0.0e+00;
	v1 =	vimm.f32 $0.0e+00;
	v3 =	vimm.f32 $0.0e+00;
	s26 =	simm.s32 $0x0  }
0x15: {  	v7 =	vimm.f32 $0.0e+00;
	v6 =	vimm.f32 $0.0e+00;
	v5 =	vimm.f32 $0.0e+00;
	[tilespmem:s14], [sflag:$0x1] =	stream.indirect.gather [hbm4b:s2+s11], $0x40, s13, s11, $0xb8;
	[tilespmem:$0x13080] =	vst v63  }
.LBB2_2:
0x16: {  	s29 =	sshll.u32 s26, $0x1  }
0x17: {  	s0 =	sor.u32 $0x1, s29  }
0x18: {  	s1 =	sand.u32 $0xFF, s0  }
0x19: {  	s1 =	smul.u32 $0xCD, s1;
	_ =	sdelay $0x1  }
0x1a: {  	s12 =	smul.u32 $0xCD, s26;
	s1 =	sshrl.u32 s1, $0xB  }
0x1b: {  	s1 =	smul.u32 $0xA, s1  }
0x1c: {  	p0 =	seq.s32 s26, $0x0  }
0x1d: {  	s30 =	simm.s32 @!p0 $0x4;
	s12 =	sshrl.u32 s12, $0xA;
	s0 =	ssub.s32 s0, s1  }
0x1e: {  	_ =	swait.ge @!p0 [sflag:s30], $0x2000;
	s28 =	sand.u32 $0x3F, s12;
	s25 =	sand.u32 $0xFF, s0  }
0x1f: {  	[sflag:s30] =	ssyncset.done @!p0 $0x0;
	s1 =	sshll.u32 s28, $0x7;
	s12 =	sshll.u32 s25, $0xB  }
0x20: {  	[sflag:s30] =	ssyncadd.s32 @!p0 $0xFFFFE000;
	s0 =	sadd.s32 s1, s12;
	s12 =	smul.u32 $0xCD, s29  }
0x21: {  	[tilespmem:s15], [sflag:$0x2] =	stream.indirect.gather [hbm4b:s2+s11], $0x40, s0, s11, $0xb8;
	[tilespmem:$0x13080] =	vst v63  }
0x22: {  	s1 =	sshrl.u32 s12, $0xB  }
0x23: {  	s1 =	sand.u32 $0x1F, s1  }
0x24: {  	s0 =	sadd.s32 $0x400, s0;
	s1 =	smul.u32 $0xA, s1  }
0x25: {  	[tilespmem:s16], [sflag:$0x2] =	stream.indirect.gather [hbm4b:s2+s11], $0x40, s0, s11, $0xb8;
	[tilespmem:$0x13080] =	vst v63  }
0x26: {  	_ =	swait.ge [sflag:s17], $0x2000;
	s12 =	ssub.s32 s29, s1  }
0x27: {  	[sflag:s17] =	ssyncset.done $0x0;
	s30 =	sand.u32 $0xFF, s12  }
0x28: {  	[sflag:s17] =	ssyncadd.s32 $0xFFFFE000;
	p0 =	sne.s32 s30, $0x0  }
0x29: {  	_ =	swait.ge [sflag:s17], $0x2000;
	s0 =	sshll.u32 @!p0 s28, $0xC  }
0x2a: {  	[sflag:s17] =	ssyncset.done $0x0;
	s0 =	sadd.s32 @!p0 s6, s0  }
0x2b: {  	[sflag:s17] =	ssyncadd.s32 $0xFFFFE000;
	s0 =	sshrl.u32 @!p0 s0, $0x3  }
0x2c: {  	s1 =	simm.s32 @!p0 $0x0;
	s12 =	simm.s32 @!p0 $0x5000;
	s0 =	sadd.s32 @!p0 s4, s0  }
0x2d: {  	[tilespmem:s12], [sflag:$0x5] =	stream.linear.gather @!p0 [hbm4b:s0+s1], $0x1000, $0x38;
	[tilespmem:$0x13080] =	vst v63  }
0x2e: {  	s12 =	simm.s32 @!p0 $0x5  }
0x2f: {  	_ =	swait.ge @!p0 [sflag:s12], $0x1000  }
0x30: {  	[sflag:s12] =	ssyncset.done @!p0 $0x0  }
0x31: {  	s31 =	simm.s32 @!p0 $0x6000;
	s0 =	sadd.s32 @!p0 $0x20000, s0;
	[sflag:s12] =	ssyncadd.s32 @!p0 $0xFFFFF000  }
0x32: {  	[tilespmem:s31], [sflag:$0x5] =	stream.linear.gather @!p0 [hbm4b:s0+s1], $0x1000, $0x38;
	[tilespmem:$0x13080] =	vst v63  }
0x33: {  	_ =	swait.ge @!p0 [sflag:s12], $0x1000  }
0x34: {  	[sflag:s12] =	ssyncset.done @!p0 $0x0  }
0x35: {  	s1 =	simm.s32 $0x0;
	[sflag:s12] =	ssyncadd.s32 @!p0 $0xFFFFF000  }
0x36: {  	v8 =	vld [tilespmem:s1+$0x7000]  }
0x37: {  	s31 =	simm.s32 $0x6000;
	v9 =	vld [tilespmem:s1+$0x9000]  }
0x38: {  	v10 =	vld [tilespmem:s31+$0xFFFFF000];
	_ =	sdelay $0x4  }
0x39: {  	v8 =	vadd.f32 v8, v10;
	v9 =	vadd.f32 v9, v10;
	_ =	sdelay $0x1  }
0x3a: {  	v10 =	vadd.s32 $0x8000, v8;
	v11 =	vadd.s32 $0x8000, v9  }
0x3b: {  	v10 =	vshrl.u32 v10, $0x10;
	v11 =	vand.u32 $0xFFFF0000, v11  }
0x3c: {  	v10 =	vor.u32 v10, v11;
	v11 =	vld [tilespmem:s1+$0x7010]  }
0x3d: {  	[tilespmem:s1+$0xF000] =	vst v10;
	v10 =	vld [tilespmem:s1+$0x9010]  }
0x3e: {  	v12 =	vld [tilespmem:s31+$0xFFFFF010];
	_ =	sdelay $0x4  }
0x3f: {  	v11 =	vadd.f32 v11, v12;
	v10 =	vadd.f32 v10, v12;
	_ =	sdelay $0x1  }
0x40: {  	v12 =	vadd.s32 $0x8000, v11;
	v13 =	vadd.s32 $0x8000, v10  }
0x41: {  	v12 =	vshrl.u32 v12, $0x10;
	v13 =	vand.u32 $0xFFFF0000, v13  }
0x42: {  	v12 =	vor.u32 v12, v13;
	v13 =	vld [tilespmem:s1+$0x7020]  }
0x43: {  	[tilespmem:s1+$0xF010] =	vst v12;
	v12 =	vld [tilespmem:s1+$0x9020]  }
0x44: {  	v14 =	vld [tilespmem:s31+$0xFFFFF020];
	_ =	sdelay $0x4  }
0x45: {  	v13 =	vadd.f32 v13, v14;
	v12 =	vadd.f32 v12, v14;
	_ =	sdelay $0x1  }
0x46: {  	v14 =	vadd.s32 $0x8000, v13;
	v15 =	vadd.s32 $0x8000, v12  }
0x47: {  	v14 =	vshrl.u32 v14, $0x10;
	v15 =	vand.u32 $0xFFFF0000, v15  }
0x48: {  	v14 =	vor.u32 v14, v15;
	v15 =	vld [tilespmem:s1+$0x7030]  }
0x49: {  	[tilespmem:s1+$0xF020] =	vst v14;
	v14 =	vld [tilespmem:s1+$0x9030]  }
0x4a: {  	v16 =	vld [tilespmem:s31+$0xFFFFF030];
	_ =	sdelay $0x4  }
0x4b: {  	v15 =	vadd.f32 v15, v16;
	v14 =	vadd.f32 v14, v16;
	_ =	sdelay $0x1  }
0x4c: {  	v51 =	vadd.s32 $0x8000, v15;
	v17 =	vadd.s32 $0x8000, v14  }
0x4d: {  	v16 =	vshrl.u32 v51, $0x10;
	v17 =	vand.u32 $0xFFFF0000, v17  }
0x4e: {  	v52 =	vld [tilespmem:s1+$0x7040];
	v16 =	vor.u32 v16, v17  }
0x4f: {  	v53 =	vld [tilespmem:s1+$0x9040];
	[tilespmem:s1+$0xF030] =	vst v16  }
0x50: {  	v18 =	vld [tilespmem:s31+$0x0];
	_ =	sdelay $0x4  }
0x51: {  	v17 =	vadd.f32 v52, v18;
	v16 =	vadd.f32 v53, v18;
	_ =	sdelay $0x1  }
0x52: {  	v54 =	vadd.s32 $0x8000, v17;
	v19 =	vadd.s32 $0x8000, v16  }
0x53: {  	v18 =	vshrl.u32 v54, $0x10;
	v19 =	vand.u32 $0xFFFF0000, v19  }
0x54: {  	v55 =	vld [tilespmem:s1+$0x7050];
	v18 =	vor.u32 v18, v19  }
0x55: {  	v56 =	vld [tilespmem:s1+$0x9050];
	[tilespmem:s1+$0xF040] =	vst v18  }
0x56: {  	v20 =	vld [tilespmem:s31+$0x10];
	_ =	sdelay $0x4  }
0x57: {  	v19 =	vadd.f32 v55, v20;
	v18 =	vadd.f32 v56, v20;
	_ =	sdelay $0x1  }
0x58: {  	v57 =	vadd.s32 $0x8000, v19;
	v21 =	vadd.s32 $0x8000, v18  }
0x59: {  	v20 =	vshrl.u32 v57, $0x10;
	v21 =	vand.u32 $0xFFFF0000, v21  }
0x5a: {  	v58 =	vld [tilespmem:s1+$0x7060];
	v22 =	vmul.f32 v8, v8;
	v23 =	vmul.f32 v9, v9;
	v20 =	vor.u32 v20, v21  }
0x5b: {  	v25 =	vld [tilespmem:s1+$0x9060];
	v59 =	vmul.f32 v11, v11;
	v24 =	vmul.f32 v10, v10;
	[tilespmem:s1+$0xF050] =	vst v20  }
0x5c: {  	v8 =	vadd.f32 v9, v8;
	v9 =	vadd.f32 v23, v22;
	v60 =	vld [tilespmem:s31+$0x20]  }
0x5d: {  	v10 =	vadd.f32 v10, v11;
	v11 =	vadd.f32 v24, v59  }
0x5e: {  	v5 =	vadd.f32 v8, v5;
	v8 =	vadd.f32 v9, v1  }
0x5f: {  	v9 =	vadd.f32 v10, v6;
	v10 =	vadd.f32 v11, v2  }
0x60: {  	v1 =	vmul.f32 v13, v13;
	v2 =	vmul.f32 v12, v12;
	v6 =	vadd.f32 v12, v13  }
0x61: {  	v11 =	vadd.f32 v58, v60;
	v12 =	vadd.f32 v25, v60  }
0x62: {  	v1 =	vadd.f32 v2, v1;
	v13 =	vadd.f32 v6, v7;
	v2 =	vmul.f32 v15, v15  }
0x63: {  	v6 =	vmul.f32 v14, v14;
	v7 =	vadd.s32 $0x8000, v11;
	v61 =	vadd.s32 $0x8000, v12  }
0x64: {  	v62 =	vadd.f32 v1, v4;
	v1 =	vshrl.u32 v7, $0x10;
	v4 =	vand.u32 $0xFFFF0000, v61  }
0x65: {  	v2 =	vadd.f32 v6, v2;
	v7 =	vadd.f32 v14, v15;
	v1 =	vor.u32 v1, v4  }
0x66: {  	v14 =	vld [tilespmem:s1+$0x7070];
	v15 =	vadd.f32 v16, v17;
	v16 =	vmul.f32 v16, v16;
	[tilespmem:s1+$0xF060] =	vst v1;
	v1 =	vmul.f32 v17, v17  }
0x67: {  	v4 =	vadd.f32 v2, v0;
	v6 =	vadd.f32 v7, v3;
	v7 =	vmul.f32 v18, v18;
	v3 =	vld [tilespmem:s31+$0x30]  }
0x68: {  	v0 =	vld [tilespmem:s1+$0x9070];
	v2 =	vadd.f32 v16, v1;
	v1 =	vadd.f32 v15, v5;
	v5 =	vmul.f32 v19, v19  }
0x69: {  	v63 =	vmul.f32 v12, v12;
	v15 =	vadd.f32 v18, v19  }
0x6a: {  	v2 =	vadd.f32 v2, v8;
	v8 =	vmul.f32 v11, v11;
	v7 =	vadd.f32 v7, v5  }
0x6b: {  	v5 =	vadd.f32 v15, v9;
	v9 =	vadd.f32 v12, v11  }
0x6c: {  	v8 =	vadd.f32 v63, v8;
	v12 =	vadd.f32 v14, v3  }
0x6d: {  	v14 =	vadd.f32 v0, v3;
	v7 =	vadd.f32 v7, v10  }
0x6e: {  	v3 =	vadd.f32 v9, v13;
	v0 =	vadd.f32 v8, v62  }
0x6f: {  	v9 =	vadd.s32 $0x8000, v12;
	v10 =	vadd.s32 $0x8000, v14;
	v8 =	vmul.f32 v12, v12  }
0x70: {  	s12 =	simm.s32 $0x80;
	v13 =	vshrl.u32 v9, $0x10;
	v15 =	vand.u32 $0xFFFF0000, v10;
	v9 =	vmul.f32 v14, v14  }
0x71: {  	s0 =	simm.s32 $0x400;
	v11 =	vld [tilespmem:s12+$0x7000];
	v10 =	vadd.f32 v14, v12;
	v12 =	vor.u32 v13, v15  }
.LBB2_3:
0x72: {  	p0 =	sne.s32 s0, $0x7E00;
	v13 =	vld [tilespmem:s12+$0x9000];
	v8 =	vadd.f32 v9, v8;
	[tilespmem:s1+$0xF070] =	vst v12;
	s31 =	sadd.s32 $0x40, s31;
	s1 =	smov.u32 s12  }
0x73: {  	v9 =	vld [tilespmem:s31+$0xFFFFF000];
	v6 =	vadd.f32 v10, v6  }
0x74: {  	v4 =	vadd.f32 v8, v4;
	_ =	sdelay $0x3  }
0x75: {  	v8 =	vadd.f32 v11, v9;
	v9 =	vadd.f32 v13, v9;
	_ =	sdelay $0x1  }
0x76: {  	v10 =	vmul.f32 v8, v8;
	v11 =	vadd.s32 $0x8000, v8;
	v12 =	vadd.s32 $0x8000, v9  }
0x77: {  	v13 =	vmul.f32 v9, v9;
	v11 =	vshrl.u32 v11, $0x10;
	v12 =	vand.u32 $0xFFFF0000, v12  }
0x78: {  	v8 =	vadd.f32 v9, v8;
	v9 =	vor.u32 v11, v12;
	v11 =	vld [tilespmem:s1+$0x7010]  }
0x79: {  	v10 =	vadd.f32 v13, v10;
	[tilespmem:s1+$0xF000] =	vst v9;
	v9 =	vld [tilespmem:s1+$0x9010]  }
0x7a: {  	v1 =	vadd.f32 v8, v1;
	v8 =	vld [tilespmem:s31+$0xFFFFF010]  }
0x7b: {  	v2 =	vadd.f32 v10, v2;
	_ =	sdelay $0x3  }
0x7c: {  	v10 =	vadd.f32 v11, v8;
	v8 =	vadd.f32 v9, v8;
	_ =	sdelay $0x1  }
0x7d: {  	v9 =	vmul.f32 v10, v10;
	v11 =	vadd.s32 $0x8000, v10;
	v12 =	vadd.s32 $0x8000, v8  }
0x7e: {  	v13 =	vmul.f32 v8, v8;
	v11 =	vshrl.u32 v11, $0x10;
	v12 =	vand.u32 $0xFFFF0000, v12  }
0x7f: {  	v8 =	vadd.f32 v8, v10;
	v10 =	vor.u32 v11, v12;
	v11 =	vld [tilespmem:s1+$0x7020]  }
0x80: {  	v9 =	vadd.f32 v13, v9;
	[tilespmem:s1+$0xF010] =	vst v10;
	v10 =	vld [tilespmem:s1+$0x9020]  }
0x81: {  	v5 =	vadd.f32 v8, v5;
	v8 =	vld [tilespmem:s31+$0xFFFFF020]  }
0x82: {  	v7 =	vadd.f32 v9, v7;
	_ =	sdelay $0x3  }
0x83: {  	v9 =	vadd.f32 v11, v8;
	v8 =	vadd.f32 v10, v8;
	_ =	sdelay $0x1  }
0x84: {  	v10 =	vmul.f32 v9, v9;
	v11 =	vadd.s32 $0x8000, v9;
	v12 =	vadd.s32 $0x8000, v8  }
0x85: {  	v13 =	vmul.f32 v8, v8;
	v11 =	vshrl.u32 v11, $0x10;
	v12 =	vand.u32 $0xFFFF0000, v12  }
0x86: {  	v8 =	vadd.f32 v8, v9;
	v9 =	vor.u32 v11, v12;
	v11 =	vld [tilespmem:s1+$0x7030]  }
0x87: {  	v10 =	vadd.f32 v13, v10;
	[tilespmem:s1+$0xF020] =	vst v9;
	v9 =	vld [tilespmem:s1+$0x9030]  }
0x88: {  	v3 =	vadd.f32 v8, v3;
	v8 =	vld [tilespmem:s31+$0xFFFFF030]  }
0x89: {  	v0 =	vadd.f32 v10, v0;
	_ =	sdelay $0x3  }
0x8a: {  	v10 =	vadd.f32 v11, v8;
	v8 =	vadd.f32 v9, v8;
	_ =	sdelay $0x1  }
0x8b: {  	v9 =	vmul.f32 v10, v10;
	v11 =	vadd.s32 $0x8000, v10;
	v12 =	vadd.s32 $0x8000, v8  }
0x8c: {  	v13 =	vmul.f32 v8, v8;
	v11 =	vshrl.u32 v11, $0x10;
	v12 =	vand.u32 $0xFFFF0000, v12  }
0x8d: {  	v8 =	vadd.f32 v8, v10;
	v10 =	vor.u32 v11, v12;
	v11 =	vld [tilespmem:s1+$0x7040]  }
0x8e: {  	v9 =	vadd.f32 v13, v9;
	[tilespmem:s1+$0xF030] =	vst v10;
	v10 =	vld [tilespmem:s1+$0x9040]  }
0x8f: {  	v6 =	vadd.f32 v8, v6;
	v8 =	vld [tilespmem:s31+$0x0]  }
0x90: {  	v4 =	vadd.f32 v9, v4;
	_ =	sdelay $0x3  }
0x91: {  	v9 =	vadd.f32 v11, v8;
	v8 =	vadd.f32 v10, v8;
	_ =	sdelay $0x1  }
0x92: {  	v10 =	vmul.f32 v9, v9;
	v11 =	vadd.s32 $0x8000, v9;
	v12 =	vadd.s32 $0x8000, v8  }
0x93: {  	v13 =	vmul.f32 v8, v8;
	v11 =	vshrl.u32 v11, $0x10;
	v12 =	vand.u32 $0xFFFF0000, v12  }
0x94: {  	v8 =	vadd.f32 v8, v9;
	v9 =	vor.u32 v11, v12;
	v11 =	vld [tilespmem:s1+$0x7050]  }
0x95: {  	v10 =	vadd.f32 v13, v10;
	[tilespmem:s1+$0xF040] =	vst v9;
	v9 =	vld [tilespmem:s1+$0x9050]  }
0x96: {  	v1 =	vadd.f32 v8, v1;
	v8 =	vld [tilespmem:s31+$0x10]  }
0x97: {  	v2 =	vadd.f32 v10, v2;
	_ =	sdelay $0x3  }
0x98: {  	v10 =	vadd.f32 v11, v8;
	v8 =	vadd.f32 v9, v8;
	_ =	sdelay $0x1  }
0x99: {  	v9 =	vmul.f32 v10, v10;
	v11 =	vadd.s32 $0x8000, v10;
	v12 =	vadd.s32 $0x8000, v8  }
0x9a: {  	v13 =	vmul.f32 v8, v8;
	v11 =	vshrl.u32 v11, $0x10;
	v12 =	vand.u32 $0xFFFF0000, v12  }
0x9b: {  	v8 =	vadd.f32 v8, v10;
	v10 =	vor.u32 v11, v12;
	v11 =	vld [tilespmem:s1+$0x7060]  }
0x9c: {  	v9 =	vadd.f32 v13, v9;
	[tilespmem:s1+$0xF050] =	vst v10;
	v10 =	vld [tilespmem:s1+$0x9060]  }
0x9d: {  	v5 =	vadd.f32 v8, v5;
	v8 =	vld [tilespmem:s31+$0x20]  }
0x9e: {  	v7 =	vadd.f32 v9, v7;
	_ =	sdelay $0x3  }
0x9f: {  	v9 =	vadd.f32 v11, v8;
	v8 =	vadd.f32 v10, v8;
	_ =	sdelay $0x1  }
0xa0: {  	v10 =	vmul.f32 v9, v9;
	v11 =	vadd.s32 $0x8000, v9;
	v12 =	vadd.s32 $0x8000, v8  }
0xa1: {  	v13 =	vmul.f32 v8, v8;
	v11 =	vshrl.u32 v11, $0x10;
	v12 =	vand.u32 $0xFFFF0000, v12  }
0xa2: {  	v8 =	vadd.f32 v8, v9;
	v9 =	vor.u32 v11, v12;
	v11 =	vld [tilespmem:s1+$0x7070]  }
0xa3: {  	v10 =	vadd.f32 v13, v10;
	[tilespmem:s1+$0xF060] =	vst v9;
	v9 =	vld [tilespmem:s1+$0x9070]  }
0xa4: {  	v3 =	vadd.f32 v8, v3;
	v8 =	vld [tilespmem:s31+$0x30]  }
0xa5: {  	v0 =	vadd.f32 v10, v0;
	_ =	sdelay $0x3  }
.Ltmp0:
0xa6: {  	v10 =	vadd.f32 v11, v8;
	v12 =	vadd.f32 v9, v8;
	(pc) =	sbr.rel @p0 .LBB2_3-.Ltmp0, $4  }
0xa7: {  	_ = 	snop  }
0xa8: {  	v8 =	vmul.f32 v10, v10;
	v11 =	vadd.s32 $0x8000, v10;
	v13 =	vadd.s32 $0x8000, v12  }
0xa9: {  	s12 =	sshra.s32 s0, $0x2;
	v9 =	vmul.f32 v12, v12;
	v14 =	vshrl.u32 v11, $0x10;
	v13 =	vand.u32 $0xFFFF0000, v13  }
0xaa: {  	s0 =	sadd.s32 $0x200, s0;
	v10 =	vadd.f32 v12, v10;
	v11 =	vld [tilespmem:s12+$0x7000];
	v12 =	vor.u32 v14, v13  }
0xab: {  	v13 =	vld [tilespmem:s12+$0x9000];
	[tilespmem:s1+$0xF070] =	vst v12;
	s0 =	sadd.s32 $0x40, s31  }
0xac: {  	v12 =	vld [tilespmem:s0+$0xFFFFF000];
	_ =	sdelay $0x4  }
0xad: {  	v11 =	vadd.f32 v11, v12;
	v12 =	vadd.f32 v13, v12;
	_ =	sdelay $0x1  }
0xae: {  	v13 =	vadd.s32 $0x8000, v11;
	v14 =	vadd.s32 $0x8000, v12  }
0xaf: {  	v13 =	vshrl.u32 v13, $0x10;
	v14 =	vand.u32 $0xFFFF0000, v14  }
0xb0: {  	v15 =	vld [tilespmem:s12+$0x9010];
	v13 =	vor.u32 v13, v14  }
0xb1: {  	v14 =	vld [tilespmem:s12+$0x7010];
	[tilespmem:s12+$0xF000] =	vst v13  }
0xb2: {  	v16 =	vld [tilespmem:s0+$0xFFFFF010];
	_ =	sdelay $0x4  }
0xb3: {  	v13 =	vadd.f32 v14, v16;
	v14 =	vadd.f32 v15, v16;
	_ =	sdelay $0x1  }
0xb4: {  	v15 =	vadd.s32 $0x8000, v13;
	v16 =	vadd.s32 $0x8000, v14  }
0xb5: {  	v15 =	vshrl.u32 v15, $0x10;
	v16 =	vand.u32 $0xFFFF0000, v16  }
0xb6: {  	v47 =	vld [tilespmem:s12+$0x7020];
	v15 =	vor.u32 v15, v16  }
0xb7: {  	[tilespmem:s12+$0xF010] =	vst v15;
	v15 =	vld [tilespmem:s12+$0x9020]  }
0xb8: {  	v18 =	vld [tilespmem:s0+$0xFFFFF020];
	_ =	sdelay $0x4  }
0xb9: {  	v17 =	vadd.f32 v47, v18;
	v18 =	vadd.f32 v15, v18;
	_ =	sdelay $0x1  }
0xba: {  	v15 =	vadd.s32 $0x8000, v17;
	v48 =	vadd.s32 $0x8000, v18  }
0xbb: {  	v15 =	vshrl.u32 v15, $0x10;
	v16 =	vand.u32 $0xFFFF0000, v48  }
0xbc: {  	v49 =	vld [tilespmem:s12+$0x7030];
	v15 =	vor.u32 v15, v16  }
0xbd: {  	[tilespmem:s12+$0xF020] =	vst v15;
	v15 =	vld [tilespmem:s12+$0x9030]  }
0xbe: {  	v20 =	vld [tilespmem:s0+$0xFFFFF030];
	_ =	sdelay $0x4  }
0xbf: {  	v19 =	vadd.f32 v49, v20;
	v20 =	vadd.f32 v15, v20;
	_ =	sdelay $0x1  }
0xc0: {  	v15 =	vadd.s32 $0x8000, v19;
	v50 =	vadd.s32 $0x8000, v20  }
0xc1: {  	v15 =	vshrl.u32 v15, $0x10;
	v16 =	vand.u32 $0xFFFF0000, v50  }
0xc2: {  	v51 =	vld [tilespmem:s12+$0x7040];
	v15 =	vor.u32 v15, v16  }
0xc3: {  	v21 =	vld [tilespmem:s12+$0x9040];
	[tilespmem:s12+$0xF030] =	vst v15  }
0xc4: {  	v22 =	vld [tilespmem:s0+$0x0];
	_ =	sdelay $0x4  }
0xc5: {  	v15 =	vadd.f32 v51, v22;
	v16 =	vadd.f32 v21, v22;
	_ =	sdelay $0x1  }
0xc6: {  	v52 =	vadd.s32 $0x8000, v15;
	v22 =	vadd.s32 $0x8000, v16  }
0xc7: {  	v21 =	vshrl.u32 v52, $0x10;
	v22 =	vand.u32 $0xFFFF0000, v22  }
0xc8: {  	v53 =	vld [tilespmem:s12+$0x7050];
	v21 =	vor.u32 v21, v22  }
0xc9: {  	v23 =	vld [tilespmem:s12+$0x9050];
	[tilespmem:s12+$0xF040] =	vst v21  }
0xca: {  	v24 =	vld [tilespmem:s0+$0x10];
	_ =	sdelay $0x4  }
0xcb: {  	v54 =	vadd.f32 v53, v24;
	v55 =	vadd.f32 v23, v24;
	_ =	sdelay $0x1  }
0xcc: {  	v56 =	vadd.s32 $0x8000, v54;
	v24 =	vadd.s32 $0x8000, v55  }
0xcd: {  	v23 =	vshrl.u32 v56, $0x10;
	v24 =	vand.u32 $0xFFFF0000, v24  }
0xce: {  	v57 =	vld [tilespmem:s12+$0x7060];
	v23 =	vor.u32 v23, v24  }
0xcf: {  	v25 =	vld [tilespmem:s12+$0x9060];
	[tilespmem:s12+$0xF050] =	vst v23  }
0xd0: {  	v26 =	vld [tilespmem:s0+$0x20];
	_ =	sdelay $0x4  }
0xd1: {  	v58 =	vadd.f32 v57, v26;
	v59 =	vadd.f32 v25, v26;
	_ =	sdelay $0x1  }
0xd2: {  	v60 =	vadd.s32 $0x8000, v58;
	v26 =	vadd.s32 $0x8000, v59  }
0xd3: {  	v25 =	vshrl.u32 v60, $0x10;
	v26 =	vand.u32 $0xFFFF0000, v26  }
0xd4: {  	v61 =	vld [tilespmem:s12+$0x7070];
	v25 =	vor.u32 v25, v26  }
0xd5: {  	v27 =	vld [tilespmem:s12+$0x9070];
	[tilespmem:s12+$0xF060] =	vst v25  }
0xd6: {  	v28 =	vld [tilespmem:s0+$0x30];
	_ =	sdelay $0x4  }
0xd7: {  	v62 =	vadd.f32 v61, v28;
	v63 =	vadd.f32 v27, v28;
	_ =	sdelay $0x1  }
0xd8: {  	v35 =	vadd.s32 $0x8000, v62;
	v28 =	vadd.s32 $0x8000, v63  }
0xd9: {  	s1 =	sshll.u32 s28, $0xA;
	p0 =	seq.s32 s26, $0x27;
	v27 =	vshrl.u32 v35, $0x10;
	v28 =	vand.u32 $0xFFFF0000, v28  }
0xda: {  	s31 =	sshll.u32 s30, $0x12;
	s28 =	sadd.s32 s9, s1;
	s0 =	sadd.s32 @!p0 $0x2, s29;
	v27 =	vor.u32 v27, v28  }
0xdb: {  	s1 =	sadd.s32 s31, s28;
	[tilespmem:s12+$0xF070] =	vst v27;
	s12 =	smulhi.u32 @!p0 $0x66666667, s0  }
0xdc: {  	[hbm4b:s1+s3] =	stream.linear.scatter [tilespmem:s18], [sflag:$0x3], $0x2000, $0x38;
	[tilespmem:$0x13080] =	vst v63  }
0xdd: {  	s1 =	sshrl.u32 @!p0 s12, $0x2  }
0xde: {  	s12 =	smul.u32 @!p0 $0xA, s1  }
0xdf: {  	_ =	swait.ge [sflag:s19], $0x2000  }
0xe0: {  	[sflag:s19] =	ssyncset.done $0x0;
	s0 =	ssub.s32 @!p0 s0, s12  }
0xe1: {  	s1 =	sshll.u32 @!p0 s1, $0x7;
	[sflag:s19] =	ssyncadd.s32 $0xFFFFE000;
	s0 =	sshll.u32 @!p0 s0, $0xB  }
0xe2: {  	s12 =	simm.s32 @!p0 $0x7000;
	s0 =	sadd.s32 @!p0 s1, s0;
	s1 =	simm.s32 @!p0 $0x80  }
0xe3: {  	[tilespmem:s12], [sflag:$0x1] =	stream.indirect.gather @!p0 [hbm4b:s2+s1], $0x40, s0, s1, $0xb8;
	[tilespmem:$0x13080] =	vst v63  }
0xe4: {  	s0 =	sadd.s32 @!p0 $0x400, s0;
	s12 =	simm.s32 @!p0 $0x9000  }
0xe5: {  	[tilespmem:s12], [sflag:$0x1] =	stream.indirect.gather @!p0 [hbm4b:s2+s1], $0x40, s0, s1, $0xb8;
	[tilespmem:$0x13080] =	vst v63  }
0xe6: {  	_ =	swait.ge [sflag:s20], $0x2000  }
0xe7: {  	[sflag:s20] =	ssyncset.done $0x0  }
0xe8: {  	[sflag:s20] =	ssyncadd.s32 $0xFFFFE000  }
0xe9: {  	_ =	swait.ge [sflag:s20], $0x2000  }
0xea: {  	[sflag:s20] =	ssyncset.done $0x0  }
0xeb: {  	s30 =	simm.s32 $0x0;
	[sflag:s20] =	ssyncadd.s32 $0xFFFFE000  }
0xec: {  	v36 =	vld [tilespmem:s30+$0xB000]  }
0xed: {  	s29 =	simm.s32 $0x6000;
	v37 =	vld [tilespmem:s30+$0xD000]  }
0xee: {  	v29 =	vld [tilespmem:s29+$0xFFFFF000];
	_ =	sdelay $0x4  }
0xef: {  	v27 =	vadd.f32 v36, v29;
	v28 =	vadd.f32 v37, v29;
	_ =	sdelay $0x1  }
0xf0: {  	v38 =	vadd.s32 $0x8000, v27;
	v30 =	vadd.s32 $0x8000, v28  }
0xf1: {  	v29 =	vshrl.u32 v38, $0x10;
	v30 =	vand.u32 $0xFFFF0000, v30  }
0xf2: {  	v39 =	vld [tilespmem:s30+$0xB010];
	v29 =	vor.u32 v29, v30  }
0xf3: {  	v40 =	vld [tilespmem:s30+$0xD010];
	[tilespmem:s30+$0x11000] =	vst v29  }
0xf4: {  	v31 =	vld [tilespmem:s29+$0xFFFFF010];
	_ =	sdelay $0x4  }
0xf5: {  	v30 =	vadd.f32 v39, v31;
	v29 =	vadd.f32 v40, v31;
	_ =	sdelay $0x1  }
0xf6: {  	v41 =	vadd.s32 $0x8000, v30;
	v32 =	vadd.s32 $0x8000, v29  }
0xf7: {  	v31 =	vshrl.u32 v41, $0x10;
	v32 =	vand.u32 $0xFFFF0000, v32  }
0xf8: {  	v42 =	vld [tilespmem:s30+$0xB020];
	v31 =	vor.u32 v31, v32  }
0xf9: {  	v43 =	vld [tilespmem:s30+$0xD020];
	[tilespmem:s30+$0x11010] =	vst v31  }
0xfa: {  	v33 =	vld [tilespmem:s29+$0xFFFFF020];
	_ =	sdelay $0x4  }
0xfb: {  	v32 =	vadd.f32 v42, v33;
	v31 =	vadd.f32 v43, v33;
	_ =	sdelay $0x1  }
0xfc: {  	v44 =	vadd.s32 $0x8000, v32;
	v34 =	vadd.s32 $0x8000, v31  }
0xfd: {  	v33 =	vshrl.u32 v44, $0x10;
	v34 =	vand.u32 $0xFFFF0000, v34  }
0xfe: {  	v45 =	vld [tilespmem:s30+$0xB030];
	v33 =	vor.u32 v33, v34  }
0xff: {  	v46 =	vld [tilespmem:s30+$0xD030];
	[tilespmem:s30+$0x11020] =	vst v33  }
0x100: {  	v35 =	vld [tilespmem:s29+$0xFFFFF030];
	_ =	sdelay $0x4  }
0x101: {  	v34 =	vadd.f32 v45, v35;
	v33 =	vadd.f32 v46, v35;
	_ =	sdelay $0x1  }
0x102: {  	v47 =	vadd.s32 $0x8000, v34;
	v36 =	vadd.s32 $0x8000, v33  }
0x103: {  	v8 =	vadd.f32 v9, v8;
	v35 =	vshrl.u32 v47, $0x10;
	v36 =	vand.u32 $0xFFFF0000, v36  }
0x104: {  	v6 =	vadd.f32 v10, v6;
	v9 =	vor.u32 v35, v36  }
0x105: {  	v4 =	vadd.f32 v8, v4;
	v10 =	vmul.f32 v11, v11;
	v49 =	vmul.f32 v12, v12;
	v48 =	vld [tilespmem:s30+$0xB040];
	[tilespmem:s30+$0x11030] =	vst v9  }
0x106: {  	v11 =	vadd.f32 v12, v11;
	v8 =	vmul.f32 v13, v13;
	v9 =	vmul.f32 v14, v14;
	v12 =	vld [tilespmem:s29+$0x0]  }
0x107: {  	v13 =	vadd.f32 v14, v13;
	v10 =	vadd.f32 v49, v10;
	v37 =	vld [tilespmem:s30+$0xD040]  }
0x108: {  	v1 =	vadd.f32 v11, v1;
	v8 =	vadd.f32 v9, v8  }
0x109: {  	v5 =	vadd.f32 v13, v5;
	v2 =	vadd.f32 v10, v2  }
0x10a: {  	v9 =	vmul.f32 v18, v18;
	v7 =	vadd.f32 v8, v7;
	v8 =	vmul.f32 v17, v17  }
0x10b: {  	v10 =	vadd.f32 v18, v17;
	v11 =	vadd.f32 v48, v12  }
0x10c: {  	v12 =	vadd.f32 v37, v12;
	v8 =	vadd.f32 v9, v8  }
0x10d: {  	v3 =	vadd.f32 v10, v3;
	v10 =	vmul.f32 v20, v20;
	v9 =	vmul.f32 v19, v19  }
0x10e: {  	v13 =	vadd.s32 $0x8000, v11;
	v14 =	vadd.s32 $0x8000, v12;
	v0 =	vadd.f32 v8, v0  }
0x10f: {  	v8 =	vadd.f32 v10, v9;
	v13 =	vshrl.u32 v13, $0x10;
	v14 =	vand.u32 $0xFFFF0000, v14  }
0x110: {  	v51 =	vld [tilespmem:s30+$0xD050];
	v9 =	vor.u32 v13, v14;
	v13 =	vmul.f32 v15, v15;
	v14 =	vmul.f32 v16, v16  }
0x111: {  	v50 =	vadd.f32 v20, v19;
	v10 =	vld [tilespmem:s30+$0xB050];
	v4 =	vadd.f32 v8, v4;
	[tilespmem:s30+$0x11040] =	vst v9  }
0x112: {  	v8 =	vmul.f32 v54, v54;
	v9 =	vmul.f32 v55, v55;
	v13 =	vadd.f32 v14, v13;
	v14 =	vld [tilespmem:s29+$0x10]  }
0x113: {  	v6 =	vadd.f32 v50, v6;
	v15 =	vadd.f32 v16, v15  }
0x114: {  	v52 =	vadd.f32 v55, v54;
	v8 =	vadd.f32 v9, v8  }
0x115: {  	v1 =	vadd.f32 v15, v1;
	v9 =	vmul.f32 v59, v59;
	v2 =	vadd.f32 v13, v2  }
0x116: {  	v13 =	vadd.f32 v59, v58;
	v7 =	vadd.f32 v8, v7;
	v8 =	vmul.f32 v58, v58  }
0x117: {  	v10 =	vadd.f32 v10, v14;
	v14 =	vadd.f32 v51, v14  }
0x118: {  	v3 =	vadd.f32 v13, v3;
	v13 =	vmul.f32 v63, v63;
	v8 =	vadd.f32 v9, v8  }
0x119: {  	v9 =	vmul.f32 v62, v62;
	v15 =	vadd.s32 $0x8000, v10;
	v53 =	vadd.s32 $0x8000, v14  }
0x11a: {  	v5 =	vadd.f32 v52, v5;
	v15 =	vshrl.u32 v15, $0x10;
	v16 =	vand.u32 $0xFFFF0000, v53  }
0x11b: {  	v56 =	vld [tilespmem:s30+$0xD060];
	v0 =	vadd.f32 v8, v0;
	v8 =	vadd.f32 v13, v9;
	v9 =	vor.u32 v15, v16  }
0x11c: {  	v54 =	vadd.f32 v63, v62;
	v55 =	vmul.f32 v28, v28;
	v13 =	vld [tilespmem:s30+$0xB060];
	v15 =	vmul.f32 v27, v27;
	[tilespmem:s30+$0x11050] =	vst v9  }
0x11d: {  	v8 =	vadd.f32 v8, v4;
	v4 =	vmul.f32 v30, v30;
	v9 =	vmul.f32 v29, v29;
	v58 =	vld [tilespmem:s29+$0x20]  }
0x11e: {  	v57 =	vadd.f32 v28, v27;
	v15 =	vadd.f32 v55, v15  }
0x11f: {  	v6 =	vadd.f32 v54, v6;
	v4 =	vadd.f32 v9, v4  }
0x120: {  	v59 =	vadd.f32 v29, v30;
	v9 =	vadd.f32 v15, v2;
	v2 =	vmul.f32 v32, v32  }
0x121: {  	v15 =	vadd.f32 v4, v7;
	v4 =	vmul.f32 v31, v31;
	v7 =	vadd.f32 v31, v32  }
0x122: {  	v13 =	vadd.f32 v13, v58;
	v16 =	vadd.f32 v56, v58  }
0x123: {  	v2 =	vadd.f32 v4, v2;
	v60 =	vadd.f32 v7, v3;
	v3 =	vmul.f32 v34, v34  }
0x124: {  	v4 =	vmul.f32 v33, v33;
	v7 =	vadd.s32 $0x8000, v13;
	v61 =	vadd.s32 $0x8000, v16  }
0x125: {  	v0 =	vadd.f32 v2, v0;
	v2 =	vshrl.u32 v7, $0x10;
	v7 =	vand.u32 $0xFFFF0000, v61  }
0x126: {  	v62 =	vadd.f32 v33, v34;
	v3 =	vadd.f32 v4, v3;
	v2 =	vor.u32 v2, v7  }
0x127: {  	v7 =	vmul.f32 v11, v11;
	v11 =	vadd.f32 v12, v11;
	v12 =	vmul.f32 v12, v12  }
0x128: {  	v1 =	vadd.f32 v57, v1;
	v63 =	vld [tilespmem:s30+$0xB070];
	v4 =	vadd.f32 v62, v6  }
0x129: {  	[tilespmem:s30+$0x11060] =	vst v2;
	v2 =	vadd.f32 v3, v8;
	v8 =	vld [tilespmem:s30+$0xD070];
	v6 =	vadd.f32 v12, v7  }
0x12a: {  	v3 =	vadd.f32 v11, v1;
	v1 =	vld [tilespmem:s29+$0x30];
	v11 =	vmul.f32 v10, v10;
	v12 =	vmul.f32 v14, v14  }
0x12b: {  	v5 =	vadd.f32 v59, v5;
	v10 =	vadd.f32 v14, v10;
	v14 =	vmul.f32 v16, v16  }
0x12c: {  	v7 =	vadd.f32 v6, v9;
	v9 =	vmul.f32 v13, v13;
	v11 =	vadd.f32 v12, v11  }
0x12d: {  	v6 =	vadd.f32 v10, v5;
	v10 =	vadd.f32 v16, v13  }
0x12e: {  	v9 =	vadd.f32 v14, v9;
	v5 =	vadd.f32 v11, v15  }
0x12f: {  	v12 =	vadd.f32 v63, v1;
	v13 =	vadd.f32 v8, v1  }
0x130: {  	v1 =	vadd.f32 v10, v60;
	v0 =	vadd.f32 v9, v0  }
0x131: {  	v9 =	vadd.s32 $0x8000, v12;
	v10 =	vadd.s32 $0x8000, v13;
	v8 =	vmul.f32 v12, v12  }
0x132: {  	s1 =	simm.s32 $0x80;
	v14 =	vshrl.u32 v9, $0x10;
	v15 =	vand.u32 $0xFFFF0000, v10;
	v9 =	vmul.f32 v13, v13  }
0x133: {  	s26 =	sadd.s32 $0x1, s26;
	s0 =	simm.s32 $0x400;
	v11 =	vld [tilespmem:s1+$0xB000];
	v10 =	vadd.f32 v13, v12;
	v12 =	vor.u32 v14, v15  }
.LBB2_5:
0x134: {  	p0 =	sne.s32 s0, $0x7E00;
	v13 =	vld [tilespmem:s1+$0xD000];
	v8 =	vadd.f32 v9, v8;
	[tilespmem:s30+$0x11070] =	vst v12;
	s29 =	sadd.s32 $0x40, s29;
	s30 =	smov.u32 s1  }
0x135: {  	v9 =	vld [tilespmem:s29+$0xFFFFF000];
	v4 =	vadd.f32 v10, v4  }
0x136: {  	v2 =	vadd.f32 v8, v2;
	_ =	sdelay $0x3  }
0x137: {  	v8 =	vadd.f32 v11, v9;
	v9 =	vadd.f32 v13, v9;
	_ =	sdelay $0x1  }
0x138: {  	v10 =	vmul.f32 v8, v8;
	v11 =	vadd.s32 $0x8000, v8;
	v12 =	vadd.s32 $0x8000, v9  }
0x139: {  	v13 =	vmul.f32 v9, v9;
	v11 =	vshrl.u32 v11, $0x10;
	v12 =	vand.u32 $0xFFFF0000, v12  }
0x13a: {  	v8 =	vadd.f32 v9, v8;
	v9 =	vor.u32 v11, v12;
	v11 =	vld [tilespmem:s30+$0xB010]  }
0x13b: {  	v10 =	vadd.f32 v13, v10;
	[tilespmem:s30+$0x11000] =	vst v9;
	v9 =	vld [tilespmem:s30+$0xD010]  }
0x13c: {  	v3 =	vadd.f32 v8, v3;
	v8 =	vld [tilespmem:s29+$0xFFFFF010]  }
0x13d: {  	v7 =	vadd.f32 v10, v7;
	_ =	sdelay $0x3  }
0x13e: {  	v10 =	vadd.f32 v11, v8;
	v8 =	vadd.f32 v9, v8;
	_ =	sdelay $0x1  }
0x13f: {  	v9 =	vmul.f32 v10, v10;
	v11 =	vadd.s32 $0x8000, v10;
	v12 =	vadd.s32 $0x8000, v8  }
0x140: {  	v13 =	vmul.f32 v8, v8;
	v11 =	vshrl.u32 v11, $0x10;
	v12 =	vand.u32 $0xFFFF0000, v12  }
0x141: {  	v8 =	vadd.f32 v8, v10;
	v10 =	vor.u32 v11, v12;
	v11 =	vld [tilespmem:s30+$0xB020]  }
0x142: {  	v9 =	vadd.f32 v13, v9;
	[tilespmem:s30+$0x11010] =	vst v10;
	v10 =	vld [tilespmem:s30+$0xD020]  }
0x143: {  	v6 =	vadd.f32 v8, v6;
	v8 =	vld [tilespmem:s29+$0xFFFFF020]  }
0x144: {  	v5 =	vadd.f32 v9, v5;
	_ =	sdelay $0x3  }
0x145: {  	v9 =	vadd.f32 v11, v8;
	v8 =	vadd.f32 v10, v8;
	_ =	sdelay $0x1  }
0x146: {  	v10 =	vmul.f32 v9, v9;
	v11 =	vadd.s32 $0x8000, v9;
	v12 =	vadd.s32 $0x8000, v8  }
0x147: {  	v13 =	vmul.f32 v8, v8;
	v11 =	vshrl.u32 v11, $0x10;
	v12 =	vand.u32 $0xFFFF0000, v12  }
0x148: {  	v8 =	vadd.f32 v8, v9;
	v9 =	vor.u32 v11, v12;
	v11 =	vld [tilespmem:s30+$0xB030]  }
0x149: {  	v10 =	vadd.f32 v13, v10;
	[tilespmem:s30+$0x11020] =	vst v9;
	v9 =	vld [tilespmem:s30+$0xD030]  }
0x14a: {  	v1 =	vadd.f32 v8, v1;
	v8 =	vld [tilespmem:s29+$0xFFFFF030]  }
0x14b: {  	v0 =	vadd.f32 v10, v0;
	_ =	sdelay $0x3  }
0x14c: {  	v10 =	vadd.f32 v11, v8;
	v8 =	vadd.f32 v9, v8;
	_ =	sdelay $0x1  }
0x14d: {  	v9 =	vmul.f32 v10, v10;
	v11 =	vadd.s32 $0x8000, v10;
	v12 =	vadd.s32 $0x8000, v8  }
0x14e: {  	v13 =	vmul.f32 v8, v8;
	v11 =	vshrl.u32 v11, $0x10;
	v12 =	vand.u32 $0xFFFF0000, v12  }
0x14f: {  	v8 =	vadd.f32 v8, v10;
	v10 =	vor.u32 v11, v12;
	v11 =	vld [tilespmem:s30+$0xB040]  }
0x150: {  	v9 =	vadd.f32 v13, v9;
	[tilespmem:s30+$0x11030] =	vst v10;
	v10 =	vld [tilespmem:s30+$0xD040]  }
0x151: {  	v4 =	vadd.f32 v8, v4;
	v8 =	vld [tilespmem:s29+$0x0]  }
0x152: {  	v2 =	vadd.f32 v9, v2;
	_ =	sdelay $0x3  }
0x153: {  	v9 =	vadd.f32 v11, v8;
	v8 =	vadd.f32 v10, v8;
	_ =	sdelay $0x1  }
0x154: {  	v10 =	vmul.f32 v9, v9;
	v11 =	vadd.s32 $0x8000, v9;
	v12 =	vadd.s32 $0x8000, v8  }
0x155: {  	v13 =	vmul.f32 v8, v8;
	v11 =	vshrl.u32 v11, $0x10;
	v12 =	vand.u32 $0xFFFF0000, v12  }
0x156: {  	v8 =	vadd.f32 v8, v9;
	v9 =	vor.u32 v11, v12;
	v11 =	vld [tilespmem:s30+$0xB050]  }
0x157: {  	v10 =	vadd.f32 v13, v10;
	[tilespmem:s30+$0x11040] =	vst v9;
	v9 =	vld [tilespmem:s30+$0xD050]  }
0x158: {  	v3 =	vadd.f32 v8, v3;
	v8 =	vld [tilespmem:s29+$0x10]  }
0x159: {  	v7 =	vadd.f32 v10, v7;
	_ =	sdelay $0x3  }
0x15a: {  	v10 =	vadd.f32 v11, v8;
	v8 =	vadd.f32 v9, v8;
	_ =	sdelay $0x1  }
0x15b: {  	v9 =	vmul.f32 v10, v10;
	v11 =	vadd.s32 $0x8000, v10;
	v12 =	vadd.s32 $0x8000, v8  }
0x15c: {  	v13 =	vmul.f32 v8, v8;
	v11 =	vshrl.u32 v11, $0x10;
	v12 =	vand.u32 $0xFFFF0000, v12  }
0x15d: {  	v8 =	vadd.f32 v8, v10;
	v10 =	vor.u32 v11, v12;
	v11 =	vld [tilespmem:s30+$0xB060]  }
0x15e: {  	v9 =	vadd.f32 v13, v9;
	[tilespmem:s30+$0x11050] =	vst v10;
	v10 =	vld [tilespmem:s30+$0xD060]  }
0x15f: {  	v6 =	vadd.f32 v8, v6;
	v8 =	vld [tilespmem:s29+$0x20]  }
0x160: {  	v5 =	vadd.f32 v9, v5;
	_ =	sdelay $0x3  }
0x161: {  	v9 =	vadd.f32 v11, v8;
	v8 =	vadd.f32 v10, v8;
	_ =	sdelay $0x1  }
0x162: {  	v10 =	vmul.f32 v9, v9;
	v11 =	vadd.s32 $0x8000, v9;
	v12 =	vadd.s32 $0x8000, v8  }
0x163: {  	v13 =	vmul.f32 v8, v8;
	v11 =	vshrl.u32 v11, $0x10;
	v12 =	vand.u32 $0xFFFF0000, v12  }
0x164: {  	v8 =	vadd.f32 v8, v9;
	v9 =	vor.u32 v11, v12;
	v11 =	vld [tilespmem:s30+$0xB070]  }
0x165: {  	v10 =	vadd.f32 v13, v10;
	[tilespmem:s30+$0x11060] =	vst v9;
	v9 =	vld [tilespmem:s30+$0xD070]  }
0x166: {  	v1 =	vadd.f32 v8, v1;
	v8 =	vld [tilespmem:s29+$0x30]  }
0x167: {  	v0 =	vadd.f32 v10, v0;
	_ =	sdelay $0x3  }
.Ltmp1:
0x168: {  	v10 =	vadd.f32 v11, v8;
	v12 =	vadd.f32 v9, v8;
	(pc) =	sbr.rel @p0 .LBB2_5-.Ltmp1, $4  }
0x169: {  	_ = 	snop  }
0x16a: {  	v8 =	vmul.f32 v10, v10;
	v11 =	vadd.s32 $0x8000, v10;
	v13 =	vadd.s32 $0x8000, v12  }
0x16b: {  	s1 =	sshra.s32 s0, $0x2;
	v9 =	vmul.f32 v12, v12;
	v14 =	vshrl.u32 v11, $0x10;
	v13 =	vand.u32 $0xFFFF0000, v13  }
0x16c: {  	s0 =	sadd.s32 $0x200, s0;
	v10 =	vadd.f32 v12, v10;
	v11 =	vld [tilespmem:s1+$0xB000];
	v12 =	vor.u32 v14, v13  }
0x16d: {  	v13 =	vld [tilespmem:s1+$0xD000];
	[tilespmem:s30+$0x11070] =	vst v12;
	s0 =	sadd.s32 $0x40, s29  }
0x16e: {  	v12 =	vld [tilespmem:s0+$0xFFFFF000];
	_ =	sdelay $0x4  }
0x16f: {  	v11 =	vadd.f32 v11, v12;
	v12 =	vadd.f32 v13, v12;
	_ =	sdelay $0x1  }
0x170: {  	v19 =	vadd.s32 $0x8000, v11;
	v14 =	vadd.s32 $0x8000, v12  }
0x171: {  	v13 =	vshrl.u32 v19, $0x10;
	v14 =	vand.u32 $0xFFFF0000, v14  }
0x172: {  	v20 =	vld [tilespmem:s1+$0xB010];
	v13 =	vor.u32 v13, v14  }
0x173: {  	v21 =	vld [tilespmem:s1+$0xD010];
	[tilespmem:s1+$0x11000] =	vst v13  }
0x174: {  	v15 =	vld [tilespmem:s0+$0xFFFFF010];
	_ =	sdelay $0x4  }
0x175: {  	v14 =	vadd.f32 v20, v15;
	v13 =	vadd.f32 v21, v15;
	_ =	sdelay $0x1  }
0x176: {  	v22 =	vadd.s32 $0x8000, v14;
	v16 =	vadd.s32 $0x8000, v13  }
0x177: {  	v15 =	vshrl.u32 v22, $0x10;
	v16 =	vand.u32 $0xFFFF0000, v16  }
0x178: {  	v23 =	vld [tilespmem:s1+$0xB020];
	v15 =	vor.u32 v15, v16  }
0x179: {  	v24 =	vld [tilespmem:s1+$0xD020];
	[tilespmem:s1+$0x11010] =	vst v15  }
0x17a: {  	v17 =	vld [tilespmem:s0+$0xFFFFF020];
	_ =	sdelay $0x4  }
0x17b: {  	v16 =	vadd.f32 v23, v17;
	v15 =	vadd.f32 v24, v17;
	_ =	sdelay $0x1  }
0x17c: {  	v25 =	vadd.s32 $0x8000, v16;
	v18 =	vadd.s32 $0x8000, v15  }
0x17d: {  	v17 =	vshrl.u32 v25, $0x10;
	v18 =	vand.u32 $0xFFFF0000, v18  }
0x17e: {  	v26 =	vld [tilespmem:s1+$0xB030];
	v17 =	vor.u32 v17, v18  }
0x17f: {  	v27 =	vld [tilespmem:s1+$0xD030];
	[tilespmem:s1+$0x11020] =	vst v17  }
0x180: {  	v19 =	vld [tilespmem:s0+$0xFFFFF030];
	_ =	sdelay $0x4  }
0x181: {  	v18 =	vadd.f32 v26, v19;
	v17 =	vadd.f32 v27, v19;
	_ =	sdelay $0x1  }
0x182: {  	v28 =	vadd.s32 $0x8000, v18;
	v20 =	vadd.s32 $0x8000, v17  }
0x183: {  	v19 =	vshrl.u32 v28, $0x10;
	v20 =	vand.u32 $0xFFFF0000, v20  }
0x184: {  	v29 =	vld [tilespmem:s1+$0xB040];
	v19 =	vor.u32 v19, v20  }
0x185: {  	v30 =	vld [tilespmem:s1+$0xD040];
	[tilespmem:s1+$0x11030] =	vst v19  }
0x186: {  	v21 =	vld [tilespmem:s0+$0x0];
	_ =	sdelay $0x4  }
0x187: {  	v20 =	vadd.f32 v29, v21;
	v19 =	vadd.f32 v30, v21;
	_ =	sdelay $0x1  }
0x188: {  	v31 =	vadd.s32 $0x8000, v20;
	v22 =	vadd.s32 $0x8000, v19  }
0x189: {  	v21 =	vshrl.u32 v31, $0x10;
	v22 =	vand.u32 $0xFFFF0000, v22  }
0x18a: {  	v32 =	vld [tilespmem:s1+$0xB050];
	v21 =	vor.u32 v21, v22  }
0x18b: {  	v33 =	vld [tilespmem:s1+$0xD050];
	[tilespmem:s1+$0x11040] =	vst v21  }
0x18c: {  	v23 =	vld [tilespmem:s0+$0x10];
	_ =	sdelay $0x4  }
0x18d: {  	v22 =	vadd.f32 v32, v23;
	v21 =	vadd.f32 v33, v23;
	_ =	sdelay $0x1  }
0x18e: {  	v34 =	vadd.s32 $0x8000, v22;
	v24 =	vadd.s32 $0x8000, v21  }
0x18f: {  	v8 =	vadd.f32 v9, v8;
	v23 =	vshrl.u32 v34, $0x10;
	v24 =	vand.u32 $0xFFFF0000, v24  }
0x190: {  	v35 =	vld [tilespmem:s1+$0xB060];
	v23 =	vor.u32 v23, v24  }
0x191: {  	v2 =	vadd.f32 v8, v2;
	v8 =	vmul.f32 v14, v14;
	v40 =	vmul.f32 v13, v13;
	v26 =	vld [tilespmem:s1+$0xD060];
	[tilespmem:s1+$0x11050] =	vst v23  }
0x192: {  	v38 =	vadd.f32 v12, v11;
	v37 =	vld [tilespmem:s0+$0x20]  }
0x193: {  	v41 =	vadd.f32 v13, v14;
	v8 =	vadd.f32 v40, v8  }
0x194: {  	v4 =	vadd.f32 v10, v4;
	v3 =	vadd.f32 v38, v3  }
0x195: {  	v36 =	vmul.f32 v11, v11;
	v6 =	vadd.f32 v41, v6;
	v8 =	vadd.f32 v8, v5  }
0x196: {  	v43 =	vmul.f32 v16, v16;
	v44 =	vmul.f32 v15, v15;
	v45 =	vadd.f32 v15, v16  }
0x197: {  	v25 =	vmul.f32 v12, v12;
	v42 =	vadd.f32 v35, v37;
	v9 =	vadd.f32 v26, v37  }
0x198: {  	v10 =	vadd.f32 v44, v43;
	v49 =	vadd.f32 v45, v1  }
0x199: {  	v39 =	vadd.f32 v25, v36;
	v46 =	vadd.s32 $0x8000, v42;
	v47 =	vadd.s32 $0x8000, v9  }
0x19a: {  	v52 =	vadd.f32 v17, v18;
	v5 =	vshrl.u32 v46, $0x10;
	v48 =	vand.u32 $0xFFFF0000, v47  }
0x19b: {  	v50 =	vld [tilespmem:s1+$0xB070];
	v51 =	vmul.f32 v17, v17;
	v1 =	vor.u32 v5, v48;
	v5 =	vmul.f32 v18, v18  }
0x19c: {  	v54 =	vld [tilespmem:s1+$0xD070];
	v0 =	vadd.f32 v10, v0;
	v55 =	vadd.f32 v52, v4;
	[tilespmem:s1+$0x11060] =	vst v1  }
0x19d: {  	v53 =	vmul.f32 v19, v19;
	v1 =	vmul.f32 v20, v20;
	v5 =	vadd.f32 v51, v5;
	v4 =	vld [tilespmem:s0+$0x30]  }
0x19e: {  	v7 =	vadd.f32 v39, v7;
	v56 =	vadd.f32 v19, v20;
	v58 =	vmul.f32 v21, v21  }
0x19f: {  	v1 =	vadd.f32 v53, v1;
	v57 =	vadd.f32 v5, v2;
	v2 =	vmul.f32 v22, v22  }
0x1a0: {  	v5 =	vadd.f32 v56, v3;
	v3 =	vadd.f32 v21, v22  }
0x1a1: {  	v1 =	vadd.f32 v1, v7;
	v2 =	vadd.f32 v58, v2  }
0x1a2: {  	v60 =	vmul.f32 v9, v9;
	v7 =	vadd.f32 v50, v4;
	v4 =	vadd.f32 v54, v4  }
0x1a3: {  	v6 =	vadd.f32 v3, v6;
	v3 =	vmul.f32 v42, v42;
	v2 =	vadd.f32 v2, v8  }
0x1a4: {  	p0 =	sne.s32 s26, $0x28;
	v8 =	vadd.s32 $0x8000, v7;
	v59 =	vadd.s32 $0x8000, v4;
	v61 =	vmul.f32 v7, v7  }
.Ltmp2:
0x1a5: {  	v62 =	vmul.f32 v4, v4;
	v8 =	vshrl.u32 v8, $0x10;
	v13 =	vand.u32 $0xFFFF0000, v59;
	(pc) =	sbr.rel @p0 .LBB2_2-.Ltmp2, $4  }
0x1a6: {  	v9 =	vadd.f32 v9, v42;
	v3 =	vadd.f32 v60, v3;
	v8 =	vor.u32 v8, v13  }
0x1a7: {  	s31 =	sshll.u32 s25, $0x12;
	v63 =	vadd.f32 v62, v61;
	[tilespmem:s1+$0x11070] =	vst v8;
	v8 =	vadd.f32 v4, v7  }
0x1a8: {  	s0 =	sadd.s32 s31, s28;
	v7 =	vadd.f32 v9, v49;
	v4 =	vadd.f32 v3, v0  }
0x1a9: {  	[hbm4b:s0+s3] =	stream.linear.scatter [tilespmem:s21], [sflag:$0x4], $0x2000, $0x38;
	v0 =	vadd.f32 v63, v57;
	v3 =	vadd.f32 v8, v55;
	[tilespmem:$0x13080] =	vst v63  }
0x1aa: {  	[tilespmem:$0x13000] =	vst v5  }
0x1ab: {  	[tilespmem:$0x13010] =	vst v6  }
0x1ac: {  	[tilespmem:$0x13020] =	vst v7  }
0x1ad: {  	[tilespmem:$0x13040] =	vst v1  }
0x1ae: {  	[tilespmem:$0x13050] =	vst v2  }
0x1af: {  	[tilespmem:$0x13060] =	vst v4  }
0x1b0: {  	[tilespmem:$0x13030] =	vst v3  }
0x1b1: {  	s24 =	sadd.s32 $0x1, s24;
	[tilespmem:$0x13070] =	vst v0  }
0x1b2: {  	[hbm4b:s7+s3] =	stream.linear.scatter [tilespmem:s22], [sflag:$0x5], $0x80, $0x38;
	[tilespmem:$0x13080] =	vst v63  }
0x1b3: {  	p0 =	sne.s32 s24, s8;
	_ =	swait.ge [sflag:s10], $0x80  }
.Ltmp3:
0x1b4: {  	[sflag:s10] =	ssyncset.done $0x0;
	(pc) =	sbr.rel @p0 .LBB2_1-.Ltmp3, $4  }
0x1b5: {  	[sflag:s10] =	ssyncadd.s32 $0xFFFFFF80  }
0x1b6: {  	_ =	swait.ge [sflag:s23], $0x2000  }
0x1b7: {  	[sflag:s23] =	ssyncset.done $0x0  }
0x1b8: {  	[sflag:s23] =	ssyncadd.s32 $0xFFFFE000  }
0x1b9: {  	_ =	sfence.sel $0x180000  }
0x1ba: {  	[bflag:$0x0] =	sbarrier.arrive $0xFFFF  }
0x1bb: {  	_ =	strace $0x90000047  }
0x1bc: {  	s0 =	stileid.u32;
	[bflag:$0x2] =	sbarrier.arrive $0xFFFF  }
0x1bd: {  	p0 =	sne.s32 s0, $0x0;
	s0 =	rddreg [dreg:$0x2]  }
0x1be: {  	s0 =	sadd.s32 @!p0 $0x100000, s0  }
0x1bf: {  	[sflag:s0] =	ssyncadd.tile.s32 @!p0 $0x1;
	_ =	shalt  }
.Lfunc_end2:
_tile_overlayer_lowered:
.L_overlay_start_2:
0x1c0: {  	(tag) =	ssettag $0x2  }
0x1c1: {  	s0 =	rddreg [dreg:$0x0];
	s2 =	stileid.u32  }
0x1c2: {  	s1 =	rddreg [dreg:$0x1];
	p0 =	sne.s32 s2, $0x0  }
0x1c3: {  	s3 =	rddreg [dreg:$0x2];
	[bflag:$0x3] =	sbarrier.arrive $0xFFFF;
	s2 =	simm.s32 @!p0 $0x1C05  }
0x1c4: {  	[timem:s3], [sflag:s2] =	dma.local @!p0 [hbm:s0], s1  }
0x1c5: {  	s0 =	simm.s32 @!p0 $0x5  }
0x1c6: {  	_ =	swait.ge @!p0 [sflag:s0], s1  }
0x1c7: {  	s1 =	ssub.s32 @!p0 $0x0, s1;
	[sflag:s0] =	ssyncset.done @!p0 $0x0  }
0x1c8: {  	[sflag:s0] =	ssyncadd.s32 @!p0 s1  }
0x1c9: {  	[bflag:$0x3] =	sbarrier.arrive $0xFFFF  }
0x1ca: {  	_ =	shalt  }

</sc_bundles>
